<compile_context>
chip_gen: v7x
topology: tpu7x:2x2x1
jax: 0.10.2.dev20260603
libtpu: 0.0.44.dev20260713+nightly
codegen_flags: <defaults>
</compile_context>

<pallas_src>
import functools
import jax
import jax.numpy as jnp
from jax import lax
from jax.experimental import pallas as pl
from jax.experimental.pallas import tpu as pltpu, tpu_sc as plsc

_NW = 32
_L = 16


def _sc_body(pred_hbm, gcc_hbm, dg_hbm, ft_hbm, fs_hbm, lc_hbm, mk_hbm,
             part_hbm,
             ft_v, fs_v, lc_v, mk_v, alr_v, bin_v, stg_v, sem):
    B = 1024
    N_J = fs_hbm.shape[0]
    jpw = N_J // _NW
    wid = lax.axis_index("s") * 2 + lax.axis_index("c")
    base = wid * jpw

    pltpu.sync_copy(ft_hbm, ft_v)
    pltpu.sync_copy(fs_hbm.at[pl.ds(base, jpw)], fs_v)
    pltpu.sync_copy(lc_hbm.at[pl.ds(base, jpw)], lc_v)
    pltpu.sync_copy(mk_hbm.at[pl.ds(base, jpw)], mk_v)

    def pre(g, _):
        fs = fs_v[pl.ds(g * _L, _L)]
        lc = lc_v[pl.ds(g * _L, _L)]
        mk = mk_v[pl.ds(g * _L, _L)]
        alr_v[pl.ds(g * _L, _L)] = jnp.where(mk != 0.0, lc / fs, 0.0)
        bin_v[pl.ds(g * _L, _L)] = jnp.clip(
            (fs * 32.0).astype(jnp.int32), 0, 31)
        return 0
    lax.fori_loop(0, jpw // _L, pre, 0)

    def per_group(g, carry):
        gacc, linv, nmv = carry
        bin_g = bin_v[pl.ds(g * _L, _L)]
        alr_g = alr_v[pl.ds(g * _L, _L)]
        mk_g = mk_v[pl.ds(g * _L, _L)]
        for l in range(_L):
            k = bin_g[l]
            a_s = jnp.full((_L,), alr_g[l])
            m_s = jnp.full((_L,), mk_g[l])
            kb = k * B

            def inner(c, carry2):
                acc, dacc = carry2
                t = a_s - ft_v[pl.ds(kb + c * _L, _L)]
                return acc + jnp.abs(t), dacc + t
            acc, dacc = lax.fori_loop(
                0, B // _L, inner,
                (jnp.zeros((_L,), jnp.float32),
                 jnp.zeros((_L,), jnp.float32)), unroll=8)
            gacc = gacc + m_s * acc
            linv = linv + m_s * dacc
            nmv = nmv + m_s
        return gacc, linv, nmv

    z = jnp.zeros((_L,), jnp.float32)
    gacc, linv, nmv = lax.fori_loop(0, jpw // _L, per_group, (z, z, z))

    brv = jnp.zeros((_L,), jnp.float32)

    @pl.when(wid == 0)
    def _():
        pltpu.sync_copy(pred_hbm, ft_v.at[pl.ds(0, 1024)])
        pltpu.sync_copy(gcc_hbm, ft_v.at[pl.ds(1024, 1024)])
        pltpu.sync_copy(dg_hbm, ft_v.at[pl.ds(2048, 1024)])

        def br_loop(c, acc):
            p = ft_v[pl.ds(c * _L, _L)]
            g = ft_v[pl.ds(1024 + c * _L, _L)]
            w = ft_v[pl.ds(2048 + c * _L, _L)]
            d = p - g
            pos = jnp.maximum(d, 0.0)
            neg = jnp.maximum(-d, 0.0)
            return acc + pos * pos * w + neg * neg * (1.0 - w)
        bv = lax.fori_loop(0, 1024 // _L, br_loop,
                           jnp.zeros((_L,), jnp.float32))
        stg_v[pl.ds(48, _L)] = bv * (1.0 / 1024.0)

    @pl.when(wid != 0)
    def _():
        stg_v[pl.ds(48, _L)] = brv

    stg_v[pl.ds(0, _L)] = gacc
    stg_v[pl.ds(16, _L)] = linv
    stg_v[pl.ds(32, _L)] = nmv
    z16 = jnp.zeros((_L,), jnp.float32)
    stg_v[pl.ds(64, _L)] = z16
    stg_v[pl.ds(80, _L)] = z16
    stg_v[pl.ds(96, _L)] = z16
    stg_v[pl.ds(112, _L)] = z16
    pltpu.sync_copy(stg_v, part_hbm.at[wid])


def _sc_loss(pred, gcc, dg, ft_flat, fs, lc, mk, interpret=False):
    B = 1024
    n_j = fs.shape[0]
    jpw = n_j // _NW
    mesh = plsc.VectorSubcoreMesh(core_axis_name="c", subcore_axis_name="s")
    kfn = functools.partial(
        pl.kernel, mesh=mesh, interpret=interpret,
        out_type=jax.ShapeDtypeStruct((_NW, 128), jnp.float32),
        scratch_types=[
            pltpu.VMEM((32 * B,), jnp.float32),
            pltpu.VMEM((jpw,), jnp.float32),
            pltpu.VMEM((jpw,), jnp.float32),
            pltpu.VMEM((jpw,), jnp.float32),
            pltpu.VMEM((jpw,), jnp.float32),
            pltpu.VMEM((jpw,), jnp.int32),
            pltpu.VMEM((128,), jnp.float32),
            pltpu.SemaphoreType.DMA,
        ],
    )
    return kfn(_sc_body)(pred, gcc, dg, ft_flat, fs, lc, mk)


def kernel(pred_bitrate, gcc_bitrate, fec_table, frame_samples, loss_flags,
           loss_counts, delay_gradient, fec_bins):
    del fec_bins
    ft_flat = fec_table.T.reshape(-1)
    parts = _sc_loss(pred_bitrate, gcc_bitrate, delay_gradient, ft_flat,
                     frame_samples.reshape(-1),
                     loss_counts.reshape(-1),
                     (loss_flags.reshape(-1) != 0).astype(jnp.float32))
    abs_tot = jnp.sum(parts[:, 0:16])
    lin_tot = jnp.sum(parts[:, 16:32])
    nm = jnp.sum(parts[:, 32:48]) * (1.0 / _L)
    br = jnp.sum(parts[:, 48:64])
    return br + (lin_tot + 2.0 * abs_tot) / jnp.maximum(nm, 1.0)

# --- scband reference (transcript-rebuilt; emitter-appended) ---
"""Pipeline reference for scband-offlearning-loss-60095182405893 (READ-ONLY COPY).

The authoritative reference and input builder live on the scoring server;
editing this copy changes nothing except your own understanding.
"""

import jax, jax.numpy as jnp
import numpy as np


def setup_inputs(seed: int = 0):
    key = jax.random.key(seed)
    ks = jax.random.split(key, 7)
    B, N, NBINS = 1024, 20, 32
    pred_bitrate = jax.random.normal(ks[0], (B,), dtype=jnp.float32)
    gcc_bitrate = jax.random.normal(ks[1], (B,), dtype=jnp.float32)
    fec_table = jax.random.uniform(ks[2], (B, NBINS), dtype=jnp.float32)
    frame_samples = jax.random.uniform(ks[3], (B, N), dtype=jnp.float32)
    loss_flags = jax.random.randint(ks[4], (B, N), 0, 2, dtype=jnp.int32)
    loss_counts = jax.random.uniform(ks[5], (B, N), dtype=jnp.float32)
    delay_gradient = jax.random.uniform(ks[6], (B,), dtype=jnp.float32)
    fec_bins = jnp.linspace(1.0 / 32.0, 31.0 / 32.0, 31, dtype=jnp.float32)
    return {"pred_bitrate": pred_bitrate, "gcc_bitrate": gcc_bitrate, "fec_table": fec_table, "frame_samples": frame_samples, "loss_flags": loss_flags, "loss_counts": loss_counts, "delay_gradient": delay_gradient, "fec_bins": fec_bins}


def reference(pred_bitrate, gcc_bitrate, fec_table, frame_samples, loss_flags, loss_counts, delay_gradient, fec_bins):
    bitrate_diff = pred_bitrate - gcc_bitrate
    positive_diff = jnp.maximum(bitrate_diff, 0.0)
    negative_diff = jnp.maximum(-bitrate_diff, 0.0)
    over_weight = delay_gradient
    under_weight = 1.0 - delay_gradient
    bitrate_loss = jnp.mean(positive_diff ** 2 * over_weight + negative_diff ** 2 * under_weight)
    mask = loss_flags.astype(bool).reshape(-1)
    maskf = mask.astype(jnp.float32)
    frame_sizes = frame_samples.reshape(-1).astype(jnp.float32)
    lc = loss_counts.reshape(-1).astype(jnp.float32)
    actual_loss_rate = jnp.where(mask, lc / frame_sizes, 0.0)
    # torch.bucketize(..., right=True) == searchsorted side='right'
    bin_indices = jnp.searchsorted(fec_bins, frame_sizes, side='right')
    batch_indices = jnp.arange(fec_table.shape[0])[:, None]
    predicted_fec = fec_table[batch_indices, bin_indices]  # (B, B*N) via broadcast, as in torch
    alr = jnp.broadcast_to(actual_loss_rate[None, :], predicted_fec.shape)
    under_protect = alr > predicted_fec
    col_weight = maskf[None, :]
    loss_under = jnp.sum(jnp.where(under_protect, alr - predicted_fec, 0.0) * col_weight) * 3.0
    loss_over = jnp.sum(jnp.where(~under_protect, predicted_fec - alr, 0.0) * col_weight)
    denom = jnp.maximum(jnp.sum(maskf), 1.0)
    fec_loss = (loss_under + loss_over) / denom
    return bitrate_loss + fec_loss

if __name__ == "__main__":
    import jax
    _d = setup_inputs()
    print(jax.jit(kernel)(*tuple(_d.values())))

</pallas_src>

<mosaic_0001>
#map = affine_map<(d0, d1) -> (0)>
#map1 = affine_map<(d0, d1) -> (0, 0)>
module attributes {stable_mosaic.version = 14 : i64} {
  func.func @_sc_body(%arg0: i32, %arg1: i32, %arg2: memref<1024xf32, #tpu.memory_space<hbm>>, %arg3: memref<1024xf32, #tpu.memory_space<hbm>>, %arg4: memref<1024xf32, #tpu.memory_space<hbm>>, %arg5: memref<32768xf32, #tpu.memory_space<hbm>>, %arg6: memref<20480xf32, #tpu.memory_space<hbm>>, %arg7: memref<20480xf32, #tpu.memory_space<hbm>>, %arg8: memref<20480xf32, #tpu.memory_space<hbm>>, %arg9: memref<32x128xf32, #tpu.memory_space<hbm>>, %arg10: memref<32768xf32, #tpu.memory_space<vmem>>, %arg11: memref<640xf32, #tpu.memory_space<vmem>>, %arg12: memref<640xf32, #tpu.memory_space<vmem>>, %arg13: memref<640xf32, #tpu.memory_space<vmem>>, %arg14: memref<640xf32, #tpu.memory_space<vmem>>, %arg15: memref<640xi32, #tpu.memory_space<vmem>>, %arg16: memref<128xf32, #tpu.memory_space<vmem>>, %arg17: memref<!tpu.dma_semaphore, #tpu.memory_space<semaphore_mem>>) attributes {dimension_semantics = [#tpu.dimension_semantics<core_parallel>, #tpu.dimension_semantics<subcore_parallel>], iteration_bounds = array<i64: 2, 16>, scalar_prefetch = 0 : i64, scratch_operands = 8 : i64, tpu.core_type = #tpu.core_type<sc_vector_subcore>, window_params = [{transform_indices = #map}, {transform_indices = #map}, {transform_indices = #map}, {transform_indices = #map}, {transform_indices = #map}, {transform_indices = #map}, {transform_indices = #map}, {transform_indices = #map1}]} {
    %mul3A = arith.constant 2 : i32
    %mul3A_0 = arith.muli %arg1, %mul3A : i32
    %add3A = arith.addi %mul3A_0, %arg0 : i32
    %mul3A_1 = arith.constant 640 : i32
    %mul3A_2 = arith.muli %add3A, %mul3A_1 : i32
    "tpu.region"() ({
      %run_scoped3A = tpu.sem_alloc : memref<!tpu.dma_semaphore, #tpu.memory_space<semaphore_mem>>
      tpu.enqueue_dma source(%arg5 : memref<32768xf32, #tpu.memory_space<hbm>>) target(%arg10 : memref<32768xf32, #tpu.memory_space<vmem>>) target_semaphore(%run_scoped3A : memref<!tpu.dma_semaphore, #tpu.memory_space<semaphore_mem>>)
      tpu.wait_dma2 semaphore(%run_scoped3A : memref<!tpu.dma_semaphore, #tpu.memory_space<semaphore_mem>>) src(%arg5 : memref<32768xf32, #tpu.memory_space<hbm>>) dst(%arg10 : memref<32768xf32, #tpu.memory_space<vmem>>)
      tpu.yield
    }) : () -> ()
    "tpu.region"() ({
      %run_scoped3A = tpu.sem_alloc : memref<!tpu.dma_semaphore, #tpu.memory_space<semaphore_mem>>
      %dma_start3A = tpu.memref_slice %arg6[%mul3A_2] : memref<20480xf32, #tpu.memory_space<hbm>> -> memref<640xf32, #tpu.memory_space<hbm>>
      %dma_start3A_53 = tpu.memref_slice %arg6[%mul3A_2] : memref<20480xf32, #tpu.memory_space<hbm>> -> memref<640xf32, #tpu.memory_space<hbm>>
      tpu.enqueue_dma source(%dma_start3A_53 : memref<640xf32, #tpu.memory_space<hbm>>) target(%arg11 : memref<640xf32, #tpu.memory_space<vmem>>) target_semaphore(%run_scoped3A : memref<!tpu.dma_semaphore, #tpu.memory_space<semaphore_mem>>)
      %dma_wait3A = tpu.memref_slice %arg6[%mul3A_2] : memref<20480xf32, #tpu.memory_space<hbm>> -> memref<640xf32, #tpu.memory_space<hbm>>
      %dma_wait3A_54 = tpu.memref_slice %arg6[%mul3A_2] : memref<20480xf32, #tpu.memory_space<hbm>> -> memref<640xf32, #tpu.memory_space<hbm>>
      tpu.wait_dma2 semaphore(%run_scoped3A : memref<!tpu.dma_semaphore, #tpu.memory_space<semaphore_mem>>) src(%dma_wait3A_54 : memref<640xf32, #tpu.memory_space<hbm>>) dst(%arg11 : memref<640xf32, #tpu.memory_space<vmem>>)
      tpu.yield
    }) : () -> ()
    "tpu.region"() ({
      %run_scoped3A = tpu.sem_alloc : memref<!tpu.dma_semaphore, #tpu.memory_space<semaphore_mem>>
      %dma_start3A = tpu.memref_slice %arg7[%mul3A_2] : memref<20480xf32, #tpu.memory_space<hbm>> -> memref<640xf32, #tpu.memory_space<hbm>>
      %dma_start3A_53 = tpu.memref_slice %arg7[%mul3A_2] : memref<20480xf32, #tpu.memory_space<hbm>> -> memref<640xf32, #tpu.memory_space<hbm>>
      tpu.enqueue_dma source(%dma_start3A_53 : memref<640xf32, #tpu.memory_space<hbm>>) target(%arg12 : memref<640xf32, #tpu.memory_space<vmem>>) target_semaphore(%run_scoped3A : memref<!tpu.dma_semaphore, #tpu.memory_space<semaphore_mem>>)
      %dma_wait3A = tpu.memref_slice %arg7[%mul3A_2] : memref<20480xf32, #tpu.memory_space<hbm>> -> memref<640xf32, #tpu.memory_space<hbm>>
      %dma_wait3A_54 = tpu.memref_slice %arg7[%mul3A_2] : memref<20480xf32, #tpu.memory_space<hbm>> -> memref<640xf32, #tpu.memory_space<hbm>>
      tpu.wait_dma2 semaphore(%run_scoped3A : memref<!tpu.dma_semaphore, #tpu.memory_space<semaphore_mem>>) src(%dma_wait3A_54 : memref<640xf32, #tpu.memory_space<hbm>>) dst(%arg12 : memref<640xf32, #tpu.memory_space<vmem>>)
      tpu.yield
    }) : () -> ()
    "tpu.region"() ({
      %run_scoped3A = tpu.sem_alloc : memref<!tpu.dma_semaphore, #tpu.memory_space<semaphore_mem>>
      %dma_start3A = tpu.memref_slice %arg8[%mul3A_2] : memref<20480xf32, #tpu.memory_space<hbm>> -> memref<640xf32, #tpu.memory_space<hbm>>
      %dma_start3A_53 = tpu.memref_slice %arg8[%mul3A_2] : memref<20480xf32, #tpu.memory_space<hbm>> -> memref<640xf32, #tpu.memory_space<hbm>>
      tpu.enqueue_dma source(%dma_start3A_53 : memref<640xf32, #tpu.memory_space<hbm>>) target(%arg13 : memref<640xf32, #tpu.memory_space<vmem>>) target_semaphore(%run_scoped3A : memref<!tpu.dma_semaphore, #tpu.memory_space<semaphore_mem>>)
      %dma_wait3A = tpu.memref_slice %arg8[%mul3A_2] : memref<20480xf32, #tpu.memory_space<hbm>> -> memref<640xf32, #tpu.memory_space<hbm>>
      %dma_wait3A_54 = tpu.memref_slice %arg8[%mul3A_2] : memref<20480xf32, #tpu.memory_space<hbm>> -> memref<640xf32, #tpu.memory_space<hbm>>
      tpu.wait_dma2 semaphore(%run_scoped3A : memref<!tpu.dma_semaphore, #tpu.memory_space<semaphore_mem>>) src(%dma_wait3A_54 : memref<640xf32, #tpu.memory_space<hbm>>) dst(%arg13 : memref<640xf32, #tpu.memory_space<vmem>>)
      tpu.yield
    }) : () -> ()
    %scan3A = arith.constant 0 : i32
    %scan3A_3 = arith.constant 0 : i32
    %scan3A_4 = arith.constant 40 : i32
    %scan3A_5 = arith.addi %scan3A_3, %scan3A_4 : i32
    %scan3A_6 = arith.constant 1 : i32
    %scan3A_7 = scf.for %scan3A_53 = %scan3A_3 to %scan3A_5 step %scan3A_6 iter_args(%scan3A_54 = %scan3A) -> (i32)  : i32 {
      %mul3A_55 = arith.constant 16 : i32
      %mul3A_56 = arith.muli %scan3A_53, %mul3A_55 : i32
      %get3A = arith.index_cast %mul3A_56 : i32 to index
      %get3A_57 = tpu.vector_load %arg11[%get3A] {strides = array<i32>} : memref<640xf32, #tpu.memory_space<vmem>>, vector<16xf32>,
      %get3A_58 = vector.shape_cast %get3A_57 : vector<16xf32> to vector<16xf32>
      %mul3A_59 = arith.constant 16 : i32
      %mul3A_60 = arith.muli %scan3A_53, %mul3A_59 : i32
      %get3A_61 = arith.index_cast %mul3A_60 : i32 to index
      %get3A_62 = tpu.vector_load %arg12[%get3A_61] {strides = array<i32>} : memref<640xf32, #tpu.memory_space<vmem>>, vector<16xf32>,
      %get3A_63 = vector.shape_cast %get3A_62 : vector<16xf32> to vector<16xf32>
      %mul3A_64 = arith.constant 16 : i32
      %mul3A_65 = arith.muli %scan3A_53, %mul3A_64 : i32
      %get3A_66 = arith.index_cast %mul3A_65 : i32 to index
      %get3A_67 = tpu.vector_load %arg13[%get3A_66] {strides = array<i32>} : memref<640xf32, #tpu.memory_space<vmem>>, vector<16xf32>,
      %get3A_68 = vector.shape_cast %get3A_67 : vector<16xf32> to vector<16xf32>
      %ne3A_69 = arith.constant 0.000000e+00 : f32
      %ne3A_70 = vector.broadcast %ne3A_69 : f32 to vector<16xf32>
      %ne3A_71 = arith.cmpf one, %get3A_68, %ne3A_70 : vector<16xf32>
      %div3A = arith.divf %get3A_63, %get3A_58 : vector<16xf32>
      %jit3A = arith.constant 0.000000e+00 : f32
      %broadcast_in_dim3A_72 = vector.broadcast %jit3A : f32 to vector<16xf32>
      %select_n3A = arith.select %ne3A_71, %div3A, %broadcast_in_dim3A_72 : vector<16xi1>, vector<16xf32>
      %mul3A_73 = arith.constant 16 : i32
      %mul3A_74 = arith.muli %scan3A_53, %mul3A_73 : i32
      %swap3A_75 = arith.index_cast %mul3A_74 : i32 to index
      %swap3A_76 = tpu.vector_load %arg14[%swap3A_75] {strides = array<i32>} : memref<640xf32, #tpu.memory_space<vmem>>, vector<16xf32>,
      %swap3A_77 = vector.shape_cast %swap3A_76 : vector<16xf32> to vector<16xf32>
      %swap3A_78 = vector.shape_cast %select_n3A : vector<16xf32> to vector<16xf32>
      tpu.vector_store %arg14[%swap3A_75], %swap3A_78 {strides = array<i32>} : memref<640xf32, #tpu.memory_space<vmem>>, vector<16xf32>,
      %mul3A_79 = arith.constant 3.200000e+01 : f32
      %mul3A_80 = vector.broadcast %mul3A_79 : f32 to vector<16xf32>
      %mul3A_81 = arith.mulf %get3A_58, %mul3A_80 : vector<16xf32>
      %convert_element_type3A_82 = arith.fptosi %mul3A_81 : vector<16xf32> to vector<16xi32>
      %jit3A_83 = arith.constant 0 : i32
      %jit3A_84 = arith.constant 31 : i32
      %max3A = vector.broadcast %jit3A_83 : i32 to vector<16xi32>
      %max3A_85 = arith.maxsi %max3A, %convert_element_type3A_82 : vector<16xi32>
      %min3A = vector.broadcast %jit3A_84 : i32 to vector<16xi32>
      %min3A_86 = arith.minsi %min3A, %max3A_85 : vector<16xi32>
      %mul3A_87 = arith.constant 16 : i32
      %mul3A_88 = arith.muli %scan3A_53, %mul3A_87 : i32
      %swap3A_89 = arith.index_cast %mul3A_88 : i32 to index
      %swap3A_90 = tpu.vector_load %arg15[%swap3A_89] {strides = array<i32>} : memref<640xi32, #tpu.memory_space<vmem>>, vector<16xi32>,
      %swap3A_91 = vector.shape_cast %swap3A_90 : vector<16xi32> to vector<16xi32>
      %swap3A_92 = vector.shape_cast %min3A_86 : vector<16xi32> to vector<16xi32>
      tpu.vector_store %arg15[%swap3A_89], %swap3A_92 {strides = array<i32>} : memref<640xi32, #tpu.memory_space<vmem>>, vector<16xi32>,
      %scan3A_93 = arith.constant 0 : i32
      scf.yield %scan3A_93 : i32
    }
    %scan3A_8 = arith.constant 40 : i32
    %broadcast_in_dim3A = arith.constant 0.000000e+00 : f32
    %broadcast_in_dim3A_9 = vector.broadcast %broadcast_in_dim3A : f32 to vector<16xf32>
    %scan3A_10 = arith.constant 0 : i32
    %scan3A_11 = arith.constant 40 : i32
    %scan3A_12 = arith.addi %scan3A_10, %scan3A_11 : i32
    %scan3A_13 = arith.constant 1 : i32
    %scan3A_14:3 = scf.for %scan3A_53 = %scan3A_10 to %scan3A_12 step %scan3A_13 iter_args(%scan3A_54 = %broadcast_in_dim3A_9, %scan3A_55 = %broadcast_in_dim3A_9, %scan3A_56 = %broadcast_in_dim3A_9) -> (vector<16xf32>, vector<16xf32>, vector<16xf32>)  : i32 {
      %mul3A_57 = arith.constant 16 : i32
      %mul3A_58 = arith.muli %scan3A_53, %mul3A_57 : i32
      %get3A = arith.index_cast %mul3A_58 : i32 to index
      %get3A_59 = tpu.vector_load %arg15[%get3A] {strides = array<i32>} : memref<640xi32, #tpu.memory_space<vmem>>, vector<16xi32>,
      %get3A_60 = vector.shape_cast %get3A_59 : vector<16xi32> to vector<16xi32>
      %mul3A_61 = arith.constant 16 : i32
      %mul3A_62 = arith.muli %scan3A_53, %mul3A_61 : i32
      %get3A_63 = arith.index_cast %mul3A_62 : i32 to index
      %get3A_64 = tpu.vector_load %arg14[%get3A_63] {strides = array<i32>} : memref<640xf32, #tpu.memory_space<vmem>>, vector<16xf32>,
      %get3A_65 = vector.shape_cast %get3A_64 : vector<16xf32> to vector<16xf32>
      %mul3A_66 = arith.constant 16 : i32
      %mul3A_67 = arith.muli %scan3A_53, %mul3A_66 : i32
      %get3A_68 = arith.index_cast %mul3A_67 : i32 to index
      %get3A_69 = tpu.vector_load %arg13[%get3A_68] {strides = array<i32>} : memref<640xf32, #tpu.memory_space<vmem>>, vector<16xf32>,
      %get3A_70 = vector.shape_cast %get3A_69 : vector<16xf32> to vector<16xf32>
      %slice3A = vector.extract_strided_slice %get3A_60 {offsets = [0], sizes = [1], strides = [1]} : vector<16xi32> to vector<1xi32>
      %squeeze3A = vector.extract %slice3A[0] : i32 from vector<1xi32>
      %slice3A_71 = vector.extract_strided_slice %get3A_65 {offsets = [0], sizes = [1], strides = [1]} : vector<16xf32> to vector<1xf32>
      %squeeze3A_72 = vector.extract %slice3A_71[0] : f32 from vector<1xf32>
      %broadcast_in_dim3A_73 = vector.broadcast %squeeze3A_72 : f32 to vector<16xf32>
      %slice3A_74 = vector.extract_strided_slice %get3A_70 {offsets = [0], sizes = [1], strides = [1]} : vector<16xf32> to vector<1xf32>
      %squeeze3A_75 = vector.extract %slice3A_74[0] : f32 from vector<1xf32>
      %broadcast_in_dim3A_76 = vector.broadcast %squeeze3A_75 : f32 to vector<16xf32>
      %mul3A_77 = arith.constant 1024 : i32
      %mul3A_78 = arith.muli %squeeze3A, %mul3A_77 : i32
      %broadcast_in_dim3A_79 = arith.constant 0.000000e+00 : f32
      %broadcast_in_dim3A_80 = vector.broadcast %broadcast_in_dim3A_79 : f32 to vector<16xf32>
      %broadcast_in_dim3A_81 = arith.constant 0.000000e+00 : f32
      %broadcast_in_dim3A_82 = vector.broadcast %broadcast_in_dim3A_81 : f32 to vector<16xf32>
      %scan3A_83 = arith.constant 0 : i32
      %scan3A_84 = arith.constant 64 : i32
      %scan3A_85 = arith.addi %scan3A_83, %scan3A_84 : i32
      %scan3A_86 = arith.constant 8 : i32
      %scan3A_87:2 = scf.for %scan3A_469 = %scan3A_83 to %scan3A_85 step %scan3A_86 iter_args(%scan3A_470 = %broadcast_in_dim3A_80, %scan3A_471 = %broadcast_in_dim3A_82) -> (vector<16xf32>, vector<16xf32>)  : i32 {
        %mul3A_472 = arith.constant 16 : i32
        %mul3A_473 = arith.muli %scan3A_469, %mul3A_472 : i32
        %add3A_474 = arith.addi %mul3A_78, %mul3A_473 : i32
        %get3A_475 = arith.index_cast %add3A_474 : i32 to index
        %get3A_476 = tpu.vector_load %arg10[%get3A_475] {strides = array<i32>} : memref<32768xf32, #tpu.memory_space<vmem>>, vector<16xf32>,
        %get3A_477 = vector.shape_cast %get3A_476 : vector<16xf32> to vector<16xf32>
        %sub3A = arith.subf %broadcast_in_dim3A_73, %get3A_477 : vector<16xf32>
        %abs3A = math.absf %sub3A : vector<16xf32>
        %add3A_478 = arith.addf %scan3A_470, %abs3A : vector<16xf32>
        %add3A_479 = arith.addf %scan3A_471, %sub3A : vector<16xf32>
        %scan3A_480 = arith.constant 1 : i32
        %scan3A_481 = arith.addi %scan3A_469, %scan3A_480 : i32
        %mul3A_482 = arith.constant 16 : i32
        %mul3A_483 = arith.muli %scan3A_481, %mul3A_482 : i32
        %add3A_484 = arith.addi %mul3A_78, %mul3A_483 : i32
        %get3A_485 = arith.index_cast %add3A_484 : i32 to index
        %get3A_486 = tpu.vector_load %arg10[%get3A_485] {strides = array<i32>} : memref<32768xf32, #tpu.memory_space<vmem>>, vector<16xf32>,
        %get3A_487 = vector.shape_cast %get3A_486 : vector<16xf32> to vector<16xf32>
        %sub3A_488 = arith.subf %broadcast_in_dim3A_73, %get3A_487 : vector<16xf32>
        %abs3A_489 = math.absf %sub3A_488 : vector<16xf32>
        %add3A_490 = arith.addf %add3A_478, %abs3A_489 : vector<16xf32>
        %add3A_491 = arith.addf %add3A_479, %sub3A_488 : vector<16xf32>
        %scan3A_492 = arith.constant 2 : i32
        %scan3A_493 = arith.addi %scan3A_469, %scan3A_492 : i32
        %mul3A_494 = arith.constant 16 : i32
        %mul3A_495 = arith.muli %scan3A_493, %mul3A_494 : i32
        %add3A_496 = arith.addi %mul3A_78, %mul3A_495 : i32
        %get3A_497 = arith.index_cast %add3A_496 : i32 to index
        %get3A_498 = tpu.vector_load %arg10[%get3A_497] {strides = array<i32>} : memref<32768xf32, #tpu.memory_space<vmem>>, vector<16xf32>,
        %get3A_499 = vector.shape_cast %get3A_498 : vector<16xf32> to vector<16xf32>
        %sub3A_500 = arith.subf %broadcast_in_dim3A_73, %get3A_499 : vector<16xf32>
        %abs3A_501 = math.absf %sub3A_500 : vector<16xf32>
        %add3A_502 = arith.addf %add3A_490, %abs3A_501 : vector<16xf32>
        %add3A_503 = arith.addf %add3A_491, %sub3A_500 : vector<16xf32>
        %scan3A_504 = arith.constant 3 : i32
        %scan3A_505 = arith.addi %scan3A_469, %scan3A_504 : i32
        %mul3A_506 = arith.constant 16 : i32
        %mul3A_507 = arith.muli %scan3A_505, %mul3A_506 : i32
        %add3A_508 = arith.addi %mul3A_78, %mul3A_507 : i32
        %get3A_509 = arith.index_cast %add3A_508 : i32 to index
        %get3A_510 = tpu.vector_load %arg10[%get3A_509] {strides = array<i32>} : memref<32768xf32, #tpu.memory_space<vmem>>, vector<16xf32>,
        %get3A_511 = vector.shape_cast %get3A_510 : vector<16xf32> to vector<16xf32>
        %sub3A_512 = arith.subf %broadcast_in_dim3A_73, %get3A_511 : vector<16xf32>
        %abs3A_513 = math.absf %sub3A_512 : vector<16xf32>
        %add3A_514 = arith.addf %add3A_502, %abs3A_513 : vector<16xf32>
        %add3A_515 = arith.addf %add3A_503, %sub3A_512 : vector<16xf32>
        %scan3A_516 = arith.constant 4 : i32
        %scan3A_517 = arith.addi %scan3A_469, %scan3A_516 : i32
        %mul3A_518 = arith.constant 16 : i32
        %mul3A_519 = arith.muli %scan3A_517, %mul3A_518 : i32
        %add3A_520 = arith.addi %mul3A_78, %mul3A_519 : i32
        %get3A_521 = arith.index_cast %add3A_520 : i32 to index
        %get3A_522 = tpu.vector_load %arg10[%get3A_521] {strides = array<i32>} : memref<32768xf32, #tpu.memory_space<vmem>>, vector<16xf32>,
        %get3A_523 = vector.shape_cast %get3A_522 : vector<16xf32> to vector<16xf32>
        %sub3A_524 = arith.subf %broadcast_in_dim3A_73, %get3A_523 : vector<16xf32>
        %abs3A_525 = math.absf %sub3A_524 : vector<16xf32>
        %add3A_526 = arith.addf %add3A_514, %abs3A_525 : vector<16xf32>
        %add3A_527 = arith.addf %add3A_515, %sub3A_524 : vector<16xf32>
        %scan3A_528 = arith.constant 5 : i32
        %scan3A_529 = arith.addi %scan3A_469, %scan3A_528 : i32
        %mul3A_530 = arith.constant 16 : i32
        %mul3A_531 = arith.muli %scan3A_529, %mul3A_530 : i32
        %add3A_532 = arith.addi %mul3A_78, %mul3A_531 : i32
        %get3A_533 = arith.index_cast %add3A_532 : i32 to index
        %get3A_534 = tpu.vector_load %arg10[%get3A_533] {strides = array<i32>} : memref<32768xf32, #tpu.memory_space<vmem>>, vector<16xf32>,
        %get3A_535 = vector.shape_cast %get3A_534 : vector<16xf32> to vector<16xf32>
        %sub3A_536 = arith.subf %broadcast_in_dim3A_73, %get3A_535 : vector<16xf32>
        %abs3A_537 = math.absf %sub3A_536 : vector<16xf32>
        %add3A_538 = arith.addf %add3A_526, %abs3A_537 : vector<16xf32>
        %add3A_539 = arith.addf %add3A_527, %sub3A_536 : vector<16xf32>
        %scan3A_540 = arith.constant 6 : i32
        %scan3A_541 = arith.addi %scan3A_469, %scan3A_540 : i32
        %mul3A_542 = arith.constant 16 : i32
        %mul3A_543 = arith.muli %scan3A_541, %mul3A_542 : i32
        %add3A_544 = arith.addi %mul3A_78, %mul3A_543 : i32
        %get3A_545 = arith.index_cast %add3A_544 : i32 to index
        %get3A_546 = tpu.vector_load %arg10[%get3A_545] {strides = array<i32>} : memref<32768xf32, #tpu.memory_space<vmem>>, vector<16xf32>,
        %get3A_547 = vector.shape_cast %get3A_546 : vector<16xf32> to vector<16xf32>
        %sub3A_548 = arith.subf %broadcast_in_dim3A_73, %get3A_547 : vector<16xf32>
        %abs3A_549 = math.absf %sub3A_548 : vector<16xf32>
        %add3A_550 = arith.addf %add3A_538, %abs3A_549 : vector<16xf32>
        %add3A_551 = arith.addf %add3A_539, %sub3A_548 : vector<16xf32>
        %scan3A_552 = arith.constant 7 : i32
        %scan3A_553 = arith.addi %scan3A_469, %scan3A_552 : i32
        %mul3A_554 = arith.constant 16 : i32
        %mul3A_555 = arith.muli %scan3A_553, %mul3A_554 : i32
        %add3A_556 = arith.addi %mul3A_78, %mul3A_555 : i32
        %get3A_557 = arith.index_cast %add3A_556 : i32 to index
        %get3A_558 = tpu.vector_load %arg10[%get3A_557] {strides = array<i32>} : memref<32768xf32, #tpu.memory_space<vmem>>, vector<16xf32>,
        %get3A_559 = vector.shape_cast %get3A_558 : vector<16xf32> to vector<16xf32>
        %sub3A_560 = arith.subf %broadcast_in_dim3A_73, %get3A_559 : vector<16xf32>
        %abs3A_561 = math.absf %sub3A_560 : vector<16xf32>
        %add3A_562 = arith.addf %add3A_550, %abs3A_561 : vector<16xf32>
        %add3A_563 = arith.addf %add3A_551, %sub3A_560 : vector<16xf32>
        scf.yield %add3A_562, %add3A_563 : vector<16xf32>, vector<16xf32>
      }
      %scan3A_88 = arith.constant 64 : i32
      %mul3A_89 = arith.mulf %broadcast_in_dim3A_76, %scan3A_87#0 : vector<16xf32>
      %add3A_90 = arith.addf %scan3A_54, %mul3A_89 : vector<16xf32>
      %mul3A_91 = arith.mulf %broadcast_in_dim3A_76, %scan3A_87#1 : vector<16xf32>
      %add3A_92 = arith.addf %scan3A_55, %mul3A_91 : vector<16xf32>
      %add3A_93 = arith.addf %scan3A_56, %broadcast_in_dim3A_76 : vector<16xf32>
      %slice3A_94 = vector.extract_strided_slice %get3A_60 {offsets = [1], sizes = [1], strides = [1]} : vector<16xi32> to vector<1xi32>
      %squeeze3A_95 = vector.extract %slice3A_94[0] : i32 from vector<1xi32>
      %slice3A_96 = vector.extract_strided_slice %get3A_65 {offsets = [1], sizes = [1], strides = [1]} : vector<16xf32> to vector<1xf32>
      %squeeze3A_97 = vector.extract %slice3A_96[0] : f32 from vector<1xf32>
      %broadcast_in_dim3A_98 = vector.broadcast %squeeze3A_97 : f32 to vector<16xf32>
      %slice3A_99 = vector.extract_strided_slice %get3A_70 {offsets = [1], sizes = [1], strides = [1]} : vector<16xf32> to vector<1xf32>
      %squeeze3A_100 = vector.extract %slice3A_99[0] : f32 from vector<1xf32>
      %broadcast_in_dim3A_101 = vector.broadcast %squeeze3A_100 : f32 to vector<16xf32>
      %mul3A_102 = arith.constant 1024 : i32
      %mul3A_103 = arith.muli %squeeze3A_95, %mul3A_102 : i32
      %broadcast_in_dim3A_104 = arith.constant 0.000000e+00 : f32
      %broadcast_in_dim3A_105 = vector.broadcast %broadcast_in_dim3A_104 : f32 to vector<16xf32>
      %broadcast_in_dim3A_106 = arith.constant 0.000000e+00 : f32
      %broadcast_in_dim3A_107 = vector.broadcast %broadcast_in_dim3A_106 : f32 to vector<16xf32>
      %scan3A_108 = arith.constant 0 : i32
      %scan3A_109 = arith.constant 64 : i32
      %scan3A_110 = arith.addi %scan3A_108, %scan3A_109 : i32
      %scan3A_111 = arith.constant 8 : i32
      %scan3A_112:2 = scf.for %scan3A_469 = %scan3A_108 to %scan3A_110 step %scan3A_111 iter_args(%scan3A_470 = %broadcast_in_dim3A_105, %scan3A_471 = %broadcast_in_dim3A_107) -> (vector<16xf32>, vector<16xf32>)  : i32 {
        %mul3A_472 = arith.constant 16 : i32
        %mul3A_473 = arith.muli %scan3A_469, %mul3A_472 : i32
        %add3A_474 = arith.addi %mul3A_103, %mul3A_473 : i32
        %get3A_475 = arith.index_cast %add3A_474 : i32 to index
        %get3A_476 = tpu.vector_load %arg10[%get3A_475] {strides = array<i32>} : memref<32768xf32, #tpu.memory_space<vmem>>, vector<16xf32>,
        %get3A_477 = vector.shape_cast %get3A_476 : vector<16xf32> to vector<16xf32>
        %sub3A = arith.subf %broadcast_in_dim3A_98, %get3A_477 : vector<16xf32>
        %abs3A = math.absf %sub3A : vector<16xf32>
        %add3A_478 = arith.addf %scan3A_470, %abs3A : vector<16xf32>
        %add3A_479 = arith.addf %scan3A_471, %sub3A : vector<16xf32>
        %scan3A_480 = arith.constant 1 : i32
        %scan3A_481 = arith.addi %scan3A_469, %scan3A_480 : i32
        %mul3A_482 = arith.constant 16 : i32
        %mul3A_483 = arith.muli %scan3A_481, %mul3A_482 : i32
        %add3A_484 = arith.addi %mul3A_103, %mul3A_483 : i32
        %get3A_485 = arith.index_cast %add3A_484 : i32 to index
        %get3A_486 = tpu.vector_load %arg10[%get3A_485] {strides = array<i32>} : memref<32768xf32, #tpu.memory_space<vmem>>, vector<16xf32>,
        %get3A_487 = vector.shape_cast %get3A_486 : vector<16xf32> to vector<16xf32>
        %sub3A_488 = arith.subf %broadcast_in_dim3A_98, %get3A_487 : vector<16xf32>
        %abs3A_489 = math.absf %sub3A_488 : vector<16xf32>
        %add3A_490 = arith.addf %add3A_478, %abs3A_489 : vector<16xf32>
        %add3A_491 = arith.addf %add3A_479, %sub3A_488 : vector<16xf32>
        %scan3A_492 = arith.constant 2 : i32
        %scan3A_493 = arith.addi %scan3A_469, %scan3A_492 : i32
        %mul3A_494 = arith.constant 16 : i32
        %mul3A_495 = arith.muli %scan3A_493, %mul3A_494 : i32
        %add3A_496 = arith.addi %mul3A_103, %mul3A_495 : i32
        %get3A_497 = arith.index_cast %add3A_496 : i32 to index
        %get3A_498 = tpu.vector_load %arg10[%get3A_497] {strides = array<i32>} : memref<32768xf32, #tpu.memory_space<vmem>>, vector<16xf32>,
        %get3A_499 = vector.shape_cast %get3A_498 : vector<16xf32> to vector<16xf32>
        %sub3A_500 = arith.subf %broadcast_in_dim3A_98, %get3A_499 : vector<16xf32>
        %abs3A_501 = math.absf %sub3A_500 : vector<16xf32>
        %add3A_502 = arith.addf %add3A_490, %abs3A_501 : vector<16xf32>
        %add3A_503 = arith.addf %add3A_491, %sub3A_500 : vector<16xf32>
        %scan3A_504 = arith.constant 3 : i32
        %scan3A_505 = arith.addi %scan3A_469, %scan3A_504 : i32
        %mul3A_506 = arith.constant 16 : i32
        %mul3A_507 = arith.muli %scan3A_505, %mul3A_506 : i32
        %add3A_508 = arith.addi %mul3A_103, %mul3A_507 : i32
        %get3A_509 = arith.index_cast %add3A_508 : i32 to index
        %get3A_510 = tpu.vector_load %arg10[%get3A_509] {strides = array<i32>} : memref<32768xf32, #tpu.memory_space<vmem>>, vector<16xf32>,
        %get3A_511 = vector.shape_cast %get3A_510 : vector<16xf32> to vector<16xf32>
        %sub3A_512 = arith.subf %broadcast_in_dim3A_98, %get3A_511 : vector<16xf32>
        %abs3A_513 = math.absf %sub3A_512 : vector<16xf32>
        %add3A_514 = arith.addf %add3A_502, %abs3A_513 : vector<16xf32>
        %add3A_515 = arith.addf %add3A_503, %sub3A_512 : vector<16xf32>
        %scan3A_516 = arith.constant 4 : i32
        %scan3A_517 = arith.addi %scan3A_469, %scan3A_516 : i32
        %mul3A_518 = arith.constant 16 : i32
        %mul3A_519 = arith.muli %scan3A_517, %mul3A_518 : i32
        %add3A_520 = arith.addi %mul3A_103, %mul3A_519 : i32
        %get3A_521 = arith.index_cast %add3A_520 : i32 to index
        %get3A_522 = tpu.vector_load %arg10[%get3A_521] {strides = array<i32>} : memref<32768xf32, #tpu.memory_space<vmem>>, vector<16xf32>,
        %get3A_523 = vector.shape_cast %get3A_522 : vector<16xf32> to vector<16xf32>
        %sub3A_524 = arith.subf %broadcast_in_dim3A_98, %get3A_523 : vector<16xf32>
        %abs3A_525 = math.absf %sub3A_524 : vector<16xf32>
        %add3A_526 = arith.addf %add3A_514, %abs3A_525 : vector<16xf32>
        %add3A_527 = arith.addf %add3A_515, %sub3A_524 : vector<16xf32>
        %scan3A_528 = arith.constant 5 : i32
        %scan3A_529 = arith.addi %scan3A_469, %scan3A_528 : i32
        %mul3A_530 = arith.constant 16 : i32
        %mul3A_531 = arith.muli %scan3A_529, %mul3A_530 : i32
        %add3A_532 = arith.addi %mul3A_103, %mul3A_531 : i32
        %get3A_533 = arith.index_cast %add3A_532 : i32 to index
        %get3A_534 = tpu.vector_load %arg10[%get3A_533] {strides = array<i32>} : memref<32768xf32, #tpu.memory_space<vmem>>, vector<16xf32>,
        %get3A_535 = vector.shape_cast %get3A_534 : vector<16xf32> to vector<16xf32>
        %sub3A_536 = arith.subf %broadcast_in_dim3A_98, %get3A_535 : vector<16xf32>
        %abs3A_537 = math.absf %sub3A_536 : vector<16xf32>
        %add3A_538 = arith.addf %add3A_526, %abs3A_537 : vector<16xf32>
        %add3A_539 = arith.addf %add3A_527, %sub3A_536 : vector<16xf32>
        %scan3A_540 = arith.constant 6 : i32
        %scan3A_541 = arith.addi %scan3A_469, %scan3A_540 : i32
        %mul3A_542 = arith.constant 16 : i32
        %mul3A_543 = arith.muli %scan3A_541, %mul3A_542 : i32
        %add3A_544 = arith.addi %mul3A_103, %mul3A_543 : i32
        %get3A_545 = arith.index_cast %add3A_544 : i32 to index
        %get3A_546 = tpu.vector_load %arg10[%get3A_545] {strides = array<i32>} : memref<32768xf32, #tpu.memory_space<vmem>>, vector<16xf32>,
        %get3A_547 = vector.shape_cast %get3A_546 : vector<16xf32> to vector<16xf32>
        %sub3A_548 = arith.subf %broadcast_in_dim3A_98, %get3A_547 : vector<16xf32>
        %abs3A_549 = math.absf %sub3A_548 : vector<16xf32>
        %add3A_550 = arith.addf %add3A_538, %abs3A_549 : vector<16xf32>
        %add3A_551 = arith.addf %add3A_539, %sub3A_548 : vector<16xf32>
        %scan3A_552 = arith.constant 7 : i32
        %scan3A_553 = arith.addi %scan3A_469, %scan3A_552 : i32
        %mul3A_554 = arith.constant 16 : i32
        %mul3A_555 = arith.muli %scan3A_553, %mul3A_554 : i32
        %add3A_556 = arith.addi %mul3A_103, %mul3A_555 : i32
        %get3A_557 = arith.index_cast %add3A_556 : i32 to index
        %get3A_558 = tpu.vector_load %arg10[%get3A_557] {strides = array<i32>} : memref<32768xf32, #tpu.memory_space<vmem>>, vector<16xf32>,
        %get3A_559 = vector.shape_cast %get3A_558 : vector<16xf32> to vector<16xf32>
        %sub3A_560 = arith.subf %broadcast_in_dim3A_98, %get3A_559 : vector<16xf32>
        %abs3A_561 = math.absf %sub3A_560 : vector<16xf32>
        %add3A_562 = arith.addf %add3A_550, %abs3A_561 : vector<16xf32>
        %add3A_563 = arith.addf %add3A_551, %sub3A_560 : vector<16xf32>
        scf.yield %add3A_562, %add3A_563 : vector<16xf32>, vector<16xf32>
      }
      %scan3A_113 = arith.constant 64 : i32
      %mul3A_114 = arith.mulf %broadcast_in_dim3A_101, %scan3A_112#0 : vector<16xf32>
      %add3A_115 = arith.addf %add3A_90, %mul3A_114 : vector<16xf32>
      %mul3A_116 = arith.mulf %broadcast_in_dim3A_101, %scan3A_112#1 : vector<16xf32>
      %add3A_117 = arith.addf %add3A_92, %mul3A_116 : vector<16xf32>
      %add3A_118 = arith.addf %add3A_93, %broadcast_in_dim3A_101 : vector<16xf32>
      %slice3A_119 = vector.extract_strided_slice %get3A_60 {offsets = [2], sizes = [1], strides = [1]} : vector<16xi32> to vector<1xi32>
      %squeeze3A_120 = vector.extract %slice3A_119[0] : i32 from vector<1xi32>
      %slice3A_121 = vector.extract_strided_slice %get3A_65 {offsets = [2], sizes = [1], strides = [1]} : vector<16xf32> to vector<1xf32>
      %squeeze3A_122 = vector.extract %slice3A_121[0] : f32 from vector<1xf32>
      %broadcast_in_dim3A_123 = vector.broadcast %squeeze3A_122 : f32 to vector<16xf32>
      %slice3A_124 = vector.extract_strided_slice %get3A_70 {offsets = [2], sizes = [1], strides = [1]} : vector<16xf32> to vector<1xf32>
      %squeeze3A_125 = vector.extract %slice3A_124[0] : f32 from vector<1xf32>
      %broadcast_in_dim3A_126 = vector.broadcast %squeeze3A_125 : f32 to vector<16xf32>
      %mul3A_127 = arith.constant 1024 : i32
      %mul3A_128 = arith.muli %squeeze3A_120, %mul3A_127 : i32
      %broadcast_in_dim3A_129 = arith.constant 0.000000e+00 : f32
      %broadcast_in_dim3A_130 = vector.broadcast %broadcast_in_dim3A_129 : f32 to vector<16xf32>
      %broadcast_in_dim3A_131 = arith.constant 0.000000e+00 : f32
      %broadcast_in_dim3A_132 = vector.broadcast %broadcast_in_dim3A_131 : f32 to vector<16xf32>
      %scan3A_133 = arith.constant 0 : i32
      %scan3A_134 = arith.constant 64 : i32
      %scan3A_135 = arith.addi %scan3A_133, %scan3A_134 : i32
      %scan3A_136 = arith.constant 8 : i32
      %scan3A_137:2 = scf.for %scan3A_469 = %scan3A_133 to %scan3A_135 step %scan3A_136 iter_args(%scan3A_470 = %broadcast_in_dim3A_130, %scan3A_471 = %broadcast_in_dim3A_132) -> (vector<16xf32>, vector<16xf32>)  : i32 {
        %mul3A_472 = arith.constant 16 : i32
        %mul3A_473 = arith.muli %scan3A_469, %mul3A_472 : i32
        %add3A_474 = arith.addi %mul3A_128, %mul3A_473 : i32
        %get3A_475 = arith.index_cast %add3A_474 : i32 to index
        %get3A_476 = tpu.vector_load %arg10[%get3A_475] {strides = array<i32>} : memref<32768xf32, #tpu.memory_space<vmem>>, vector<16xf32>,
        %get3A_477 = vector.shape_cast %get3A_476 : vector<16xf32> to vector<16xf32>
        %sub3A = arith.subf %broadcast_in_dim3A_123, %get3A_477 : vector<16xf32>
        %abs3A = math.absf %sub3A : vector<16xf32>
        %add3A_478 = arith.addf %scan3A_470, %abs3A : vector<16xf32>
        %add3A_479 = arith.addf %scan3A_471, %sub3A : vector<16xf32>
        %scan3A_480 = arith.constant 1 : i32
        %scan3A_481 = arith.addi %scan3A_469, %scan3A_480 : i32
        %mul3A_482 = arith.constant 16 : i32
        %mul3A_483 = arith.muli %scan3A_481, %mul3A_482 : i32
        %add3A_484 = arith.addi %mul3A_128, %mul3A_483 : i32
        %get3A_485 = arith.index_cast %add3A_484 : i32 to index
        %get3A_486 = tpu.vector_load %arg10[%get3A_485] {strides = array<i32>} : memref<32768xf32, #tpu.memory_space<vmem>>, vector<16xf32>,
        %get3A_487 = vector.shape_cast %get3A_486 : vector<16xf32> to vector<16xf32>
        %sub3A_488 = arith.subf %broadcast_in_dim3A_123, %get3A_487 : vector<16xf32>
        %abs3A_489 = math.absf %sub3A_488 : vector<16xf32>
        %add3A_490 = arith.addf %add3A_478, %abs3A_489 : vector<16xf32>
        %add3A_491 = arith.addf %add3A_479, %sub3A_488 : vector<16xf32>
        %scan3A_492 = arith.constant 2 : i32
        %scan3A_493 = arith.addi %scan3A_469, %scan3A_492 : i32
        %mul3A_494 = arith.constant 16 : i32
        %mul3A_495 = arith.muli %scan3A_493, %mul3A_494 : i32
        %add3A_496 = arith.addi %mul3A_128, %mul3A_495 : i32
        %get3A_497 = arith.index_cast %add3A_496 : i32 to index
        %get3A_498 = tpu.vector_load %arg10[%get3A_497] {strides = array<i32>} : memref<32768xf32, #tpu.memory_space<vmem>>, vector<16xf32>,
        %get3A_499 = vector.shape_cast %get3A_498 : vector<16xf32> to vector<16xf32>
        %sub3A_500 = arith.subf %broadcast_in_dim3A_123, %get3A_499 : vector<16xf32>
        %abs3A_501 = math.absf %sub3A_500 : vector<16xf32>
        %add3A_502 = arith.addf %add3A_490, %abs3A_501 : vector<16xf32>
        %add3A_503 = arith.addf %add3A_491, %sub3A_500 : vector<16xf32>
        %scan3A_504 = arith.constant 3 : i32
        %scan3A_505 = arith.addi %scan3A_469, %scan3A_504 : i32
        %mul3A_506 = arith.constant 16 : i32
        %mul3A_507 = arith.muli %scan3A_505, %mul3A_506 : i32
        %add3A_508 = arith.addi %mul3A_128, %mul3A_507 : i32
        %get3A_509 = arith.index_cast %add3A_508 : i32 to index
        %get3A_510 = tpu.vector_load %arg10[%get3A_509] {strides = array<i32>} : memref<32768xf32, #tpu.memory_space<vmem>>, vector<16xf32>,
        %get3A_511 = vector.shape_cast %get3A_510 : vector<16xf32> to vector<16xf32>
        %sub3A_512 = arith.subf %broadcast_in_dim3A_123, %get3A_511 : vector<16xf32>
        %abs3A_513 = math.absf %sub3A_512 : vector<16xf32>
        %add3A_514 = arith.addf %add3A_502, %abs3A_513 : vector<16xf32>
        %add3A_515 = arith.addf %add3A_503, %sub3A_512 : vector<16xf32>
        %scan3A_516 = arith.constant 4 : i32
        %scan3A_517 = arith.addi %scan3A_469, %scan3A_516 : i32
        %mul3A_518 = arith.constant 16 : i32
        %mul3A_519 = arith.muli %scan3A_517, %mul3A_518 : i32
        %add3A_520 = arith.addi %mul3A_128, %mul3A_519 : i32
        %get3A_521 = arith.index_cast %add3A_520 : i32 to index
        %get3A_522 = tpu.vector_load %arg10[%get3A_521] {strides = array<i32>} : memref<32768xf32, #tpu.memory_space<vmem>>, vector<16xf32>,
        %get3A_523 = vector.shape_cast %get3A_522 : vector<16xf32> to vector<16xf32>
        %sub3A_524 = arith.subf %broadcast_in_dim3A_123, %get3A_523 : vector<16xf32>
        %abs3A_525 = math.absf %sub3A_524 : vector<16xf32>
        %add3A_526 = arith.addf %add3A_514, %abs3A_525 : vector<16xf32>
        %add3A_527 = arith.addf %add3A_515, %sub3A_524 : vector<16xf32>
        %scan3A_528 = arith.constant 5 : i32
        %scan3A_529 = arith.addi %scan3A_469, %scan3A_528 : i32
        %mul3A_530 = arith.constant 16 : i32
        %mul3A_531 = arith.muli %scan3A_529, %mul3A_530 : i32
        %add3A_532 = arith.addi %mul3A_128, %mul3A_531 : i32
        %get3A_533 = arith.index_cast %add3A_532 : i32 to index
        %get3A_534 = tpu.vector_load %arg10[%get3A_533] {strides = array<i32>} : memref<32768xf32, #tpu.memory_space<vmem>>, vector<16xf32>,
        %get3A_535 = vector.shape_cast %get3A_534 : vector<16xf32> to vector<16xf32>
        %sub3A_536 = arith.subf %broadcast_in_dim3A_123, %get3A_535 : vector<16xf32>
        %abs3A_537 = math.absf %sub3A_536 : vector<16xf32>
        %add3A_538 = arith.addf %add3A_526, %abs3A_537 : vector<16xf32>
        %add3A_539 = arith.addf %add3A_527, %sub3A_536 : vector<16xf32>
        %scan3A_540 = arith.constant 6 : i32
        %scan3A_541 = arith.addi %scan3A_469, %scan3A_540 : i32
        %mul3A_542 = arith.constant 16 : i32
        %mul3A_543 = arith.muli %scan3A_541, %mul3A_542 : i32
        %add3A_544 = arith.addi %mul3A_128, %mul3A_543 : i32
        %get3A_545 = arith.index_cast %add3A_544 : i32 to index
        %get3A_546 = tpu.vector_load %arg10[%get3A_545] {strides = array<i32>} : memref<32768xf32, #tpu.memory_space<vmem>>, vector<16xf32>,
        %get3A_547 = vector.shape_cast %get3A_546 : vector<16xf32> to vector<16xf32>
        %sub3A_548 = arith.subf %broadcast_in_dim3A_123, %get3A_547 : vector<16xf32>
        %abs3A_549 = math.absf %sub3A_548 : vector<16xf32>
        %add3A_550 = arith.addf %add3A_538, %abs3A_549 : vector<16xf32>
        %add3A_551 = arith.addf %add3A_539, %sub3A_548 : vector<16xf32>
        %scan3A_552 = arith.constant 7 : i32
        %scan3A_553 = arith.addi %scan3A_469, %scan3A_552 : i32
        %mul3A_554 = arith.constant 16 : i32
        %mul3A_555 = arith.muli %scan3A_553, %mul3A_554 : i32
        %add3A_556 = arith.addi %mul3A_128, %mul3A_555 : i32
        %get3A_557 = arith.index_cast %add3A_556 : i32 to index
        %get3A_558 = tpu.vector_load %arg10[%get3A_557] {strides = array<i32>} : memref<32768xf32, #tpu.memory_space<vmem>>, vector<16xf32>,
        %get3A_559 = vector.shape_cast %get3A_558 : vector<16xf32> to vector<16xf32>
        %sub3A_560 = arith.subf %broadcast_in_dim3A_123, %get3A_559 : vector<16xf32>
        %abs3A_561 = math.absf %sub3A_560 : vector<16xf32>
        %add3A_562 = arith.addf %add3A_550, %abs3A_561 : vector<16xf32>
        %add3A_563 = arith.addf %add3A_551, %sub3A_560 : vector<16xf32>
        scf.yield %add3A_562, %add3A_563 : vector<16xf32>, vector<16xf32>
      }
      %scan3A_138 = arith.constant 64 : i32
      %mul3A_139 = arith.mulf %broadcast_in_dim3A_126, %scan3A_137#0 : vector<16xf32>
      %add3A_140 = arith.addf %add3A_115, %mul3A_139 : vector<16xf32>
      %mul3A_141 = arith.mulf %broadcast_in_dim3A_126, %scan3A_137#1 : vector<16xf32>
      %add3A_142 = arith.addf %add3A_117, %mul3A_141 : vector<16xf32>
      %add3A_143 = arith.addf %add3A_118, %broadcast_in_dim3A_126 : vector<16xf32>
      %slice3A_144 = vector.extract_strided_slice %get3A_60 {offsets = [3], sizes = [1], strides = [1]} : vector<16xi32> to vector<1xi32>
      %squeeze3A_145 = vector.extract %slice3A_144[0] : i32 from vector<1xi32>
      %slice3A_146 = vector.extract_strided_slice %get3A_65 {offsets = [3], sizes = [1], strides = [1]} : vector<16xf32> to vector<1xf32>
      %squeeze3A_147 = vector.extract %slice3A_146[0] : f32 from vector<1xf32>
      %broadcast_in_dim3A_148 = vector.broadcast %squeeze3A_147 : f32 to vector<16xf32>
      %slice3A_149 = vector.extract_strided_slice %get3A_70 {offsets = [3], sizes = [1], strides = [1]} : vector<16xf32> to vector<1xf32>
      %squeeze3A_150 = vector.extract %slice3A_149[0] : f32 from vector<1xf32>
      %broadcast_in_dim3A_151 = vector.broadcast %squeeze3A_150 : f32 to vector<16xf32>
      %mul3A_152 = arith.constant 1024 : i32
      %mul3A_153 = arith.muli %squeeze3A_145, %mul3A_152 : i32
      %broadcast_in_dim3A_154 = arith.constant 0.000000e+00 : f32
      %broadcast_in_dim3A_155 = vector.broadcast %broadcast_in_dim3A_154 : f32 to vector<16xf32>
      %broadcast_in_dim3A_156 = arith.constant 0.000000e+00 : f32
      %broadcast_in_dim3A_157 = vector.broadcast %broadcast_in_dim3A_156 : f32 to vector<16xf32>
      %scan3A_158 = arith.constant 0 : i32
      %scan3A_159 = arith.constant 64 : i32
      %scan3A_160 = arith.addi %scan3A_158, %scan3A_159 : i32
      %scan3A_161 = arith.constant 8 : i32
      %scan3A_162:2 = scf.for %scan3A_469 = %scan3A_158 to %scan3A_160 step %scan3A_161 iter_args(%scan3A_470 = %broadcast_in_dim3A_155, %scan3A_471 = %broadcast_in_dim3A_157) -> (vector<16xf32>, vector<16xf32>)  : i32 {
        %mul3A_472 = arith.constant 16 : i32
        %mul3A_473 = arith.muli %scan3A_469, %mul3A_472 : i32
        %add3A_474 = arith.addi %mul3A_153, %mul3A_473 : i32
        %get3A_475 = arith.index_cast %add3A_474 : i32 to index
        %get3A_476 = tpu.vector_load %arg10[%get3A_475] {strides = array<i32>} : memref<32768xf32, #tpu.memory_space<vmem>>, vector<16xf32>,
        %get3A_477 = vector.shape_cast %get3A_476 : vector<16xf32> to vector<16xf32>
        %sub3A = arith.subf %broadcast_in_dim3A_148, %get3A_477 : vector<16xf32>
        %abs3A = math.absf %sub3A : vector<16xf32>
        %add3A_478 = arith.addf %scan3A_470, %abs3A : vector<16xf32>
        %add3A_479 = arith.addf %scan3A_471, %sub3A : vector<16xf32>
        %scan3A_480 = arith.constant 1 : i32
        %scan3A_481 = arith.addi %scan3A_469, %scan3A_480 : i32
        %mul3A_482 = arith.constant 16 : i32
        %mul3A_483 = arith.muli %scan3A_481, %mul3A_482 : i32
        %add3A_484 = arith.addi %mul3A_153, %mul3A_483 : i32
        %get3A_485 = arith.index_cast %add3A_484 : i32 to index
        %get3A_486 = tpu.vector_load %arg10[%get3A_485] {strides = array<i32>} : memref<32768xf32, #tpu.memory_space<vmem>>, vector<16xf32>,
        %get3A_487 = vector.shape_cast %get3A_486 : vector<16xf32> to vector<16xf32>
        %sub3A_488 = arith.subf %broadcast_in_dim3A_148, %get3A_487 : vector<16xf32>
        %abs3A_489 = math.absf %sub3A_488 : vector<16xf32>
        %add3A_490 = arith.addf %add3A_478, %abs3A_489 : vector<16xf32>
        %add3A_491 = arith.addf %add3A_479, %sub3A_488 : vector<16xf32>
        %scan3A_492 = arith.constant 2 : i32
        %scan3A_493 = arith.addi %scan3A_469, %scan3A_492 : i32
        %mul3A_494 = arith.constant 16 : i32
        %mul3A_495 = arith.muli %scan3A_493, %mul3A_494 : i32
        %add3A_496 = arith.addi %mul3A_153, %mul3A_495 : i32
        %get3A_497 = arith.index_cast %add3A_496 : i32 to index
        %get3A_498 = tpu.vector_load %arg10[%get3A_497] {strides = array<i32>} : memref<32768xf32, #tpu.memory_space<vmem>>, vector<16xf32>,
        %get3A_499 = vector.shape_cast %get3A_498 : vector<16xf32> to vector<16xf32>
        %sub3A_500 = arith.subf %broadcast_in_dim3A_148, %get3A_499 : vector<16xf32>
        %abs3A_501 = math.absf %sub3A_500 : vector<16xf32>
        %add3A_502 = arith.addf %add3A_490, %abs3A_501 : vector<16xf32>
        %add3A_503 = arith.addf %add3A_491, %sub3A_500 : vector<16xf32>
        %scan3A_504 = arith.constant 3 : i32
        %scan3A_505 = arith.addi %scan3A_469, %scan3A_504 : i32
        %mul3A_506 = arith.constant 16 : i32
        %mul3A_507 = arith.muli %scan3A_505, %mul3A_506 : i32
        %add3A_508 = arith.addi %mul3A_153, %mul3A_507 : i32
        %get3A_509 = arith.index_cast %add3A_508 : i32 to index
        %get3A_510 = tpu.vector_load %arg10[%get3A_509] {strides = array<i32>} : memref<32768xf32, #tpu.memory_space<vmem>>, vector<16xf32>,
        %get3A_511 = vector.shape_cast %get3A_510 : vector<16xf32> to vector<16xf32>
        %sub3A_512 = arith.subf %broadcast_in_dim3A_148, %get3A_511 : vector<16xf32>
        %abs3A_513 = math.absf %sub3A_512 : vector<16xf32>
        %add3A_514 = arith.addf %add3A_502, %abs3A_513 : vector<16xf32>
        %add3A_515 = arith.addf %add3A_503, %sub3A_512 : vector<16xf32>
        %scan3A_516 = arith.constant 4 : i32
        %scan3A_517 = arith.addi %scan3A_469, %scan3A_516 : i32
        %mul3A_518 = arith.constant 16 : i32
        %mul3A_519 = arith.muli %scan3A_517, %mul3A_518 : i32
        %add3A_520 = arith.addi %mul3A_153, %mul3A_519 : i32
        %get3A_521 = arith.index_cast %add3A_520 : i32 to index
        %get3A_522 = tpu.vector_load %arg10[%get3A_521] {strides = array<i32>} : memref<32768xf32, #tpu.memory_space<vmem>>, vector<16xf32>,
        %get3A_523 = vector.shape_cast %get3A_522 : vector<16xf32> to vector<16xf32>
        %sub3A_524 = arith.subf %broadcast_in_dim3A_148, %get3A_523 : vector<16xf32>
        %abs3A_525 = math.absf %sub3A_524 : vector<16xf32>
        %add3A_526 = arith.addf %add3A_514, %abs3A_525 : vector<16xf32>
        %add3A_527 = arith.addf %add3A_515, %sub3A_524 : vector<16xf32>
        %scan3A_528 = arith.constant 5 : i32
        %scan3A_529 = arith.addi %scan3A_469, %scan3A_528 : i32
        %mul3A_530 = arith.constant 16 : i32
        %mul3A_531 = arith.muli %scan3A_529, %mul3A_530 : i32
        %add3A_532 = arith.addi %mul3A_153, %mul3A_531 : i32
        %get3A_533 = arith.index_cast %add3A_532 : i32 to index
        %get3A_534 = tpu.vector_load %arg10[%get3A_533] {strides = array<i32>} : memref<32768xf32, #tpu.memory_space<vmem>>, vector<16xf32>,
        %get3A_535 = vector.shape_cast %get3A_534 : vector<16xf32> to vector<16xf32>
        %sub3A_536 = arith.subf %broadcast_in_dim3A_148, %get3A_535 : vector<16xf32>
        %abs3A_537 = math.absf %sub3A_536 : vector<16xf32>
        %add3A_538 = arith.addf %add3A_526, %abs3A_537 : vector<16xf32>
        %add3A_539 = arith.addf %add3A_527, %sub3A_536 : vector<16xf32>
        %scan3A_540 = arith.constant 6 : i32
        %scan3A_541 = arith.addi %scan3A_469, %scan3A_540 : i32
        %mul3A_542 = arith.constant 16 : i32
        %mul3A_543 = arith.muli %scan3A_541, %mul3A_542 : i32
        %add3A_544 = arith.addi %mul3A_153, %mul3A_543 : i32
        %get3A_545 = arith.index_cast %add3A_544 : i32 to index
        %get3A_546 = tpu.vector_load %arg10[%get3A_545] {strides = array<i32>} : memref<32768xf32, #tpu.memory_space<vmem>>, vector<16xf32>,
        %get3A_547 = vector.shape_cast %get3A_546 : vector<16xf32> to vector<16xf32>
        %sub3A_548 = arith.subf %broadcast_in_dim3A_148, %get3A_547 : vector<16xf32>
        %abs3A_549 = math.absf %sub3A_548 : vector<16xf32>
        %add3A_550 = arith.addf %add3A_538, %abs3A_549 : vector<16xf32>
        %add3A_551 = arith.addf %add3A_539, %sub3A_548 : vector<16xf32>
        %scan3A_552 = arith.constant 7 : i32
        %scan3A_553 = arith.addi %scan3A_469, %scan3A_552 : i32
        %mul3A_554 = arith.constant 16 : i32
        %mul3A_555 = arith.muli %scan3A_553, %mul3A_554 : i32
        %add3A_556 = arith.addi %mul3A_153, %mul3A_555 : i32
        %get3A_557 = arith.index_cast %add3A_556 : i32 to index
        %get3A_558 = tpu.vector_load %arg10[%get3A_557] {strides = array<i32>} : memref<32768xf32, #tpu.memory_space<vmem>>, vector<16xf32>,
        %get3A_559 = vector.shape_cast %get3A_558 : vector<16xf32> to vector<16xf32>
        %sub3A_560 = arith.subf %broadcast_in_dim3A_148, %get3A_559 : vector<16xf32>
        %abs3A_561 = math.absf %sub3A_560 : vector<16xf32>
        %add3A_562 = arith.addf %add3A_550, %abs3A_561 : vector<16xf32>
        %add3A_563 = arith.addf %add3A_551, %sub3A_560 : vector<16xf32>
        scf.yield %add3A_562, %add3A_563 : vector<16xf32>, vector<16xf32>
      }
      %scan3A_163 = arith.constant 64 : i32
      %mul3A_164 = arith.mulf %broadcast_in_dim3A_151, %scan3A_162#0 : vector<16xf32>
      %add3A_165 = arith.addf %add3A_140, %mul3A_164 : vector<16xf32>
      %mul3A_166 = arith.mulf %broadcast_in_dim3A_151, %scan3A_162#1 : vector<16xf32>
      %add3A_167 = arith.addf %add3A_142, %mul3A_166 : vector<16xf32>
      %add3A_168 = arith.addf %add3A_143, %broadcast_in_dim3A_151 : vector<16xf32>
      %slice3A_169 = vector.extract_strided_slice %get3A_60 {offsets = [4], sizes = [1], strides = [1]} : vector<16xi32> to vector<1xi32>
      %squeeze3A_170 = vector.extract %slice3A_169[0] : i32 from vector<1xi32>
      %slice3A_171 = vector.extract_strided_slice %get3A_65 {offsets = [4], sizes = [1], strides = [1]} : vector<16xf32> to vector<1xf32>
      %squeeze3A_172 = vector.extract %slice3A_171[0] : f32 from vector<1xf32>
      %broadcast_in_dim3A_173 = vector.broadcast %squeeze3A_172 : f32 to vector<16xf32>
      %slice3A_174 = vector.extract_strided_slice %get3A_70 {offsets = [4], sizes = [1], strides = [1]} : vector<16xf32> to vector<1xf32>
      %squeeze3A_175 = vector.extract %slice3A_174[0] : f32 from vector<1xf32>
      %broadcast_in_dim3A_176 = vector.broadcast %squeeze3A_175 : f32 to vector<16xf32>
      %mul3A_177 = arith.constant 1024 : i32
      %mul3A_178 = arith.muli %squeeze3A_170, %mul3A_177 : i32
      %broadcast_in_dim3A_179 = arith.constant 0.000000e+00 : f32
      %broadcast_in_dim3A_180 = vector.broadcast %broadcast_in_dim3A_179 : f32 to vector<16xf32>
      %broadcast_in_dim3A_181 = arith.constant 0.000000e+00 : f32
      %broadcast_in_dim3A_182 = vector.broadcast %broadcast_in_dim3A_181 : f32 to vector<16xf32>
      %scan3A_183 = arith.constant 0 : i32
      %scan3A_184 = arith.constant 64 : i32
      %scan3A_185 = arith.addi %scan3A_183, %scan3A_184 : i32
      %scan3A_186 = arith.constant 8 : i32
      %scan3A_187:2 = scf.for %scan3A_469 = %scan3A_183 to %scan3A_185 step %scan3A_186 iter_args(%scan3A_470 = %broadcast_in_dim3A_180, %scan3A_471 = %broadcast_in_dim3A_182) -> (vector<16xf32>, vector<16xf32>)  : i32 {
        %mul3A_472 = arith.constant 16 : i32
        %mul3A_473 = arith.muli %scan3A_469, %mul3A_472 : i32
        %add3A_474 = arith.addi %mul3A_178, %mul3A_473 : i32
        %get3A_475 = arith.index_cast %add3A_474 : i32 to index
        %get3A_476 = tpu.vector_load %arg10[%get3A_475] {strides = array<i32>} : memref<32768xf32, #tpu.memory_space<vmem>>, vector<16xf32>,
        %get3A_477 = vector.shape_cast %get3A_476 : vector<16xf32> to vector<16xf32>
        %sub3A = arith.subf %broadcast_in_dim3A_173, %get3A_477 : vector<16xf32>
        %abs3A = math.absf %sub3A : vector<16xf32>
        %add3A_478 = arith.addf %scan3A_470, %abs3A : vector<16xf32>
        %add3A_479 = arith.addf %scan3A_471, %sub3A : vector<16xf32>
        %scan3A_480 = arith.constant 1 : i32
        %scan3A_481 = arith.addi %scan3A_469, %scan3A_480 : i32
        %mul3A_482 = arith.constant 16 : i32
        %mul3A_483 = arith.muli %scan3A_481, %mul3A_482 : i32
        %add3A_484 = arith.addi %mul3A_178, %mul3A_483 : i32
        %get3A_485 = arith.index_cast %add3A_484 : i32 to index
        %get3A_486 = tpu.vector_load %arg10[%get3A_485] {strides = array<i32>} : memref<32768xf32, #tpu.memory_space<vmem>>, vector<16xf32>,
        %get3A_487 = vector.shape_cast %get3A_486 : vector<16xf32> to vector<16xf32>
        %sub3A_488 = arith.subf %broadcast_in_dim3A_173, %get3A_487 : vector<16xf32>
        %abs3A_489 = math.absf %sub3A_488 : vector<16xf32>
        %add3A_490 = arith.addf %add3A_478, %abs3A_489 : vector<16xf32>
        %add3A_491 = arith.addf %add3A_479, %sub3A_488 : vector<16xf32>
        %scan3A_492 = arith.constant 2 : i32
        %scan3A_493 = arith.addi %scan3A_469, %scan3A_492 : i32
        %mul3A_494 = arith.constant 16 : i32
        %mul3A_495 = arith.muli %scan3A_493, %mul3A_494 : i32
        %add3A_496 = arith.addi %mul3A_178, %mul3A_495 : i32
        %get3A_497 = arith.index_cast %add3A_496 : i32 to index
        %get3A_498 = tpu.vector_load %arg10[%get3A_497] {strides = array<i32>} : memref<32768xf32, #tpu.memory_space<vmem>>, vector<16xf32>,
        %get3A_499 = vector.shape_cast %get3A_498 : vector<16xf32> to vector<16xf32>
        %sub3A_500 = arith.subf %broadcast_in_dim3A_173, %get3A_499 : vector<16xf32>
        %abs3A_501 = math.absf %sub3A_500 : vector<16xf32>
        %add3A_502 = arith.addf %add3A_490, %abs3A_501 : vector<16xf32>
        %add3A_503 = arith.addf %add3A_491, %sub3A_500 : vector<16xf32>
        %scan3A_504 = arith.constant 3 : i32
        %scan3A_505 = arith.addi %scan3A_469, %scan3A_504 : i32
        %mul3A_506 = arith.constant 16 : i32
        %mul3A_507 = arith.muli %scan3A_505, %mul3A_506 : i32
        %add3A_508 = arith.addi %mul3A_178, %mul3A_507 : i32
        %get3A_509 = arith.index_cast %add3A_508 : i32 to index
        %get3A_510 = tpu.vector_load %arg10[%get3A_509] {strides = array<i32>} : memref<32768xf32, #tpu.memory_space<vmem>>, vector<16xf32>,
        %get3A_511 = vector.shape_cast %get3A_510 : vector<16xf32> to vector<16xf32>
        %sub3A_512 = arith.subf %broadcast_in_dim3A_173, %get3A_511 : vector<16xf32>
        %abs3A_513 = math.absf %sub3A_512 : vector<16xf32>
        %add3A_514 = arith.addf %add3A_502, %abs3A_513 : vector<16xf32>
        %add3A_515 = arith.addf %add3A_503, %sub3A_512 : vector<16xf32>
        %scan3A_516 = arith.constant 4 : i32
        %scan3A_517 = arith.addi %scan3A_469, %scan3A_516 : i32
        %mul3A_518 = arith.constant 16 : i32
        %mul3A_519 = arith.muli %scan3A_517, %mul3A_518 : i32
        %add3A_520 = arith.addi %mul3A_178, %mul3A_519 : i32
        %get3A_521 = arith.index_cast %add3A_520 : i32 to index
        %get3A_522 = tpu.vector_load %arg10[%get3A_521] {strides = array<i32>} : memref<32768xf32, #tpu.memory_space<vmem>>, vector<16xf32>,
        %get3A_523 = vector.shape_cast %get3A_522 : vector<16xf32> to vector<16xf32>
        %sub3A_524 = arith.subf %broadcast_in_dim3A_173, %get3A_523 : vector<16xf32>
        %abs3A_525 = math.absf %sub3A_524 : vector<16xf32>
        %add3A_526 = arith.addf %add3A_514, %abs3A_525 : vector<16xf32>
        %add3A_527 = arith.addf %add3A_515, %sub3A_524 : vector<16xf32>
        %scan3A_528 = arith.constant 5 : i32
        %scan3A_529 = arith.addi %scan3A_469, %scan3A_528 : i32
        %mul3A_530 = arith.constant 16 : i32
        %mul3A_531 = arith.muli %scan3A_529, %mul3A_530 : i32
        %add3A_532 = arith.addi %mul3A_178, %mul3A_531 : i32
        %get3A_533 = arith.index_cast %add3A_532 : i32 to index
        %get3A_534 = tpu.vector_load %arg10[%get3A_533] {strides = array<i32>} : memref<32768xf32, #tpu.memory_space<vmem>>, vector<16xf32>,
        %get3A_535 = vector.shape_cast %get3A_534 : vector<16xf32> to vector<16xf32>
        %sub3A_536 = arith.subf %broadcast_in_dim3A_173, %get3A_535 : vector<16xf32>
        %abs3A_537 = math.absf %sub3A_536 : vector<16xf32>
        %add3A_538 = arith.addf %add3A_526, %abs3A_537 : vector<16xf32>
        %add3A_539 = arith.addf %add3A_527, %sub3A_536 : vector<16xf32>
        %scan3A_540 = arith.constant 6 : i32
        %scan3A_541 = arith.addi %scan3A_469, %scan3A_540 : i32
        %mul3A_542 = arith.constant 16 : i32
        %mul3A_543 = arith.muli %scan3A_541, %mul3A_542 : i32
        %add3A_544 = arith.addi %mul3A_178, %mul3A_543 : i32
        %get3A_545 = arith.index_cast %add3A_544 : i32 to index
        %get3A_546 = tpu.vector_load %arg10[%get3A_545] {strides = array<i32>} : memref<32768xf32, #tpu.memory_space<vmem>>, vector<16xf32>,
        %get3A_547 = vector.shape_cast %get3A_546 : vector<16xf32> to vector<16xf32>
        %sub3A_548 = arith.subf %broadcast_in_dim3A_173, %get3A_547 : vector<16xf32>
        %abs3A_549 = math.absf %sub3A_548 : vector<16xf32>
        %add3A_550 = arith.addf %add3A_538, %abs3A_549 : vector<16xf32>
        %add3A_551 = arith.addf %add3A_539, %sub3A_548 : vector<16xf32>
        %scan3A_552 = arith.constant 7 : i32
        %scan3A_553 = arith.addi %scan3A_469, %scan3A_552 : i32
        %mul3A_554 = arith.constant 16 : i32
        %mul3A_555 = arith.muli %scan3A_553, %mul3A_554 : i32
        %add3A_556 = arith.addi %mul3A_178, %mul3A_555 : i32
        %get3A_557 = arith.index_cast %add3A_556 : i32 to index
        %get3A_558 = tpu.vector_load %arg10[%get3A_557] {strides = array<i32>} : memref<32768xf32, #tpu.memory_space<vmem>>, vector<16xf32>,
        %get3A_559 = vector.shape_cast %get3A_558 : vector<16xf32> to vector<16xf32>
        %sub3A_560 = arith.subf %broadcast_in_dim3A_173, %get3A_559 : vector<16xf32>
        %abs3A_561 = math.absf %sub3A_560 : vector<16xf32>
        %add3A_562 = arith.addf %add3A_550, %abs3A_561 : vector<16xf32>
        %add3A_563 = arith.addf %add3A_551, %sub3A_560 : vector<16xf32>
        scf.yield %add3A_562, %add3A_563 : vector<16xf32>, vector<16xf32>
      }
      %scan3A_188 = arith.constant 64 : i32
      %mul3A_189 = arith.mulf %broadcast_in_dim3A_176, %scan3A_187#0 : vector<16xf32>
      %add3A_190 = arith.addf %add3A_165, %mul3A_189 : vector<16xf32>
      %mul3A_191 = arith.mulf %broadcast_in_dim3A_176, %scan3A_187#1 : vector<16xf32>
      %add3A_192 = arith.addf %add3A_167, %mul3A_191 : vector<16xf32>
      %add3A_193 = arith.addf %add3A_168, %broadcast_in_dim3A_176 : vector<16xf32>
      %slice3A_194 = vector.extract_strided_slice %get3A_60 {offsets = [5], sizes = [1], strides = [1]} : vector<16xi32> to vector<1xi32>
      %squeeze3A_195 = vector.extract %slice3A_194[0] : i32 from vector<1xi32>
      %slice3A_196 = vector.extract_strided_slice %get3A_65 {offsets = [5], sizes = [1], strides = [1]} : vector<16xf32> to vector<1xf32>
      %squeeze3A_197 = vector.extract %slice3A_196[0] : f32 from vector<1xf32>
      %broadcast_in_dim3A_198 = vector.broadcast %squeeze3A_197 : f32 to vector<16xf32>
      %slice3A_199 = vector.extract_strided_slice %get3A_70 {offsets = [5], sizes = [1], strides = [1]} : vector<16xf32> to vector<1xf32>
      %squeeze3A_200 = vector.extract %slice3A_199[0] : f32 from vector<1xf32>
      %broadcast_in_dim3A_201 = vector.broadcast %squeeze3A_200 : f32 to vector<16xf32>
      %mul3A_202 = arith.constant 1024 : i32
      %mul3A_203 = arith.muli %squeeze3A_195, %mul3A_202 : i32
      %broadcast_in_dim3A_204 = arith.constant 0.000000e+00 : f32
      %broadcast_in_dim3A_205 = vector.broadcast %broadcast_in_dim3A_204 : f32 to vector<16xf32>
      %broadcast_in_dim3A_206 = arith.constant 0.000000e+00 : f32
      %broadcast_in_dim3A_207 = vector.broadcast %broadcast_in_dim3A_206 : f32 to vector<16xf32>
      %scan3A_208 = arith.constant 0 : i32
      %scan3A_209 = arith.constant 64 : i32
      %scan3A_210 = arith.addi %scan3A_208, %scan3A_209 : i32
      %scan3A_211 = arith.constant 8 : i32
      %scan3A_212:2 = scf.for %scan3A_469 = %scan3A_208 to %scan3A_210 step %scan3A_211 iter_args(%scan3A_470 = %broadcast_in_dim3A_205, %scan3A_471 = %broadcast_in_dim3A_207) -> (vector<16xf32>, vector<16xf32>)  : i32 {
        %mul3A_472 = arith.constant 16 : i32
        %mul3A_473 = arith.muli %scan3A_469, %mul3A_472 : i32
        %add3A_474 = arith.addi %mul3A_203, %mul3A_473 : i32
        %get3A_475 = arith.index_cast %add3A_474 : i32 to index
        %get3A_476 = tpu.vector_load %arg10[%get3A_475] {strides = array<i32>} : memref<32768xf32, #tpu.memory_space<vmem>>, vector<16xf32>,
        %get3A_477 = vector.shape_cast %get3A_476 : vector<16xf32> to vector<16xf32>
        %sub3A = arith.subf %broadcast_in_dim3A_198, %get3A_477 : vector<16xf32>
        %abs3A = math.absf %sub3A : vector<16xf32>
        %add3A_478 = arith.addf %scan3A_470, %abs3A : vector<16xf32>
        %add3A_479 = arith.addf %scan3A_471, %sub3A : vector<16xf32>
        %scan3A_480 = arith.constant 1 : i32
        %scan3A_481 = arith.addi %scan3A_469, %scan3A_480 : i32
        %mul3A_482 = arith.constant 16 : i32
        %mul3A_483 = arith.muli %scan3A_481, %mul3A_482 : i32
        %add3A_484 = arith.addi %mul3A_203, %mul3A_483 : i32
        %get3A_485 = arith.index_cast %add3A_484 : i32 to index
        %get3A_486 = tpu.vector_load %arg10[%get3A_485] {strides = array<i32>} : memref<32768xf32, #tpu.memory_space<vmem>>, vector<16xf32>,
        %get3A_487 = vector.shape_cast %get3A_486 : vector<16xf32> to vector<16xf32>
        %sub3A_488 = arith.subf %broadcast_in_dim3A_198, %get3A_487 : vector<16xf32>
        %abs3A_489 = math.absf %sub3A_488 : vector<16xf32>
        %add3A_490 = arith.addf %add3A_478, %abs3A_489 : vector<16xf32>
        %add3A_491 = arith.addf %add3A_479, %sub3A_488 : vector<16xf32>
        %scan3A_492 = arith.constant 2 : i32
        %scan3A_493 = arith.addi %scan3A_469, %scan3A_492 : i32
        %mul3A_494 = arith.constant 16 : i32
        %mul3A_495 = arith.muli %scan3A_493, %mul3A_494 : i32
        %add3A_496 = arith.addi %mul3A_203, %mul3A_495 : i32
        %get3A_497 = arith.index_cast %add3A_496 : i32 to index
        %get3A_498 = tpu.vector_load %arg10[%get3A_497] {strides = array<i32>} : memref<32768xf32, #tpu.memory_space<vmem>>, vector<16xf32>,
        %get3A_499 = vector.shape_cast %get3A_498 : vector<16xf32> to vector<16xf32>
        %sub3A_500 = arith.subf %broadcast_in_dim3A_198, %get3A_499 : vector<16xf32>
        %abs3A_501 = math.absf %sub3A_500 : vector<16xf32>
        %add3A_502 = arith.addf %add3A_490, %abs3A_501 : vector<16xf32>
        %add3A_503 = arith.addf %add3A_491, %sub3A_500 : vector<16xf32>
        %scan3A_504 = arith.constant 3 : i32
        %scan3A_505 = arith.addi %scan3A_469, %scan3A_504 : i32
        %mul3A_506 = arith.constant 16 : i32
        %mul3A_507 = arith.muli %scan3A_505, %mul3A_506 : i32
        %add3A_508 = arith.addi %mul3A_203, %mul3A_507 : i32
        %get3A_509 = arith.index_cast %add3A_508 : i32 to index
        %get3A_510 = tpu.vector_load %arg10[%get3A_509] {strides = array<i32>} : memref<32768xf32, #tpu.memory_space<vmem>>, vector<16xf32>,
        %get3A_511 = vector.shape_cast %get3A_510 : vector<16xf32> to vector<16xf32>
        %sub3A_512 = arith.subf %broadcast_in_dim3A_198, %get3A_511 : vector<16xf32>
        %abs3A_513 = math.absf %sub3A_512 : vector<16xf32>
        %add3A_514 = arith.addf %add3A_502, %abs3A_513 : vector<16xf32>
        %add3A_515 = arith.addf %add3A_503, %sub3A_512 : vector<16xf32>
        %scan3A_516 = arith.constant 4 : i32
        %scan3A_517 = arith.addi %scan3A_469, %scan3A_516 : i32
        %mul3A_518 = arith.constant 16 : i32
        %mul3A_519 = arith.muli %scan3A_517, %mul3A_518 : i32
        %add3A_520 = arith.addi %mul3A_203, %mul3A_519 : i32
        %get3A_521 = arith.index_cast %add3A_520 : i32 to index
        %get3A_522 = tpu.vector_load %arg10[%get3A_521] {strides = array<i32>} : memref<32768xf32, #tpu.memory_space<vmem>>, vector<16xf32>,
        %get3A_523 = vector.shape_cast %get3A_522 : vector<16xf32> to vector<16xf32>
        %sub3A_524 = arith.subf %broadcast_in_dim3A_198, %get3A_523 : vector<16xf32>
        %abs3A_525 = math.absf %sub3A_524 : vector<16xf32>
        %add3A_526 = arith.addf %add3A_514, %abs3A_525 : vector<16xf32>
        %add3A_527 = arith.addf %add3A_515, %sub3A_524 : vector<16xf32>
        %scan3A_528 = arith.constant 5 : i32
        %scan3A_529 = arith.addi %scan3A_469, %scan3A_528 : i32
        %mul3A_530 = arith.constant 16 : i32
        %mul3A_531 = arith.muli %scan3A_529, %mul3A_530 : i32
        %add3A_532 = arith.addi %mul3A_203, %mul3A_531 : i32
        %get3A_533 = arith.index_cast %add3A_532 : i32 to index
        %get3A_534 = tpu.vector_load %arg10[%get3A_533] {strides = array<i32>} : memref<32768xf32, #tpu.memory_space<vmem>>, vector<16xf32>,
        %get3A_535 = vector.shape_cast %get3A_534 : vector<16xf32> to vector<16xf32>
        %sub3A_536 = arith.subf %broadcast_in_dim3A_198, %get3A_535 : vector<16xf32>
        %abs3A_537 = math.absf %sub3A_536 : vector<16xf32>
        %add3A_538 = arith.addf %add3A_526, %abs3A_537 : vector<16xf32>
        %add3A_539 = arith.addf %add3A_527, %sub3A_536 : vector<16xf32>
        %scan3A_540 = arith.constant 6 : i32
        %scan3A_541 = arith.addi %scan3A_469, %scan3A_540 : i32
        %mul3A_542 = arith.constant 16 : i32
        %mul3A_543 = arith.muli %scan3A_541, %mul3A_542 : i32
        %add3A_544 = arith.addi %mul3A_203, %mul3A_543 : i32
        %get3A_545 = arith.index_cast %add3A_544 : i32 to index
        %get3A_546 = tpu.vector_load %arg10[%get3A_545] {strides = array<i32>} : memref<32768xf32, #tpu.memory_space<vmem>>, vector<16xf32>,
        %get3A_547 = vector.shape_cast %get3A_546 : vector<16xf32> to vector<16xf32>
        %sub3A_548 = arith.subf %broadcast_in_dim3A_198, %get3A_547 : vector<16xf32>
        %abs3A_549 = math.absf %sub3A_548 : vector<16xf32>
        %add3A_550 = arith.addf %add3A_538, %abs3A_549 : vector<16xf32>
        %add3A_551 = arith.addf %add3A_539, %sub3A_548 : vector<16xf32>
        %scan3A_552 = arith.constant 7 : i32
        %scan3A_553 = arith.addi %scan3A_469, %scan3A_552 : i32
        %mul3A_554 = arith.constant 16 : i32
        %mul3A_555 = arith.muli %scan3A_553, %mul3A_554 : i32
        %add3A_556 = arith.addi %mul3A_203, %mul3A_555 : i32
        %get3A_557 = arith.index_cast %add3A_556 : i32 to index
        %get3A_558 = tpu.vector_load %arg10[%get3A_557] {strides = array<i32>} : memref<32768xf32, #tpu.memory_space<vmem>>, vector<16xf32>,
        %get3A_559 = vector.shape_cast %get3A_558 : vector<16xf32> to vector<16xf32>
        %sub3A_560 = arith.subf %broadcast_in_dim3A_198, %get3A_559 : vector<16xf32>
        %abs3A_561 = math.absf %sub3A_560 : vector<16xf32>
        %add3A_562 = arith.addf %add3A_550, %abs3A_561 : vector<16xf32>
        %add3A_563 = arith.addf %add3A_551, %sub3A_560 : vector<16xf32>
        scf.yield %add3A_562, %add3A_563 : vector<16xf32>, vector<16xf32>
      }
      %scan3A_213 = arith.constant 64 : i32
      %mul3A_214 = arith.mulf %broadcast_in_dim3A_201, %scan3A_212#0 : vector<16xf32>
      %add3A_215 = arith.addf %add3A_190, %mul3A_214 : vector<16xf32>
      %mul3A_216 = arith.mulf %broadcast_in_dim3A_201, %scan3A_212#1 : vector<16xf32>
      %add3A_217 = arith.addf %add3A_192, %mul3A_216 : vector<16xf32>
      %add3A_218 = arith.addf %add3A_193, %broadcast_in_dim3A_201 : vector<16xf32>
      %slice3A_219 = vector.extract_strided_slice %get3A_60 {offsets = [6], sizes = [1], strides = [1]} : vector<16xi32> to vector<1xi32>
      %squeeze3A_220 = vector.extract %slice3A_219[0] : i32 from vector<1xi32>
      %slice3A_221 = vector.extract_strided_slice %get3A_65 {offsets = [6], sizes = [1], strides = [1]} : vector<16xf32> to vector<1xf32>
      %squeeze3A_222 = vector.extract %slice3A_221[0] : f32 from vector<1xf32>
      %broadcast_in_dim3A_223 = vector.broadcast %squeeze3A_222 : f32 to vector<16xf32>
      %slice3A_224 = vector.extract_strided_slice %get3A_70 {offsets = [6], sizes = [1], strides = [1]} : vector<16xf32> to vector<1xf32>
      %squeeze3A_225 = vector.extract %slice3A_224[0] : f32 from vector<1xf32>
      %broadcast_in_dim3A_226 = vector.broadcast %squeeze3A_225 : f32 to vector<16xf32>
      %mul3A_227 = arith.constant 1024 : i32
      %mul3A_228 = arith.muli %squeeze3A_220, %mul3A_227 : i32
      %broadcast_in_dim3A_229 = arith.constant 0.000000e+00 : f32
      %broadcast_in_dim3A_230 = vector.broadcast %broadcast_in_dim3A_229 : f32 to vector<16xf32>
      %broadcast_in_dim3A_231 = arith.constant 0.000000e+00 : f32
      %broadcast_in_dim3A_232 = vector.broadcast %broadcast_in_dim3A_231 : f32 to vector<16xf32>
      %scan3A_233 = arith.constant 0 : i32
      %scan3A_234 = arith.constant 64 : i32
      %scan3A_235 = arith.addi %scan3A_233, %scan3A_234 : i32
      %scan3A_236 = arith.constant 8 : i32
      %scan3A_237:2 = scf.for %scan3A_469 = %scan3A_233 to %scan3A_235 step %scan3A_236 iter_args(%scan3A_470 = %broadcast_in_dim3A_230, %scan3A_471 = %broadcast_in_dim3A_232) -> (vector<16xf32>, vector<16xf32>)  : i32 {
        %mul3A_472 = arith.constant 16 : i32
        %mul3A_473 = arith.muli %scan3A_469, %mul3A_472 : i32
        %add3A_474 = arith.addi %mul3A_228, %mul3A_473 : i32
        %get3A_475 = arith.index_cast %add3A_474 : i32 to index
        %get3A_476 = tpu.vector_load %arg10[%get3A_475] {strides = array<i32>} : memref<32768xf32, #tpu.memory_space<vmem>>, vector<16xf32>,
        %get3A_477 = vector.shape_cast %get3A_476 : vector<16xf32> to vector<16xf32>
        %sub3A = arith.subf %broadcast_in_dim3A_223, %get3A_477 : vector<16xf32>
        %abs3A = math.absf %sub3A : vector<16xf32>
        %add3A_478 = arith.addf %scan3A_470, %abs3A : vector<16xf32>
        %add3A_479 = arith.addf %scan3A_471, %sub3A : vector<16xf32>
        %scan3A_480 = arith.constant 1 : i32
        %scan3A_481 = arith.addi %scan3A_469, %scan3A_480 : i32
        %mul3A_482 = arith.constant 16 : i32
        %mul3A_483 = arith.muli %scan3A_481, %mul3A_482 : i32
        %add3A_484 = arith.addi %mul3A_228, %mul3A_483 : i32
        %get3A_485 = arith.index_cast %add3A_484 : i32 to index
        %get3A_486 = tpu.vector_load %arg10[%get3A_485] {strides = array<i32>} : memref<32768xf32, #tpu.memory_space<vmem>>, vector<16xf32>,
        %get3A_487 = vector.shape_cast %get3A_486 : vector<16xf32> to vector<16xf32>
        %sub3A_488 = arith.subf %broadcast_in_dim3A_223, %get3A_487 : vector<16xf32>
        %abs3A_489 = math.absf %sub3A_488 : vector<16xf32>
        %add3A_490 = arith.addf %add3A_478, %abs3A_489 : vector<16xf32>
        %add3A_491 = arith.addf %add3A_479, %sub3A_488 : vector<16xf32>
        %scan3A_492 = arith.constant 2 : i32
        %scan3A_493 = arith.addi %scan3A_469, %scan3A_492 : i32
        %mul3A_494 = arith.constant 16 : i32
        %mul3A_495 = arith.muli %scan3A_493, %mul3A_494 : i32
        %add3A_496 = arith.addi %mul3A_228, %mul3A_495 : i32
        %get3A_497 = arith.index_cast %add3A_496 : i32 to index
        %get3A_498 = tpu.vector_load %arg10[%get3A_497] {strides = array<i32>} : memref<32768xf32, #tpu.memory_space<vmem>>, vector<16xf32>,
        %get3A_499 = vector.shape_cast %get3A_498 : vector<16xf32> to vector<16xf32>
        %sub3A_500 = arith.subf %broadcast_in_dim3A_223, %get3A_499 : vector<16xf32>
        %abs3A_501 = math.absf %sub3A_500 : vector<16xf32>
        %add3A_502 = arith.addf %add3A_490, %abs3A_501 : vector<16xf32>
        %add3A_503 = arith.addf %add3A_491, %sub3A_500 : vector<16xf32>
        %scan3A_504 = arith.constant 3 : i32
        %scan3A_505 = arith.addi %scan3A_469, %scan3A_504 : i32
        %mul3A_506 = arith.constant 16 : i32
        %mul3A_507 = arith.muli %scan3A_505, %mul3A_506 : i32
        %add3A_508 = arith.addi %mul3A_228, %mul3A_507 : i32
        %get3A_509 = arith.index_cast %add3A_508 : i32 to index
        %get3A_510 = tpu.vector_load %arg10[%get3A_509] {strides = array<i32>} : memref<32768xf32, #tpu.memory_space<vmem>>, vector<16xf32>,
        %get3A_511 = vector.shape_cast %get3A_510 : vector<16xf32> to vector<16xf32>
        %sub3A_512 = arith.subf %broadcast_in_dim3A_223, %get3A_511 : vector<16xf32>
        %abs3A_513 = math.absf %sub3A_512 : vector<16xf32>
        %add3A_514 = arith.addf %add3A_502, %abs3A_513 : vector<16xf32>
        %add3A_515 = arith.addf %add3A_503, %sub3A_512 : vector<16xf32>
        %scan3A_516 = arith.constant 4 : i32
        %scan3A_517 = arith.addi %scan3A_469, %scan3A_516 : i32
        %mul3A_518 = arith.constant 16 : i32
        %mul3A_519 = arith.muli %scan3A_517, %mul3A_518 : i32
        %add3A_520 = arith.addi %mul3A_228, %mul3A_519 : i32
        %get3A_521 = arith.index_cast %add3A_520 : i32 to index
        %get3A_522 = tpu.vector_load %arg10[%get3A_521] {strides = array<i32>} : memref<32768xf32, #tpu.memory_space<vmem>>, vector<16xf32>,
        %get3A_523 = vector.shape_cast %get3A_522 : vector<16xf32> to vector<16xf32>
        %sub3A_524 = arith.subf %broadcast_in_dim3A_223, %get3A_523 : vector<16xf32>
        %abs3A_525 = math.absf %sub3A_524 : vector<16xf32>
        %add3A_526 = arith.addf %add3A_514, %abs3A_525 : vector<16xf32>
        %add3A_527 = arith.addf %add3A_515, %sub3A_524 : vector<16xf32>
        %scan3A_528 = arith.constant 5 : i32
        %scan3A_529 = arith.addi %scan3A_469, %scan3A_528 : i32
        %mul3A_530 = arith.constant 16 : i32
        %mul3A_531 = arith.muli %scan3A_529, %mul3A_530 : i32
        %add3A_532 = arith.addi %mul3A_228, %mul3A_531 : i32
        %get3A_533 = arith.index_cast %add3A_532 : i32 to index
        %get3A_534 = tpu.vector_load %arg10[%get3A_533] {strides = array<i32>} : memref<32768xf32, #tpu.memory_space<vmem>>, vector<16xf32>,
        %get3A_535 = vector.shape_cast %get3A_534 : vector<16xf32> to vector<16xf32>
        %sub3A_536 = arith.subf %broadcast_in_dim3A_223, %get3A_535 : vector<16xf32>
        %abs3A_537 = math.absf %sub3A_536 : vector<16xf32>
        %add3A_538 = arith.addf %add3A_526, %abs3A_537 : vector<16xf32>
        %add3A_539 = arith.addf %add3A_527, %sub3A_536 : vector<16xf32>
        %scan3A_540 = arith.constant 6 : i32
        %scan3A_541 = arith.addi %scan3A_469, %scan3A_540 : i32
        %mul3A_542 = arith.constant 16 : i32
        %mul3A_543 = arith.muli %scan3A_541, %mul3A_542 : i32
        %add3A_544 = arith.addi %mul3A_228, %mul3A_543 : i32
        %get3A_545 = arith.index_cast %add3A_544 : i32 to index
        %get3A_546 = tpu.vector_load %arg10[%get3A_545] {strides = array<i32>} : memref<32768xf32, #tpu.memory_space<vmem>>, vector<16xf32>,
        %get3A_547 = vector.shape_cast %get3A_546 : vector<16xf32> to vector<16xf32>
        %sub3A_548 = arith.subf %broadcast_in_dim3A_223, %get3A_547 : vector<16xf32>
        %abs3A_549 = math.absf %sub3A_548 : vector<16xf32>
        %add3A_550 = arith.addf %add3A_538, %abs3A_549 : vector<16xf32>
        %add3A_551 = arith.addf %add3A_539, %sub3A_548 : vector<16xf32>
        %scan3A_552 = arith.constant 7 : i32
        %scan3A_553 = arith.addi %scan3A_469, %scan3A_552 : i32
        %mul3A_554 = arith.constant 16 : i32
        %mul3A_555 = arith.muli %scan3A_553, %mul3A_554 : i32
        %add3A_556 = arith.addi %mul3A_228, %mul3A_555 : i32
        %get3A_557 = arith.index_cast %add3A_556 : i32 to index
        %get3A_558 = tpu.vector_load %arg10[%get3A_557] {strides = array<i32>} : memref<32768xf32, #tpu.memory_space<vmem>>, vector<16xf32>,
        %get3A_559 = vector.shape_cast %get3A_558 : vector<16xf32> to vector<16xf32>
        %sub3A_560 = arith.subf %broadcast_in_dim3A_223, %get3A_559 : vector<16xf32>
        %abs3A_561 = math.absf %sub3A_560 : vector<16xf32>
        %add3A_562 = arith.addf %add3A_550, %abs3A_561 : vector<16xf32>
        %add3A_563 = arith.addf %add3A_551, %sub3A_560 : vector<16xf32>
        scf.yield %add3A_562, %add3A_563 : vector<16xf32>, vector<16xf32>
      }
      %scan3A_238 = arith.constant 64 : i32
      %mul3A_239 = arith.mulf %broadcast_in_dim3A_226, %scan3A_237#0 : vector<16xf32>
      %add3A_240 = arith.addf %add3A_215, %mul3A_239 : vector<16xf32>
      %mul3A_241 = arith.mulf %broadcast_in_dim3A_226, %scan3A_237#1 : vector<16xf32>
      %add3A_242 = arith.addf %add3A_217, %mul3A_241 : vector<16xf32>
      %add3A_243 = arith.addf %add3A_218, %broadcast_in_dim3A_226 : vector<16xf32>
      %slice3A_244 = vector.extract_strided_slice %get3A_60 {offsets = [7], sizes = [1], strides = [1]} : vector<16xi32> to vector<1xi32>
      %squeeze3A_245 = vector.extract %slice3A_244[0] : i32 from vector<1xi32>
      %slice3A_246 = vector.extract_strided_slice %get3A_65 {offsets = [7], sizes = [1], strides = [1]} : vector<16xf32> to vector<1xf32>
      %squeeze3A_247 = vector.extract %slice3A_246[0] : f32 from vector<1xf32>
      %broadcast_in_dim3A_248 = vector.broadcast %squeeze3A_247 : f32 to vector<16xf32>
      %slice3A_249 = vector.extract_strided_slice %get3A_70 {offsets = [7], sizes = [1], strides = [1]} : vector<16xf32> to vector<1xf32>
      %squeeze3A_250 = vector.extract %slice3A_249[0] : f32 from vector<1xf32>
      %broadcast_in_dim3A_251 = vector.broadcast %squeeze3A_250 : f32 to vector<16xf32>
      %mul3A_252 = arith.constant 1024 : i32
      %mul3A_253 = arith.muli %squeeze3A_245, %mul3A_252 : i32
      %broadcast_in_dim3A_254 = arith.constant 0.000000e+00 : f32
      %broadcast_in_dim3A_255 = vector.broadcast %broadcast_in_dim3A_254 : f32 to vector<16xf32>
      %broadcast_in_dim3A_256 = arith.constant 0.000000e+00 : f32
      %broadcast_in_dim3A_257 = vector.broadcast %broadcast_in_dim3A_256 : f32 to vector<16xf32>
      %scan3A_258 = arith.constant 0 : i32
      %scan3A_259 = arith.constant 64 : i32
      %scan3A_260 = arith.addi %scan3A_258, %scan3A_259 : i32
      %scan3A_261 = arith.constant 8 : i32
      %scan3A_262:2 = scf.for %scan3A_469 = %scan3A_258 to %scan3A_260 step %scan3A_261 iter_args(%scan3A_470 = %broadcast_in_dim3A_255, %scan3A_471 = %broadcast_in_dim3A_257) -> (vector<16xf32>, vector<16xf32>)  : i32 {
        %mul3A_472 = arith.constant 16 : i32
        %mul3A_473 = arith.muli %scan3A_469, %mul3A_472 : i32
        %add3A_474 = arith.addi %mul3A_253, %mul3A_473 : i32
        %get3A_475 = arith.index_cast %add3A_474 : i32 to index
        %get3A_476 = tpu.vector_load %arg10[%get3A_475] {strides = array<i32>} : memref<32768xf32, #tpu.memory_space<vmem>>, vector<16xf32>,
        %get3A_477 = vector.shape_cast %get3A_476 : vector<16xf32> to vector<16xf32>
        %sub3A = arith.subf %broadcast_in_dim3A_248, %get3A_477 : vector<16xf32>
        %abs3A = math.absf %sub3A : vector<16xf32>
        %add3A_478 = arith.addf %scan3A_470, %abs3A : vector<16xf32>
        %add3A_479 = arith.addf %scan3A_471, %sub3A : vector<16xf32>
        %scan3A_480 = arith.constant 1 : i32
        %scan3A_481 = arith.addi %scan3A_469, %scan3A_480 : i32
        %mul3A_482 = arith.constant 16 : i32
        %mul3A_483 = arith.muli %scan3A_481, %mul3A_482 : i32
        %add3A_484 = arith.addi %mul3A_253, %mul3A_483 : i32
        %get3A_485 = arith.index_cast %add3A_484 : i32 to index
        %get3A_486 = tpu.vector_load %arg10[%get3A_485] {strides = array<i32>} : memref<32768xf32, #tpu.memory_space<vmem>>, vector<16xf32>,
        %get3A_487 = vector.shape_cast %get3A_486 : vector<16xf32> to vector<16xf32>
        %sub3A_488 = arith.subf %broadcast_in_dim3A_248, %get3A_487 : vector<16xf32>
        %abs3A_489 = math.absf %sub3A_488 : vector<16xf32>
        %add3A_490 = arith.addf %add3A_478, %abs3A_489 : vector<16xf32>
        %add3A_491 = arith.addf %add3A_479, %sub3A_488 : vector<16xf32>
        %scan3A_492 = arith.constant 2 : i32
        %scan3A_493 = arith.addi %scan3A_469, %scan3A_492 : i32
        %mul3A_494 = arith.constant 16 : i32
        %mul3A_495 = arith.muli %scan3A_493, %mul3A_494 : i32
        %add3A_496 = arith.addi %mul3A_253, %mul3A_495 : i32
        %get3A_497 = arith.index_cast %add3A_496 : i32 to index
        %get3A_498 = tpu.vector_load %arg10[%get3A_497] {strides = array<i32>} : memref<32768xf32, #tpu.memory_space<vmem>>, vector<16xf32>,
        %get3A_499 = vector.shape_cast %get3A_498 : vector<16xf32> to vector<16xf32>
        %sub3A_500 = arith.subf %broadcast_in_dim3A_248, %get3A_499 : vector<16xf32>
        %abs3A_501 = math.absf %sub3A_500 : vector<16xf32>
        %add3A_502 = arith.addf %add3A_490, %abs3A_501 : vector<16xf32>
        %add3A_503 = arith.addf %add3A_491, %sub3A_500 : vector<16xf32>
        %scan3A_504 = arith.constant 3 : i32
        %scan3A_505 = arith.addi %scan3A_469, %scan3A_504 : i32
        %mul3A_506 = arith.constant 16 : i32
        %mul3A_507 = arith.muli %scan3A_505, %mul3A_506 : i32
        %add3A_508 = arith.addi %mul3A_253, %mul3A_507 : i32
        %get3A_509 = arith.index_cast %add3A_508 : i32 to index
        %get3A_510 = tpu.vector_load %arg10[%get3A_509] {strides = array<i32>} : memref<32768xf32, #tpu.memory_space<vmem>>, vector<16xf32>,
        %get3A_511 = vector.shape_cast %get3A_510 : vector<16xf32> to vector<16xf32>
        %sub3A_512 = arith.subf %broadcast_in_dim3A_248, %get3A_511 : vector<16xf32>
        %abs3A_513 = math.absf %sub3A_512 : vector<16xf32>
        %add3A_514 = arith.addf %add3A_502, %abs3A_513 : vector<16xf32>
        %add3A_515 = arith.addf %add3A_503, %sub3A_512 : vector<16xf32>
        %scan3A_516 = arith.constant 4 : i32
        %scan3A_517 = arith.addi %scan3A_469, %scan3A_516 : i32
        %mul3A_518 = arith.constant 16 : i32
        %mul3A_519 = arith.muli %scan3A_517, %mul3A_518 : i32
        %add3A_520 = arith.addi %mul3A_253, %mul3A_519 : i32
        %get3A_521 = arith.index_cast %add3A_520 : i32 to index
        %get3A_522 = tpu.vector_load %arg10[%get3A_521] {strides = array<i32>} : memref<32768xf32, #tpu.memory_space<vmem>>, vector<16xf32>,
        %get3A_523 = vector.shape_cast %get3A_522 : vector<16xf32> to vector<16xf32>
        %sub3A_524 = arith.subf %broadcast_in_dim3A_248, %get3A_523 : vector<16xf32>
        %abs3A_525 = math.absf %sub3A_524 : vector<16xf32>
        %add3A_526 = arith.addf %add3A_514, %abs3A_525 : vector<16xf32>
        %add3A_527 = arith.addf %add3A_515, %sub3A_524 : vector<16xf32>
        %scan3A_528 = arith.constant 5 : i32
        %scan3A_529 = arith.addi %scan3A_469, %scan3A_528 : i32
        %mul3A_530 = arith.constant 16 : i32
        %mul3A_531 = arith.muli %scan3A_529, %mul3A_530 : i32
        %add3A_532 = arith.addi %mul3A_253, %mul3A_531 : i32
        %get3A_533 = arith.index_cast %add3A_532 : i32 to index
        %get3A_534 = tpu.vector_load %arg10[%get3A_533] {strides = array<i32>} : memref<32768xf32, #tpu.memory_space<vmem>>, vector<16xf32>,
        %get3A_535 = vector.shape_cast %get3A_534 : vector<16xf32> to vector<16xf32>
        %sub3A_536 = arith.subf %broadcast_in_dim3A_248, %get3A_535 : vector<16xf32>
        %abs3A_537 = math.absf %sub3A_536 : vector<16xf32>
        %add3A_538 = arith.addf %add3A_526, %abs3A_537 : vector<16xf32>
        %add3A_539 = arith.addf %add3A_527, %sub3A_536 : vector<16xf32>
        %scan3A_540 = arith.constant 6 : i32
        %scan3A_541 = arith.addi %scan3A_469, %scan3A_540 : i32
        %mul3A_542 = arith.constant 16 : i32
        %mul3A_543 = arith.muli %scan3A_541, %mul3A_542 : i32
        %add3A_544 = arith.addi %mul3A_253, %mul3A_543 : i32
        %get3A_545 = arith.index_cast %add3A_544 : i32 to index
        %get3A_546 = tpu.vector_load %arg10[%get3A_545] {strides = array<i32>} : memref<32768xf32, #tpu.memory_space<vmem>>, vector<16xf32>,
        %get3A_547 = vector.shape_cast %get3A_546 : vector<16xf32> to vector<16xf32>
        %sub3A_548 = arith.subf %broadcast_in_dim3A_248, %get3A_547 : vector<16xf32>
        %abs3A_549 = math.absf %sub3A_548 : vector<16xf32>
        %add3A_550 = arith.addf %add3A_538, %abs3A_549 : vector<16xf32>
        %add3A_551 = arith.addf %add3A_539, %sub3A_548 : vector<16xf32>
        %scan3A_552 = arith.constant 7 : i32
        %scan3A_553 = arith.addi %scan3A_469, %scan3A_552 : i32
        %mul3A_554 = arith.constant 16 : i32
        %mul3A_555 = arith.muli %scan3A_553, %mul3A_554 : i32
        %add3A_556 = arith.addi %mul3A_253, %mul3A_555 : i32
        %get3A_557 = arith.index_cast %add3A_556 : i32 to index
        %get3A_558 = tpu.vector_load %arg10[%get3A_557] {strides = array<i32>} : memref<32768xf32, #tpu.memory_space<vmem>>, vector<16xf32>,
        %get3A_559 = vector.shape_cast %get3A_558 : vector<16xf32> to vector<16xf32>
        %sub3A_560 = arith.subf %broadcast_in_dim3A_248, %get3A_559 : vector<16xf32>
        %abs3A_561 = math.absf %sub3A_560 : vector<16xf32>
        %add3A_562 = arith.addf %add3A_550, %abs3A_561 : vector<16xf32>
        %add3A_563 = arith.addf %add3A_551, %sub3A_560 : vector<16xf32>
        scf.yield %add3A_562, %add3A_563 : vector<16xf32>, vector<16xf32>
      }
      %scan3A_263 = arith.constant 64 : i32
      %mul3A_264 = arith.mulf %broadcast_in_dim3A_251, %scan3A_262#0 : vector<16xf32>
      %add3A_265 = arith.addf %add3A_240, %mul3A_264 : vector<16xf32>
      %mul3A_266 = arith.mulf %broadcast_in_dim3A_251, %scan3A_262#1 : vector<16xf32>
      %add3A_267 = arith.addf %add3A_242, %mul3A_266 : vector<16xf32>
      %add3A_268 = arith.addf %add3A_243, %broadcast_in_dim3A_251 : vector<16xf32>
      %slice3A_269 = vector.extract_strided_slice %get3A_60 {offsets = [8], sizes = [1], strides = [1]} : vector<16xi32> to vector<1xi32>
      %squeeze3A_270 = vector.extract %slice3A_269[0] : i32 from vector<1xi32>
      %slice3A_271 = vector.extract_strided_slice %get3A_65 {offsets = [8], sizes = [1], strides = [1]} : vector<16xf32> to vector<1xf32>
      %squeeze3A_272 = vector.extract %slice3A_271[0] : f32 from vector<1xf32>
      %broadcast_in_dim3A_273 = vector.broadcast %squeeze3A_272 : f32 to vector<16xf32>
      %slice3A_274 = vector.extract_strided_slice %get3A_70 {offsets = [8], sizes = [1], strides = [1]} : vector<16xf32> to vector<1xf32>
      %squeeze3A_275 = vector.extract %slice3A_274[0] : f32 from vector<1xf32>
      %broadcast_in_dim3A_276 = vector.broadcast %squeeze3A_275 : f32 to vector<16xf32>
      %mul3A_277 = arith.constant 1024 : i32
      %mul3A_278 = arith.muli %squeeze3A_270, %mul3A_277 : i32
      %broadcast_in_dim3A_279 = arith.constant 0.000000e+00 : f32
      %broadcast_in_dim3A_280 = vector.broadcast %broadcast_in_dim3A_279 : f32 to vector<16xf32>
      %broadcast_in_dim3A_281 = arith.constant 0.000000e+00 : f32
      %broadcast_in_dim3A_282 = vector.broadcast %broadcast_in_dim3A_281 : f32 to vector<16xf32>
      %scan3A_283 = arith.constant 0 : i32
      %scan3A_284 = arith.constant 64 : i32
      %scan3A_285 = arith.addi %scan3A_283, %scan3A_284 : i32
      %scan3A_286 = arith.constant 8 : i32
      %scan3A_287:2 = scf.for %scan3A_469 = %scan3A_283 to %scan3A_285 step %scan3A_286 iter_args(%scan3A_470 = %broadcast_in_dim3A_280, %scan3A_471 = %broadcast_in_dim3A_282) -> (vector<16xf32>, vector<16xf32>)  : i32 {
        %mul3A_472 = arith.constant 16 : i32
        %mul3A_473 = arith.muli %scan3A_469, %mul3A_472 : i32
        %add3A_474 = arith.addi %mul3A_278, %mul3A_473 : i32
        %get3A_475 = arith.index_cast %add3A_474 : i32 to index
        %get3A_476 = tpu.vector_load %arg10[%get3A_475] {strides = array<i32>} : memref<32768xf32, #tpu.memory_space<vmem>>, vector<16xf32>,
        %get3A_477 = vector.shape_cast %get3A_476 : vector<16xf32> to vector<16xf32>
        %sub3A = arith.subf %broadcast_in_dim3A_273, %get3A_477 : vector<16xf32>
        %abs3A = math.absf %sub3A : vector<16xf32>
        %add3A_478 = arith.addf %scan3A_470, %abs3A : vector<16xf32>
        %add3A_479 = arith.addf %scan3A_471, %sub3A : vector<16xf32>
        %scan3A_480 = arith.constant 1 : i32
        %scan3A_481 = arith.addi %scan3A_469, %scan3A_480 : i32
        %mul3A_482 = arith.constant 16 : i32
        %mul3A_483 = arith.muli %scan3A_481, %mul3A_482 : i32
        %add3A_484 = arith.addi %mul3A_278, %mul3A_483 : i32
        %get3A_485 = arith.index_cast %add3A_484 : i32 to index
        %get3A_486 = tpu.vector_load %arg10[%get3A_485] {strides = array<i32>} : memref<32768xf32, #tpu.memory_space<vmem>>, vector<16xf32>,
        %get3A_487 = vector.shape_cast %get3A_486 : vector<16xf32> to vector<16xf32>
        %sub3A_488 = arith.subf %broadcast_in_dim3A_273, %get3A_487 : vector<16xf32>
        %abs3A_489 = math.absf %sub3A_488 : vector<16xf32>
        %add3A_490 = arith.addf %add3A_478, %abs3A_489 : vector<16xf32>
        %add3A_491 = arith.addf %add3A_479, %sub3A_488 : vector<16xf32>
        %scan3A_492 = arith.constant 2 : i32
        %scan3A_493 = arith.addi %scan3A_469, %scan3A_492 : i32
        %mul3A_494 = arith.constant 16 : i32
        %mul3A_495 = arith.muli %scan3A_493, %mul3A_494 : i32
        %add3A_496 = arith.addi %mul3A_278, %mul3A_495 : i32
        %get3A_497 = arith.index_cast %add3A_496 : i32 to index
        %get3A_498 = tpu.vector_load %arg10[%get3A_497] {strides = array<i32>} : memref<32768xf32, #tpu.memory_space<vmem>>, vector<16xf32>,
        %get3A_499 = vector.shape_cast %get3A_498 : vector<16xf32> to vector<16xf32>
        %sub3A_500 = arith.subf %broadcast_in_dim3A_273, %get3A_499 : vector<16xf32>
        %abs3A_501 = math.absf %sub3A_500 : vector<16xf32>
        %add3A_502 = arith.addf %add3A_490, %abs3A_501 : vector<16xf32>
        %add3A_503 = arith.addf %add3A_491, %sub3A_500 : vector<16xf32>
        %scan3A_504 = arith.constant 3 : i32
        %scan3A_505 = arith.addi %scan3A_469, %scan3A_504 : i32
        %mul3A_506 = arith.constant 16 : i32
        %mul3A_507 = arith.muli %scan3A_505, %mul3A_506 : i32
        %add3A_508 = arith.addi %mul3A_278, %mul3A_507 : i32
        %get3A_509 = arith.index_cast %add3A_508 : i32 to index
        %get3A_510 = tpu.vector_load %arg10[%get3A_509] {strides = array<i32>} : memref<32768xf32, #tpu.memory_space<vmem>>, vector<16xf32>,
        %get3A_511 = vector.shape_cast %get3A_510 : vector<16xf32> to vector<16xf32>
        %sub3A_512 = arith.subf %broadcast_in_dim3A_273, %get3A_511 : vector<16xf32>
        %abs3A_513 = math.absf %sub3A_512 : vector<16xf32>
        %add3A_514 = arith.addf %add3A_502, %abs3A_513 : vector<16xf32>
        %add3A_515 = arith.addf %add3A_503, %sub3A_512 : vector<16xf32>
        %scan3A_516 = arith.constant 4 : i32
        %scan3A_517 = arith.addi %scan3A_469, %scan3A_516 : i32
        %mul3A_518 = arith.constant 16 : i32
        %mul3A_519 = arith.muli %scan3A_517, %mul3A_518 : i32
        %add3A_520 = arith.addi %mul3A_278, %mul3A_519 : i32
        %get3A_521 = arith.index_cast %add3A_520 : i32 to index
        %get3A_522 = tpu.vector_load %arg10[%get3A_521] {strides = array<i32>} : memref<32768xf32, #tpu.memory_space<vmem>>, vector<16xf32>,
        %get3A_523 = vector.shape_cast %get3A_522 : vector<16xf32> to vector<16xf32>
        %sub3A_524 = arith.subf %broadcast_in_dim3A_273, %get3A_523 : vector<16xf32>
        %abs3A_525 = math.absf %sub3A_524 : vector<16xf32>
        %add3A_526 = arith.addf %add3A_514, %abs3A_525 : vector<16xf32>
        %add3A_527 = arith.addf %add3A_515, %sub3A_524 : vector<16xf32>
        %scan3A_528 = arith.constant 5 : i32
        %scan3A_529 = arith.addi %scan3A_469, %scan3A_528 : i32
        %mul3A_530 = arith.constant 16 : i32
        %mul3A_531 = arith.muli %scan3A_529, %mul3A_530 : i32
        %add3A_532 = arith.addi %mul3A_278, %mul3A_531 : i32
        %get3A_533 = arith.index_cast %add3A_532 : i32 to index
        %get3A_534 = tpu.vector_load %arg10[%get3A_533] {strides = array<i32>} : memref<32768xf32, #tpu.memory_space<vmem>>, vector<16xf32>,
        %get3A_535 = vector.shape_cast %get3A_534 : vector<16xf32> to vector<16xf32>
        %sub3A_536 = arith.subf %broadcast_in_dim3A_273, %get3A_535 : vector<16xf32>
        %abs3A_537 = math.absf %sub3A_536 : vector<16xf32>
        %add3A_538 = arith.addf %add3A_526, %abs3A_537 : vector<16xf32>
        %add3A_539 = arith.addf %add3A_527, %sub3A_536 : vector<16xf32>
        %scan3A_540 = arith.constant 6 : i32
        %scan3A_541 = arith.addi %scan3A_469, %scan3A_540 : i32
        %mul3A_542 = arith.constant 16 : i32
        %mul3A_543 = arith.muli %scan3A_541, %mul3A_542 : i32
        %add3A_544 = arith.addi %mul3A_278, %mul3A_543 : i32
        %get3A_545 = arith.index_cast %add3A_544 : i32 to index
        %get3A_546 = tpu.vector_load %arg10[%get3A_545] {strides = array<i32>} : memref<32768xf32, #tpu.memory_space<vmem>>, vector<16xf32>,
        %get3A_547 = vector.shape_cast %get3A_546 : vector<16xf32> to vector<16xf32>
        %sub3A_548 = arith.subf %broadcast_in_dim3A_273, %get3A_547 : vector<16xf32>
        %abs3A_549 = math.absf %sub3A_548 : vector<16xf32>
        %add3A_550 = arith.addf %add3A_538, %abs3A_549 : vector<16xf32>
        %add3A_551 = arith.addf %add3A_539, %sub3A_548 : vector<16xf32>
        %scan3A_552 = arith.constant 7 : i32
        %scan3A_553 = arith.addi %scan3A_469, %scan3A_552 : i32
        %mul3A_554 = arith.constant 16 : i32
        %mul3A_555 = arith.muli %scan3A_553, %mul3A_554 : i32
        %add3A_556 = arith.addi %mul3A_278, %mul3A_555 : i32
        %get3A_557 = arith.index_cast %add3A_556 : i32 to index
        %get3A_558 = tpu.vector_load %arg10[%get3A_557] {strides = array<i32>} : memref<32768xf32, #tpu.memory_space<vmem>>, vector<16xf32>,
        %get3A_559 = vector.shape_cast %get3A_558 : vector<16xf32> to vector<16xf32>
        %sub3A_560 = arith.subf %broadcast_in_dim3A_273, %get3A_559 : vector<16xf32>
        %abs3A_561 = math.absf %sub3A_560 : vector<16xf32>
        %add3A_562 = arith.addf %add3A_550, %abs3A_561 : vector<16xf32>
        %add3A_563 = arith.addf %add3A_551, %sub3A_560 : vector<16xf32>
        scf.yield %add3A_562, %add3A_563 : vector<16xf32>, vector<16xf32>
      }
      %scan3A_288 = arith.constant 64 : i32
      %mul3A_289 = arith.mulf %broadcast_in_dim3A_276, %scan3A_287#0 : vector<16xf32>
      %add3A_290 = arith.addf %add3A_265, %mul3A_289 : vector<16xf32>
      %mul3A_291 = arith.mulf %broadcast_in_dim3A_276, %scan3A_287#1 : vector<16xf32>
      %add3A_292 = arith.addf %add3A_267, %mul3A_291 : vector<16xf32>
      %add3A_293 = arith.addf %add3A_268, %broadcast_in_dim3A_276 : vector<16xf32>
      %slice3A_294 = vector.extract_strided_slice %get3A_60 {offsets = [9], sizes = [1], strides = [1]} : vector<16xi32> to vector<1xi32>
      %squeeze3A_295 = vector.extract %slice3A_294[0] : i32 from vector<1xi32>
      %slice3A_296 = vector.extract_strided_slice %get3A_65 {offsets = [9], sizes = [1], strides = [1]} : vector<16xf32> to vector<1xf32>
      %squeeze3A_297 = vector.extract %slice3A_296[0] : f32 from vector<1xf32>
      %broadcast_in_dim3A_298 = vector.broadcast %squeeze3A_297 : f32 to vector<16xf32>
      %slice3A_299 = vector.extract_strided_slice %get3A_70 {offsets = [9], sizes = [1], strides = [1]} : vector<16xf32> to vector<1xf32>
      %squeeze3A_300 = vector.extract %slice3A_299[0] : f32 from vector<1xf32>
      %broadcast_in_dim3A_301 = vector.broadcast %squeeze3A_300 : f32 to vector<16xf32>
      %mul3A_302 = arith.constant 1024 : i32
      %mul3A_303 = arith.muli %squeeze3A_295, %mul3A_302 : i32
      %broadcast_in_dim3A_304 = arith.constant 0.000000e+00 : f32
      %broadcast_in_dim3A_305 = vector.broadcast %broadcast_in_dim3A_304 : f32 to vector<16xf32>
      %broadcast_in_dim3A_306 = arith.constant 0.000000e+00 : f32
      %broadcast_in_dim3A_307 = vector.broadcast %broadcast_in_dim3A_306 : f32 to vector<16xf32>
      %scan3A_308 = arith.constant 0 : i32
      %scan3A_309 = arith.constant 64 : i32
      %scan3A_310 = arith.addi %scan3A_308, %scan3A_309 : i32
      %scan3A_311 = arith.constant 8 : i32
      %scan3A_312:2 = scf.for %scan3A_469 = %scan3A_308 to %scan3A_310 step %scan3A_311 iter_args(%scan3A_470 = %broadcast_in_dim3A_305, %scan3A_471 = %broadcast_in_dim3A_307) -> (vector<16xf32>, vector<16xf32>)  : i32 {
        %mul3A_472 = arith.constant 16 : i32
        %mul3A_473 = arith.muli %scan3A_469, %mul3A_472 : i32
        %add3A_474 = arith.addi %mul3A_303, %mul3A_473 : i32
        %get3A_475 = arith.index_cast %add3A_474 : i32 to index
        %get3A_476 = tpu.vector_load %arg10[%get3A_475] {strides = array<i32>} : memref<32768xf32, #tpu.memory_space<vmem>>, vector<16xf32>,
        %get3A_477 = vector.shape_cast %get3A_476 : vector<16xf32> to vector<16xf32>
        %sub3A = arith.subf %broadcast_in_dim3A_298, %get3A_477 : vector<16xf32>
        %abs3A = math.absf %sub3A : vector<16xf32>
        %add3A_478 = arith.addf %scan3A_470, %abs3A : vector<16xf32>
        %add3A_479 = arith.addf %scan3A_471, %sub3A : vector<16xf32>
        %scan3A_480 = arith.constant 1 : i32
        %scan3A_481 = arith.addi %scan3A_469, %scan3A_480 : i32
        %mul3A_482 = arith.constant 16 : i32
        %mul3A_483 = arith.muli %scan3A_481, %mul3A_482 : i32
        %add3A_484 = arith.addi %mul3A_303, %mul3A_483 : i32
        %get3A_485 = arith.index_cast %add3A_484 : i32 to index
        %get3A_486 = tpu.vector_load %arg10[%get3A_485] {strides = array<i32>} : memref<32768xf32, #tpu.memory_space<vmem>>, vector<16xf32>,
        %get3A_487 = vector.shape_cast %get3A_486 : vector<16xf32> to vector<16xf32>
        %sub3A_488 = arith.subf %broadcast_in_dim3A_298, %get3A_487 : vector<16xf32>
        %abs3A_489 = math.absf %sub3A_488 : vector<16xf32>
        %add3A_490 = arith.addf %add3A_478, %abs3A_489 : vector<16xf32>
        %add3A_491 = arith.addf %add3A_479, %sub3A_488 : vector<16xf32>
        %scan3A_492 = arith.constant 2 : i32
        %scan3A_493 = arith.addi %scan3A_469, %scan3A_492 : i32
        %mul3A_494 = arith.constant 16 : i32
        %mul3A_495 = arith.muli %scan3A_493, %mul3A_494 : i32
        %add3A_496 = arith.addi %mul3A_303, %mul3A_495 : i32
        %get3A_497 = arith.index_cast %add3A_496 : i32 to index
        %get3A_498 = tpu.vector_load %arg10[%get3A_497] {strides = array<i32>} : memref<32768xf32, #tpu.memory_space<vmem>>, vector<16xf32>,
        %get3A_499 = vector.shape_cast %get3A_498 : vector<16xf32> to vector<16xf32>
        %sub3A_500 = arith.subf %broadcast_in_dim3A_298, %get3A_499 : vector<16xf32>
        %abs3A_501 = math.absf %sub3A_500 : vector<16xf32>
        %add3A_502 = arith.addf %add3A_490, %abs3A_501 : vector<16xf32>
        %add3A_503 = arith.addf %add3A_491, %sub3A_500 : vector<16xf32>
        %scan3A_504 = arith.constant 3 : i32
        %scan3A_505 = arith.addi %scan3A_469, %scan3A_504 : i32
        %mul3A_506 = arith.constant 16 : i32
        %mul3A_507 = arith.muli %scan3A_505, %mul3A_506 : i32
        %add3A_508 = arith.addi %mul3A_303, %mul3A_507 : i32
        %get3A_509 = arith.index_cast %add3A_508 : i32 to index
        %get3A_510 = tpu.vector_load %arg10[%get3A_509] {strides = array<i32>} : memref<32768xf32, #tpu.memory_space<vmem>>, vector<16xf32>,
        %get3A_511 = vector.shape_cast %get3A_510 : vector<16xf32> to vector<16xf32>
        %sub3A_512 = arith.subf %broadcast_in_dim3A_298, %get3A_511 : vector<16xf32>
        %abs3A_513 = math.absf %sub3A_512 : vector<16xf32>
        %add3A_514 = arith.addf %add3A_502, %abs3A_513 : vector<16xf32>
        %add3A_515 = arith.addf %add3A_503, %sub3A_512 : vector<16xf32>
        %scan3A_516 = arith.constant 4 : i32
        %scan3A_517 = arith.addi %scan3A_469, %scan3A_516 : i32
        %mul3A_518 = arith.constant 16 : i32
        %mul3A_519 = arith.muli %scan3A_517, %mul3A_518 : i32
        %add3A_520 = arith.addi %mul3A_303, %mul3A_519 : i32
        %get3A_521 = arith.index_cast %add3A_520 : i32 to index
        %get3A_522 = tpu.vector_load %arg10[%get3A_521] {strides = array<i32>} : memref<32768xf32, #tpu.memory_space<vmem>>, vector<16xf32>,
        %get3A_523 = vector.shape_cast %get3A_522 : vector<16xf32> to vector<16xf32>
        %sub3A_524 = arith.subf %broadcast_in_dim3A_298, %get3A_523 : vector<16xf32>
        %abs3A_525 = math.absf %sub3A_524 : vector<16xf32>
        %add3A_526 = arith.addf %add3A_514, %abs3A_525 : vector<16xf32>
        %add3A_527 = arith.addf %add3A_515, %sub3A_524 : vector<16xf32>
        %scan3A_528 = arith.constant 5 : i32
        %scan3A_529 = arith.addi %scan3A_469, %scan3A_528 : i32
        %mul3A_530 = arith.constant 16 : i32
        %mul3A_531 = arith.muli %scan3A_529, %mul3A_530 : i32
        %add3A_532 = arith.addi %mul3A_303, %mul3A_531 : i32
        %get3A_533 = arith.index_cast %add3A_532 : i32 to index
        %get3A_534 = tpu.vector_load %arg10[%get3A_533] {strides = array<i32>} : memref<32768xf32, #tpu.memory_space<vmem>>, vector<16xf32>,
        %get3A_535 = vector.shape_cast %get3A_534 : vector<16xf32> to vector<16xf32>
        %sub3A_536 = arith.subf %broadcast_in_dim3A_298, %get3A_535 : vector<16xf32>
        %abs3A_537 = math.absf %sub3A_536 : vector<16xf32>
        %add3A_538 = arith.addf %add3A_526, %abs3A_537 : vector<16xf32>
        %add3A_539 = arith.addf %add3A_527, %sub3A_536 : vector<16xf32>
        %scan3A_540 = arith.constant 6 : i32
        %scan3A_541 = arith.addi %scan3A_469, %scan3A_540 : i32
        %mul3A_542 = arith.constant 16 : i32
        %mul3A_543 = arith.muli %scan3A_541, %mul3A_542 : i32
        %add3A_544 = arith.addi %mul3A_303, %mul3A_543 : i32
        %get3A_545 = arith.index_cast %add3A_544 : i32 to index
        %get3A_546 = tpu.vector_load %arg10[%get3A_545] {strides = array<i32>} : memref<32768xf32, #tpu.memory_space<vmem>>, vector<16xf32>,
        %get3A_547 = vector.shape_cast %get3A_546 : vector<16xf32> to vector<16xf32>
        %sub3A_548 = arith.subf %broadcast_in_dim3A_298, %get3A_547 : vector<16xf32>
        %abs3A_549 = math.absf %sub3A_548 : vector<16xf32>
        %add3A_550 = arith.addf %add3A_538, %abs3A_549 : vector<16xf32>
        %add3A_551 = arith.addf %add3A_539, %sub3A_548 : vector<16xf32>
        %scan3A_552 = arith.constant 7 : i32
        %scan3A_553 = arith.addi %scan3A_469, %scan3A_552 : i32
        %mul3A_554 = arith.constant 16 : i32
        %mul3A_555 = arith.muli %scan3A_553, %mul3A_554 : i32
        %add3A_556 = arith.addi %mul3A_303, %mul3A_555 : i32
        %get3A_557 = arith.index_cast %add3A_556 : i32 to index
        %get3A_558 = tpu.vector_load %arg10[%get3A_557] {strides = array<i32>} : memref<32768xf32, #tpu.memory_space<vmem>>, vector<16xf32>,
        %get3A_559 = vector.shape_cast %get3A_558 : vector<16xf32> to vector<16xf32>
        %sub3A_560 = arith.subf %broadcast_in_dim3A_298, %get3A_559 : vector<16xf32>
        %abs3A_561 = math.absf %sub3A_560 : vector<16xf32>
        %add3A_562 = arith.addf %add3A_550, %abs3A_561 : vector<16xf32>
        %add3A_563 = arith.addf %add3A_551, %sub3A_560 : vector<16xf32>
        scf.yield %add3A_562, %add3A_563 : vector<16xf32>, vector<16xf32>
      }
      %scan3A_313 = arith.constant 64 : i32
      %mul3A_314 = arith.mulf %broadcast_in_dim3A_301, %scan3A_312#0 : vector<16xf32>
      %add3A_315 = arith.addf %add3A_290, %mul3A_314 : vector<16xf32>
      %mul3A_316 = arith.mulf %broadcast_in_dim3A_301, %scan3A_312#1 : vector<16xf32>
      %add3A_317 = arith.addf %add3A_292, %mul3A_316 : vector<16xf32>
      %add3A_318 = arith.addf %add3A_293, %broadcast_in_dim3A_301 : vector<16xf32>
      %slice3A_319 = vector.extract_strided_slice %get3A_60 {offsets = [10], sizes = [1], strides = [1]} : vector<16xi32> to vector<1xi32>
      %squeeze3A_320 = vector.extract %slice3A_319[0] : i32 from vector<1xi32>
      %slice3A_321 = vector.extract_strided_slice %get3A_65 {offsets = [10], sizes = [1], strides = [1]} : vector<16xf32> to vector<1xf32>
      %squeeze3A_322 = vector.extract %slice3A_321[0] : f32 from vector<1xf32>
      %broadcast_in_dim3A_323 = vector.broadcast %squeeze3A_322 : f32 to vector<16xf32>
      %slice3A_324 = vector.extract_strided_slice %get3A_70 {offsets = [10], sizes = [1], strides = [1]} : vector<16xf32> to vector<1xf32>
      %squeeze3A_325 = vector.extract %slice3A_324[0] : f32 from vector<1xf32>
      %broadcast_in_dim3A_326 = vector.broadcast %squeeze3A_325 : f32 to vector<16xf32>
      %mul3A_327 = arith.constant 1024 : i32
      %mul3A_328 = arith.muli %squeeze3A_320, %mul3A_327 : i32
      %broadcast_in_dim3A_329 = arith.constant 0.000000e+00 : f32
      %broadcast_in_dim3A_330 = vector.broadcast %broadcast_in_dim3A_329 : f32 to vector<16xf32>
      %broadcast_in_dim3A_331 = arith.constant 0.000000e+00 : f32
      %broadcast_in_dim3A_332 = vector.broadcast %broadcast_in_dim3A_331 : f32 to vector<16xf32>
      %scan3A_333 = arith.constant 0 : i32
      %scan3A_334 = arith.constant 64 : i32
      %scan3A_335 = arith.addi %scan3A_333, %scan3A_334 : i32
      %scan3A_336 = arith.constant 8 : i32
      %scan3A_337:2 = scf.for %scan3A_469 = %scan3A_333 to %scan3A_335 step %scan3A_336 iter_args(%scan3A_470 = %broadcast_in_dim3A_330, %scan3A_471 = %broadcast_in_dim3A_332) -> (vector<16xf32>, vector<16xf32>)  : i32 {
        %mul3A_472 = arith.constant 16 : i32
        %mul3A_473 = arith.muli %scan3A_469, %mul3A_472 : i32
        %add3A_474 = arith.addi %mul3A_328, %mul3A_473 : i32
        %get3A_475 = arith.index_cast %add3A_474 : i32 to index
        %get3A_476 = tpu.vector_load %arg10[%get3A_475] {strides = array<i32>} : memref<32768xf32, #tpu.memory_space<vmem>>, vector<16xf32>,
        %get3A_477 = vector.shape_cast %get3A_476 : vector<16xf32> to vector<16xf32>
        %sub3A = arith.subf %broadcast_in_dim3A_323, %get3A_477 : vector<16xf32>
        %abs3A = math.absf %sub3A : vector<16xf32>
        %add3A_478 = arith.addf %scan3A_470, %abs3A : vector<16xf32>
        %add3A_479 = arith.addf %scan3A_471, %sub3A : vector<16xf32>
        %scan3A_480 = arith.constant 1 : i32
        %scan3A_481 = arith.addi %scan3A_469, %scan3A_480 : i32
        %mul3A_482 = arith.constant 16 : i32
        %mul3A_483 = arith.muli %scan3A_481, %mul3A_482 : i32
        %add3A_484 = arith.addi %mul3A_328, %mul3A_483 : i32
        %get3A_485 = arith.index_cast %add3A_484 : i32 to index
        %get3A_486 = tpu.vector_load %arg10[%get3A_485] {strides = array<i32>} : memref<32768xf32, #tpu.memory_space<vmem>>, vector<16xf32>,
        %get3A_487 = vector.shape_cast %get3A_486 : vector<16xf32> to vector<16xf32>
        %sub3A_488 = arith.subf %broadcast_in_dim3A_323, %get3A_487 : vector<16xf32>
        %abs3A_489 = math.absf %sub3A_488 : vector<16xf32>
        %add3A_490 = arith.addf %add3A_478, %abs3A_489 : vector<16xf32>
        %add3A_491 = arith.addf %add3A_479, %sub3A_488 : vector<16xf32>
        %scan3A_492 = arith.constant 2 : i32
        %scan3A_493 = arith.addi %scan3A_469, %scan3A_492 : i32
        %mul3A_494 = arith.constant 16 : i32
        %mul3A_495 = arith.muli %scan3A_493, %mul3A_494 : i32
        %add3A_496 = arith.addi %mul3A_328, %mul3A_495 : i32
        %get3A_497 = arith.index_cast %add3A_496 : i32 to index
        %get3A_498 = tpu.vector_load %arg10[%get3A_497] {strides = array<i32>} : memref<32768xf32, #tpu.memory_space<vmem>>, vector<16xf32>,
        %get3A_499 = vector.shape_cast %get3A_498 : vector<16xf32> to vector<16xf32>
        %sub3A_500 = arith.subf %broadcast_in_dim3A_323, %get3A_499 : vector<16xf32>
        %abs3A_501 = math.absf %sub3A_500 : vector<16xf32>
        %add3A_502 = arith.addf %add3A_490, %abs3A_501 : vector<16xf32>
        %add3A_503 = arith.addf %add3A_491, %sub3A_500 : vector<16xf32>
        %scan3A_504 = arith.constant 3 : i32
        %scan3A_505 = arith.addi %scan3A_469, %scan3A_504 : i32
        %mul3A_506 = arith.constant 16 : i32
        %mul3A_507 = arith.muli %scan3A_505, %mul3A_506 : i32
        %add3A_508 = arith.addi %mul3A_328, %mul3A_507 : i32
        %get3A_509 = arith.index_cast %add3A_508 : i32 to index
        %get3A_510 = tpu.vector_load %arg10[%get3A_509] {strides = array<i32>} : memref<32768xf32, #tpu.memory_space<vmem>>, vector<16xf32>,
        %get3A_511 = vector.shape_cast %get3A_510 : vector<16xf32> to vector<16xf32>
        %sub3A_512 = arith.subf %broadcast_in_dim3A_323, %get3A_511 : vector<16xf32>
        %abs3A_513 = math.absf %sub3A_512 : vector<16xf32>
        %add3A_514 = arith.addf %add3A_502, %abs3A_513 : vector<16xf32>
        %add3A_515 = arith.addf %add3A_503, %sub3A_512 : vector<16xf32>
        %scan3A_516 = arith.constant 4 : i32
        %scan3A_517 = arith.addi %scan3A_469, %scan3A_516 : i32
        %mul3A_518 = arith.constant 16 : i32
        %mul3A_519 = arith.muli %scan3A_517, %mul3A_518 : i32
        %add3A_520 = arith.addi %mul3A_328, %mul3A_519 : i32
        %get3A_521 = arith.index_cast %add3A_520 : i32 to index
        %get3A_522 = tpu.vector_load %arg10[%get3A_521] {strides = array<i32>} : memref<32768xf32, #tpu.memory_space<vmem>>, vector<16xf32>,
        %get3A_523 = vector.shape_cast %get3A_522 : vector<16xf32> to vector<16xf32>
        %sub3A_524 = arith.subf %broadcast_in_dim3A_323, %get3A_523 : vector<16xf32>
        %abs3A_525 = math.absf %sub3A_524 : vector<16xf32>
        %add3A_526 = arith.addf %add3A_514, %abs3A_525 : vector<16xf32>
        %add3A_527 = arith.addf %add3A_515, %sub3A_524 : vector<16xf32>
        %scan3A_528 = arith.constant 5 : i32
        %scan3A_529 = arith.addi %scan3A_469, %scan3A_528 : i32
        %mul3A_530 = arith.constant 16 : i32
        %mul3A_531 = arith.muli %scan3A_529, %mul3A_530 : i32
        %add3A_532 = arith.addi %mul3A_328, %mul3A_531 : i32
        %get3A_533 = arith.index_cast %add3A_532 : i32 to index
        %get3A_534 = tpu.vector_load %arg10[%get3A_533] {strides = array<i32>} : memref<32768xf32, #tpu.memory_space<vmem>>, vector<16xf32>,
        %get3A_535 = vector.shape_cast %get3A_534 : vector<16xf32> to vector<16xf32>
        %sub3A_536 = arith.subf %broadcast_in_dim3A_323, %get3A_535 : vector<16xf32>
        %abs3A_537 = math.absf %sub3A_536 : vector<16xf32>
        %add3A_538 = arith.addf %add3A_526, %abs3A_537 : vector<16xf32>
        %add3A_539 = arith.addf %add3A_527, %sub3A_536 : vector<16xf32>
        %scan3A_540 = arith.constant 6 : i32
        %scan3A_541 = arith.addi %scan3A_469, %scan3A_540 : i32
        %mul3A_542 = arith.constant 16 : i32
        %mul3A_543 = arith.muli %scan3A_541, %mul3A_542 : i32
        %add3A_544 = arith.addi %mul3A_328, %mul3A_543 : i32
        %get3A_545 = arith.index_cast %add3A_544 : i32 to index
        %get3A_546 = tpu.vector_load %arg10[%get3A_545] {strides = array<i32>} : memref<32768xf32, #tpu.memory_space<vmem>>, vector<16xf32>,
        %get3A_547 = vector.shape_cast %get3A_546 : vector<16xf32> to vector<16xf32>
        %sub3A_548 = arith.subf %broadcast_in_dim3A_323, %get3A_547 : vector<16xf32>
        %abs3A_549 = math.absf %sub3A_548 : vector<16xf32>
        %add3A_550 = arith.addf %add3A_538, %abs3A_549 : vector<16xf32>
        %add3A_551 = arith.addf %add3A_539, %sub3A_548 : vector<16xf32>
        %scan3A_552 = arith.constant 7 : i32
        %scan3A_553 = arith.addi %scan3A_469, %scan3A_552 : i32
        %mul3A_554 = arith.constant 16 : i32
        %mul3A_555 = arith.muli %scan3A_553, %mul3A_554 : i32
        %add3A_556 = arith.addi %mul3A_328, %mul3A_555 : i32
        %get3A_557 = arith.index_cast %add3A_556 : i32 to index
        %get3A_558 = tpu.vector_load %arg10[%get3A_557] {strides = array<i32>} : memref<32768xf32, #tpu.memory_space<vmem>>, vector<16xf32>,
        %get3A_559 = vector.shape_cast %get3A_558 : vector<16xf32> to vector<16xf32>
        %sub3A_560 = arith.subf %broadcast_in_dim3A_323, %get3A_559 : vector<16xf32>
        %abs3A_561 = math.absf %sub3A_560 : vector<16xf32>
        %add3A_562 = arith.addf %add3A_550, %abs3A_561 : vector<16xf32>
        %add3A_563 = arith.addf %add3A_551, %sub3A_560 : vector<16xf32>
        scf.yield %add3A_562, %add3A_563 : vector<16xf32>, vector<16xf32>
      }
      %scan3A_338 = arith.constant 64 : i32
      %mul3A_339 = arith.mulf %broadcast_in_dim3A_326, %scan3A_337#0 : vector<16xf32>
      %add3A_340 = arith.addf %add3A_315, %mul3A_339 : vector<16xf32>
      %mul3A_341 = arith.mulf %broadcast_in_dim3A_326, %scan3A_337#1 : vector<16xf32>
      %add3A_342 = arith.addf %add3A_317, %mul3A_341 : vector<16xf32>
      %add3A_343 = arith.addf %add3A_318, %broadcast_in_dim3A_326 : vector<16xf32>
      %slice3A_344 = vector.extract_strided_slice %get3A_60 {offsets = [11], sizes = [1], strides = [1]} : vector<16xi32> to vector<1xi32>
      %squeeze3A_345 = vector.extract %slice3A_344[0] : i32 from vector<1xi32>
      %slice3A_346 = vector.extract_strided_slice %get3A_65 {offsets = [11], sizes = [1], strides = [1]} : vector<16xf32> to vector<1xf32>
      %squeeze3A_347 = vector.extract %slice3A_346[0] : f32 from vector<1xf32>
      %broadcast_in_dim3A_348 = vector.broadcast %squeeze3A_347 : f32 to vector<16xf32>
      %slice3A_349 = vector.extract_strided_slice %get3A_70 {offsets = [11], sizes = [1], strides = [1]} : vector<16xf32> to vector<1xf32>
      %squeeze3A_350 = vector.extract %slice3A_349[0] : f32 from vector<1xf32>
      %broadcast_in_dim3A_351 = vector.broadcast %squeeze3A_350 : f32 to vector<16xf32>
      %mul3A_352 = arith.constant 1024 : i32
      %mul3A_353 = arith.muli %squeeze3A_345, %mul3A_352 : i32
      %broadcast_in_dim3A_354 = arith.constant 0.000000e+00 : f32
      %broadcast_in_dim3A_355 = vector.broadcast %broadcast_in_dim3A_354 : f32 to vector<16xf32>
      %broadcast_in_dim3A_356 = arith.constant 0.000000e+00 : f32
      %broadcast_in_dim3A_357 = vector.broadcast %broadcast_in_dim3A_356 : f32 to vector<16xf32>
      %scan3A_358 = arith.constant 0 : i32
      %scan3A_359 = arith.constant 64 : i32
      %scan3A_360 = arith.addi %scan3A_358, %scan3A_359 : i32
      %scan3A_361 = arith.constant 8 : i32
      %scan3A_362:2 = scf.for %scan3A_469 = %scan3A_358 to %scan3A_360 step %scan3A_361 iter_args(%scan3A_470 = %broadcast_in_dim3A_355, %scan3A_471 = %broadcast_in_dim3A_357) -> (vector<16xf32>, vector<16xf32>)  : i32 {
        %mul3A_472 = arith.constant 16 : i32
        %mul3A_473 = arith.muli %scan3A_469, %mul3A_472 : i32
        %add3A_474 = arith.addi %mul3A_353, %mul3A_473 : i32
        %get3A_475 = arith.index_cast %add3A_474 : i32 to index
        %get3A_476 = tpu.vector_load %arg10[%get3A_475] {strides = array<i32>} : memref<32768xf32, #tpu.memory_space<vmem>>, vector<16xf32>,
        %get3A_477 = vector.shape_cast %get3A_476 : vector<16xf32> to vector<16xf32>
        %sub3A = arith.subf %broadcast_in_dim3A_348, %get3A_477 : vector<16xf32>
        %abs3A = math.absf %sub3A : vector<16xf32>
        %add3A_478 = arith.addf %scan3A_470, %abs3A : vector<16xf32>
        %add3A_479 = arith.addf %scan3A_471, %sub3A : vector<16xf32>
        %scan3A_480 = arith.constant 1 : i32
        %scan3A_481 = arith.addi %scan3A_469, %scan3A_480 : i32
        %mul3A_482 = arith.constant 16 : i32
        %mul3A_483 = arith.muli %scan3A_481, %mul3A_482 : i32
        %add3A_484 = arith.addi %mul3A_353, %mul3A_483 : i32
        %get3A_485 = arith.index_cast %add3A_484 : i32 to index
        %get3A_486 = tpu.vector_load %arg10[%get3A_485] {strides = array<i32>} : memref<32768xf32, #tpu.memory_space<vmem>>, vector<16xf32>,
        %get3A_487 = vector.shape_cast %get3A_486 : vector<16xf32> to vector<16xf32>
        %sub3A_488 = arith.subf %broadcast_in_dim3A_348, %get3A_487 : vector<16xf32>
        %abs3A_489 = math.absf %sub3A_488 : vector<16xf32>
        %add3A_490 = arith.addf %add3A_478, %abs3A_489 : vector<16xf32>
        %add3A_491 = arith.addf %add3A_479, %sub3A_488 : vector<16xf32>
        %scan3A_492 = arith.constant 2 : i32
        %scan3A_493 = arith.addi %scan3A_469, %scan3A_492 : i32
        %mul3A_494 = arith.constant 16 : i32
        %mul3A_495 = arith.muli %scan3A_493, %mul3A_494 : i32
        %add3A_496 = arith.addi %mul3A_353, %mul3A_495 : i32
        %get3A_497 = arith.index_cast %add3A_496 : i32 to index
        %get3A_498 = tpu.vector_load %arg10[%get3A_497] {strides = array<i32>} : memref<32768xf32, #tpu.memory_space<vmem>>, vector<16xf32>,
        %get3A_499 = vector.shape_cast %get3A_498 : vector<16xf32> to vector<16xf32>
        %sub3A_500 = arith.subf %broadcast_in_dim3A_348, %get3A_499 : vector<16xf32>
        %abs3A_501 = math.absf %sub3A_500 : vector<16xf32>
        %add3A_502 = arith.addf %add3A_490, %abs3A_501 : vector<16xf32>
        %add3A_503 = arith.addf %add3A_491, %sub3A_500 : vector<16xf32>
        %scan3A_504 = arith.constant 3 : i32
        %scan3A_505 = arith.addi %scan3A_469, %scan3A_504 : i32
        %mul3A_506 = arith.constant 16 : i32
        %mul3A_507 = arith.muli %scan3A_505, %mul3A_506 : i32
        %add3A_508 = arith.addi %mul3A_353, %mul3A_507 : i32
        %get3A_509 = arith.index_cast %add3A_508 : i32 to index
        %get3A_510 = tpu.vector_load %arg10[%get3A_509] {strides = array<i32>} : memref<32768xf32, #tpu.memory_space<vmem>>, vector<16xf32>,
        %get3A_511 = vector.shape_cast %get3A_510 : vector<16xf32> to vector<16xf32>
        %sub3A_512 = arith.subf %broadcast_in_dim3A_348, %get3A_511 : vector<16xf32>
        %abs3A_513 = math.absf %sub3A_512 : vector<16xf32>
        %add3A_514 = arith.addf %add3A_502, %abs3A_513 : vector<16xf32>
        %add3A_515 = arith.addf %add3A_503, %sub3A_512 : vector<16xf32>
        %scan3A_516 = arith.constant 4 : i32
        %scan3A_517 = arith.addi %scan3A_469, %scan3A_516 : i32
        %mul3A_518 = arith.constant 16 : i32
        %mul3A_519 = arith.muli %scan3A_517, %mul3A_518 : i32
        %add3A_520 = arith.addi %mul3A_353, %mul3A_519 : i32
        %get3A_521 = arith.index_cast %add3A_520 : i32 to index
        %get3A_522 = tpu.vector_load %arg10[%get3A_521] {strides = array<i32>} : memref<32768xf32, #tpu.memory_space<vmem>>, vector<16xf32>,
        %get3A_523 = vector.shape_cast %get3A_522 : vector<16xf32> to vector<16xf32>
        %sub3A_524 = arith.subf %broadcast_in_dim3A_348, %get3A_523 : vector<16xf32>
        %abs3A_525 = math.absf %sub3A_524 : vector<16xf32>
        %add3A_526 = arith.addf %add3A_514, %abs3A_525 : vector<16xf32>
        %add3A_527 = arith.addf %add3A_515, %sub3A_524 : vector<16xf32>
        %scan3A_528 = arith.constant 5 : i32
        %scan3A_529 = arith.addi %scan3A_469, %scan3A_528 : i32
        %mul3A_530 = arith.constant 16 : i32
        %mul3A_531 = arith.muli %scan3A_529, %mul3A_530 : i32
        %add3A_532 = arith.addi %mul3A_353, %mul3A_531 : i32
        %get3A_533 = arith.index_cast %add3A_532 : i32 to index
        %get3A_534 = tpu.vector_load %arg10[%get3A_533] {strides = array<i32>} : memref<32768xf32, #tpu.memory_space<vmem>>, vector<16xf32>,
        %get3A_535 = vector.shape_cast %get3A_534 : vector<16xf32> to vector<16xf32>
        %sub3A_536 = arith.subf %broadcast_in_dim3A_348, %get3A_535 : vector<16xf32>
        %abs3A_537 = math.absf %sub3A_536 : vector<16xf32>
        %add3A_538 = arith.addf %add3A_526, %abs3A_537 : vector<16xf32>
        %add3A_539 = arith.addf %add3A_527, %sub3A_536 : vector<16xf32>
        %scan3A_540 = arith.constant 6 : i32
        %scan3A_541 = arith.addi %scan3A_469, %scan3A_540 : i32
        %mul3A_542 = arith.constant 16 : i32
        %mul3A_543 = arith.muli %scan3A_541, %mul3A_542 : i32
        %add3A_544 = arith.addi %mul3A_353, %mul3A_543 : i32
        %get3A_545 = arith.index_cast %add3A_544 : i32 to index
        %get3A_546 = tpu.vector_load %arg10[%get3A_545] {strides = array<i32>} : memref<32768xf32, #tpu.memory_space<vmem>>, vector<16xf32>,
        %get3A_547 = vector.shape_cast %get3A_546 : vector<16xf32> to vector<16xf32>
        %sub3A_548 = arith.subf %broadcast_in_dim3A_348, %get3A_547 : vector<16xf32>
        %abs3A_549 = math.absf %sub3A_548 : vector<16xf32>
        %add3A_550 = arith.addf %add3A_538, %abs3A_549 : vector<16xf32>
        %add3A_551 = arith.addf %add3A_539, %sub3A_548 : vector<16xf32>
        %scan3A_552 = arith.constant 7 : i32
        %scan3A_553 = arith.addi %scan3A_469, %scan3A_552 : i32
        %mul3A_554 = arith.constant 16 : i32
        %mul3A_555 = arith.muli %scan3A_553, %mul3A_554 : i32
        %add3A_556 = arith.addi %mul3A_353, %mul3A_555 : i32
        %get3A_557 = arith.index_cast %add3A_556 : i32 to index
        %get3A_558 = tpu.vector_load %arg10[%get3A_557] {strides = array<i32>} : memref<32768xf32, #tpu.memory_space<vmem>>, vector<16xf32>,
        %get3A_559 = vector.shape_cast %get3A_558 : vector<16xf32> to vector<16xf32>
        %sub3A_560 = arith.subf %broadcast_in_dim3A_348, %get3A_559 : vector<16xf32>
        %abs3A_561 = math.absf %sub3A_560 : vector<16xf32>
        %add3A_562 = arith.addf %add3A_550, %abs3A_561 : vector<16xf32>
        %add3A_563 = arith.addf %add3A_551, %sub3A_560 : vector<16xf32>
        scf.yield %add3A_562, %add3A_563 : vector<16xf32>, vector<16xf32>
      }
      %scan3A_363 = arith.constant 64 : i32
      %mul3A_364 = arith.mulf %broadcast_in_dim3A_351, %scan3A_362#0 : vector<16xf32>
      %add3A_365 = arith.addf %add3A_340, %mul3A_364 : vector<16xf32>
      %mul3A_366 = arith.mulf %broadcast_in_dim3A_351, %scan3A_362#1 : vector<16xf32>
      %add3A_367 = arith.addf %add3A_342, %mul3A_366 : vector<16xf32>
      %add3A_368 = arith.addf %add3A_343, %broadcast_in_dim3A_351 : vector<16xf32>
      %slice3A_369 = vector.extract_strided_slice %get3A_60 {offsets = [12], sizes = [1], strides = [1]} : vector<16xi32> to vector<1xi32>
      %squeeze3A_370 = vector.extract %slice3A_369[0] : i32 from vector<1xi32>
      %slice3A_371 = vector.extract_strided_slice %get3A_65 {offsets = [12], sizes = [1], strides = [1]} : vector<16xf32> to vector<1xf32>
      %squeeze3A_372 = vector.extract %slice3A_371[0] : f32 from vector<1xf32>
      %broadcast_in_dim3A_373 = vector.broadcast %squeeze3A_372 : f32 to vector<16xf32>
      %slice3A_374 = vector.extract_strided_slice %get3A_70 {offsets = [12], sizes = [1], strides = [1]} : vector<16xf32> to vector<1xf32>
      %squeeze3A_375 = vector.extract %slice3A_374[0] : f32 from vector<1xf32>
      %broadcast_in_dim3A_376 = vector.broadcast %squeeze3A_375 : f32 to vector<16xf32>
      %mul3A_377 = arith.constant 1024 : i32
      %mul3A_378 = arith.muli %squeeze3A_370, %mul3A_377 : i32
      %broadcast_in_dim3A_379 = arith.constant 0.000000e+00 : f32
      %broadcast_in_dim3A_380 = vector.broadcast %broadcast_in_dim3A_379 : f32 to vector<16xf32>
      %broadcast_in_dim3A_381 = arith.constant 0.000000e+00 : f32
      %broadcast_in_dim3A_382 = vector.broadcast %broadcast_in_dim3A_381 : f32 to vector<16xf32>
      %scan3A_383 = arith.constant 0 : i32
      %scan3A_384 = arith.constant 64 : i32
      %scan3A_385 = arith.addi %scan3A_383, %scan3A_384 : i32
      %scan3A_386 = arith.constant 8 : i32
      %scan3A_387:2 = scf.for %scan3A_469 = %scan3A_383 to %scan3A_385 step %scan3A_386 iter_args(%scan3A_470 = %broadcast_in_dim3A_380, %scan3A_471 = %broadcast_in_dim3A_382) -> (vector<16xf32>, vector<16xf32>)  : i32 {
        %mul3A_472 = arith.constant 16 : i32
        %mul3A_473 = arith.muli %scan3A_469, %mul3A_472 : i32
        %add3A_474 = arith.addi %mul3A_378, %mul3A_473 : i32
        %get3A_475 = arith.index_cast %add3A_474 : i32 to index
        %get3A_476 = tpu.vector_load %arg10[%get3A_475] {strides = array<i32>} : memref<32768xf32, #tpu.memory_space<vmem>>, vector<16xf32>,
        %get3A_477 = vector.shape_cast %get3A_476 : vector<16xf32> to vector<16xf32>
        %sub3A = arith.subf %broadcast_in_dim3A_373, %get3A_477 : vector<16xf32>
        %abs3A = math.absf %sub3A : vector<16xf32>
        %add3A_478 = arith.addf %scan3A_470, %abs3A : vector<16xf32>
        %add3A_479 = arith.addf %scan3A_471, %sub3A : vector<16xf32>
        %scan3A_480 = arith.constant 1 : i32
        %scan3A_481 = arith.addi %scan3A_469, %scan3A_480 : i32
        %mul3A_482 = arith.constant 16 : i32
        %mul3A_483 = arith.muli %scan3A_481, %mul3A_482 : i32
        %add3A_484 = arith.addi %mul3A_378, %mul3A_483 : i32
        %get3A_485 = arith.index_cast %add3A_484 : i32 to index
        %get3A_486 = tpu.vector_load %arg10[%get3A_485] {strides = array<i32>} : memref<32768xf32, #tpu.memory_space<vmem>>, vector<16xf32>,
        %get3A_487 = vector.shape_cast %get3A_486 : vector<16xf32> to vector<16xf32>
        %sub3A_488 = arith.subf %broadcast_in_dim3A_373, %get3A_487 : vector<16xf32>
        %abs3A_489 = math.absf %sub3A_488 : vector<16xf32>
        %add3A_490 = arith.addf %add3A_478, %abs3A_489 : vector<16xf32>
        %add3A_491 = arith.addf %add3A_479, %sub3A_488 : vector<16xf32>
        %scan3A_492 = arith.constant 2 : i32
        %scan3A_493 = arith.addi %scan3A_469, %scan3A_492 : i32
        %mul3A_494 = arith.constant 16 : i32
        %mul3A_495 = arith.muli %scan3A_493, %mul3A_494 : i32
        %add3A_496 = arith.addi %mul3A_378, %mul3A_495 : i32
        %get3A_497 = arith.index_cast %add3A_496 : i32 to index
        %get3A_498 = tpu.vector_load %arg10[%get3A_497] {strides = array<i32>} : memref<32768xf32, #tpu.memory_space<vmem>>, vector<16xf32>,
        %get3A_499 = vector.shape_cast %get3A_498 : vector<16xf32> to vector<16xf32>
        %sub3A_500 = arith.subf %broadcast_in_dim3A_373, %get3A_499 : vector<16xf32>
        %abs3A_501 = math.absf %sub3A_500 : vector<16xf32>
        %add3A_502 = arith.addf %add3A_490, %abs3A_501 : vector<16xf32>
        %add3A_503 = arith.addf %add3A_491, %sub3A_500 : vector<16xf32>
        %scan3A_504 = arith.constant 3 : i32
        %scan3A_505 = arith.addi %scan3A_469, %scan3A_504 : i32
        %mul3A_506 = arith.constant 16 : i32
        %mul3A_507 = arith.muli %scan3A_505, %mul3A_506 : i32
        %add3A_508 = arith.addi %mul3A_378, %mul3A_507 : i32
        %get3A_509 = arith.index_cast %add3A_508 : i32 to index
        %get3A_510 = tpu.vector_load %arg10[%get3A_509] {strides = array<i32>} : memref<32768xf32, #tpu.memory_space<vmem>>, vector<16xf32>,
        %get3A_511 = vector.shape_cast %get3A_510 : vector<16xf32> to vector<16xf32>
        %sub3A_512 = arith.subf %broadcast_in_dim3A_373, %get3A_511 : vector<16xf32>
        %abs3A_513 = math.absf %sub3A_512 : vector<16xf32>
        %add3A_514 = arith.addf %add3A_502, %abs3A_513 : vector<16xf32>
        %add3A_515 = arith.addf %add3A_503, %sub3A_512 : vector<16xf32>
        %scan3A_516 = arith.constant 4 : i32
        %scan3A_517 = arith.addi %scan3A_469, %scan3A_516 : i32
        %mul3A_518 = arith.constant 16 : i32
        %mul3A_519 = arith.muli %scan3A_517, %mul3A_518 : i32
        %add3A_520 = arith.addi %mul3A_378, %mul3A_519 : i32
        %get3A_521 = arith.index_cast %add3A_520 : i32 to index
        %get3A_522 = tpu.vector_load %arg10[%get3A_521] {strides = array<i32>} : memref<32768xf32, #tpu.memory_space<vmem>>, vector<16xf32>,
        %get3A_523 = vector.shape_cast %get3A_522 : vector<16xf32> to vector<16xf32>
        %sub3A_524 = arith.subf %broadcast_in_dim3A_373, %get3A_523 : vector<16xf32>
        %abs3A_525 = math.absf %sub3A_524 : vector<16xf32>
        %add3A_526 = arith.addf %add3A_514, %abs3A_525 : vector<16xf32>
        %add3A_527 = arith.addf %add3A_515, %sub3A_524 : vector<16xf32>
        %scan3A_528 = arith.constant 5 : i32
        %scan3A_529 = arith.addi %scan3A_469, %scan3A_528 : i32
        %mul3A_530 = arith.constant 16 : i32
        %mul3A_531 = arith.muli %scan3A_529, %mul3A_530 : i32
        %add3A_532 = arith.addi %mul3A_378, %mul3A_531 : i32
        %get3A_533 = arith.index_cast %add3A_532 : i32 to index
        %get3A_534 = tpu.vector_load %arg10[%get3A_533] {strides = array<i32>} : memref<32768xf32, #tpu.memory_space<vmem>>, vector<16xf32>,
        %get3A_535 = vector.shape_cast %get3A_534 : vector<16xf32> to vector<16xf32>
        %sub3A_536 = arith.subf %broadcast_in_dim3A_373, %get3A_535 : vector<16xf32>
        %abs3A_537 = math.absf %sub3A_536 : vector<16xf32>
        %add3A_538 = arith.addf %add3A_526, %abs3A_537 : vector<16xf32>
        %add3A_539 = arith.addf %add3A_527, %sub3A_536 : vector<16xf32>
        %scan3A_540 = arith.constant 6 : i32
        %scan3A_541 = arith.addi %scan3A_469, %scan3A_540 : i32
        %mul3A_542 = arith.constant 16 : i32
        %mul3A_543 = arith.muli %scan3A_541, %mul3A_542 : i32
        %add3A_544 = arith.addi %mul3A_378, %mul3A_543 : i32
        %get3A_545 = arith.index_cast %add3A_544 : i32 to index
        %get3A_546 = tpu.vector_load %arg10[%get3A_545] {strides = array<i32>} : memref<32768xf32, #tpu.memory_space<vmem>>, vector<16xf32>,
        %get3A_547 = vector.shape_cast %get3A_546 : vector<16xf32> to vector<16xf32>
        %sub3A_548 = arith.subf %broadcast_in_dim3A_373, %get3A_547 : vector<16xf32>
        %abs3A_549 = math.absf %sub3A_548 : vector<16xf32>
        %add3A_550 = arith.addf %add3A_538, %abs3A_549 : vector<16xf32>
        %add3A_551 = arith.addf %add3A_539, %sub3A_548 : vector<16xf32>
        %scan3A_552 = arith.constant 7 : i32
        %scan3A_553 = arith.addi %scan3A_469, %scan3A_552 : i32
        %mul3A_554 = arith.constant 16 : i32
        %mul3A_555 = arith.muli %scan3A_553, %mul3A_554 : i32
        %add3A_556 = arith.addi %mul3A_378, %mul3A_555 : i32
        %get3A_557 = arith.index_cast %add3A_556 : i32 to index
        %get3A_558 = tpu.vector_load %arg10[%get3A_557] {strides = array<i32>} : memref<32768xf32, #tpu.memory_space<vmem>>, vector<16xf32>,
        %get3A_559 = vector.shape_cast %get3A_558 : vector<16xf32> to vector<16xf32>
        %sub3A_560 = arith.subf %broadcast_in_dim3A_373, %get3A_559 : vector<16xf32>
        %abs3A_561 = math.absf %sub3A_560 : vector<16xf32>
        %add3A_562 = arith.addf %add3A_550, %abs3A_561 : vector<16xf32>
        %add3A_563 = arith.addf %add3A_551, %sub3A_560 : vector<16xf32>
        scf.yield %add3A_562, %add3A_563 : vector<16xf32>, vector<16xf32>
      }
      %scan3A_388 = arith.constant 64 : i32
      %mul3A_389 = arith.mulf %broadcast_in_dim3A_376, %scan3A_387#0 : vector<16xf32>
      %add3A_390 = arith.addf %add3A_365, %mul3A_389 : vector<16xf32>
      %mul3A_391 = arith.mulf %broadcast_in_dim3A_376, %scan3A_387#1 : vector<16xf32>
      %add3A_392 = arith.addf %add3A_367, %mul3A_391 : vector<16xf32>
      %add3A_393 = arith.addf %add3A_368, %broadcast_in_dim3A_376 : vector<16xf32>
      %slice3A_394 = vector.extract_strided_slice %get3A_60 {offsets = [13], sizes = [1], strides = [1]} : vector<16xi32> to vector<1xi32>
      %squeeze3A_395 = vector.extract %slice3A_394[0] : i32 from vector<1xi32>
      %slice3A_396 = vector.extract_strided_slice %get3A_65 {offsets = [13], sizes = [1], strides = [1]} : vector<16xf32> to vector<1xf32>
      %squeeze3A_397 = vector.extract %slice3A_396[0] : f32 from vector<1xf32>
      %broadcast_in_dim3A_398 = vector.broadcast %squeeze3A_397 : f32 to vector<16xf32>
      %slice3A_399 = vector.extract_strided_slice %get3A_70 {offsets = [13], sizes = [1], strides = [1]} : vector<16xf32> to vector<1xf32>
      %squeeze3A_400 = vector.extract %slice3A_399[0] : f32 from vector<1xf32>
      %broadcast_in_dim3A_401 = vector.broadcast %squeeze3A_400 : f32 to vector<16xf32>
      %mul3A_402 = arith.constant 1024 : i32
      %mul3A_403 = arith.muli %squeeze3A_395, %mul3A_402 : i32
      %broadcast_in_dim3A_404 = arith.constant 0.000000e+00 : f32
      %broadcast_in_dim3A_405 = vector.broadcast %broadcast_in_dim3A_404 : f32 to vector<16xf32>
      %broadcast_in_dim3A_406 = arith.constant 0.000000e+00 : f32
      %broadcast_in_dim3A_407 = vector.broadcast %broadcast_in_dim3A_406 : f32 to vector<16xf32>
      %scan3A_408 = arith.constant 0 : i32
      %scan3A_409 = arith.constant 64 : i32
      %scan3A_410 = arith.addi %scan3A_408, %scan3A_409 : i32
      %scan3A_411 = arith.constant 8 : i32
      %scan3A_412:2 = scf.for %scan3A_469 = %scan3A_408 to %scan3A_410 step %scan3A_411 iter_args(%scan3A_470 = %broadcast_in_dim3A_405, %scan3A_471 = %broadcast_in_dim3A_407) -> (vector<16xf32>, vector<16xf32>)  : i32 {
        %mul3A_472 = arith.constant 16 : i32
        %mul3A_473 = arith.muli %scan3A_469, %mul3A_472 : i32
        %add3A_474 = arith.addi %mul3A_403, %mul3A_473 : i32
        %get3A_475 = arith.index_cast %add3A_474 : i32 to index
        %get3A_476 = tpu.vector_load %arg10[%get3A_475] {strides = array<i32>} : memref<32768xf32, #tpu.memory_space<vmem>>, vector<16xf32>,
        %get3A_477 = vector.shape_cast %get3A_476 : vector<16xf32> to vector<16xf32>
        %sub3A = arith.subf %broadcast_in_dim3A_398, %get3A_477 : vector<16xf32>
        %abs3A = math.absf %sub3A : vector<16xf32>
        %add3A_478 = arith.addf %scan3A_470, %abs3A : vector<16xf32>
        %add3A_479 = arith.addf %scan3A_471, %sub3A : vector<16xf32>
        %scan3A_480 = arith.constant 1 : i32
        %scan3A_481 = arith.addi %scan3A_469, %scan3A_480 : i32
        %mul3A_482 = arith.constant 16 : i32
        %mul3A_483 = arith.muli %scan3A_481, %mul3A_482 : i32
        %add3A_484 = arith.addi %mul3A_403, %mul3A_483 : i32
        %get3A_485 = arith.index_cast %add3A_484 : i32 to index
        %get3A_486 = tpu.vector_load %arg10[%get3A_485] {strides = array<i32>} : memref<32768xf32, #tpu.memory_space<vmem>>, vector<16xf32>,
        %get3A_487 = vector.shape_cast %get3A_486 : vector<16xf32> to vector<16xf32>
        %sub3A_488 = arith.subf %broadcast_in_dim3A_398, %get3A_487 : vector<16xf32>
        %abs3A_489 = math.absf %sub3A_488 : vector<16xf32>
        %add3A_490 = arith.addf %add3A_478, %abs3A_489 : vector<16xf32>
        %add3A_491 = arith.addf %add3A_479, %sub3A_488 : vector<16xf32>
        %scan3A_492 = arith.constant 2 : i32
        %scan3A_493 = arith.addi %scan3A_469, %scan3A_492 : i32
        %mul3A_494 = arith.constant 16 : i32
        %mul3A_495 = arith.muli %scan3A_493, %mul3A_494 : i32
        %add3A_496 = arith.addi %mul3A_403, %mul3A_495 : i32
        %get3A_497 = arith.index_cast %add3A_496 : i32 to index
        %get3A_498 = tpu.vector_load %arg10[%get3A_497] {strides = array<i32>} : memref<32768xf32, #tpu.memory_space<vmem>>, vector<16xf32>,
        %get3A_499 = vector.shape_cast %get3A_498 : vector<16xf32> to vector<16xf32>
        %sub3A_500 = arith.subf %broadcast_in_dim3A_398, %get3A_499 : vector<16xf32>
        %abs3A_501 = math.absf %sub3A_500 : vector<16xf32>
        %add3A_502 = arith.addf %add3A_490, %abs3A_501 : vector<16xf32>
        %add3A_503 = arith.addf %add3A_491, %sub3A_500 : vector<16xf32>
        %scan3A_504 = arith.constant 3 : i32
        %scan3A_505 = arith.addi %scan3A_469, %scan3A_504 : i32
        %mul3A_506 = arith.constant 16 : i32
        %mul3A_507 = arith.muli %scan3A_505, %mul3A_506 : i32
        %add3A_508 = arith.addi %mul3A_403, %mul3A_507 : i32
        %get3A_509 = arith.index_cast %add3A_508 : i32 to index
        %get3A_510 = tpu.vector_load %arg10[%get3A_509] {strides = array<i32>} : memref<32768xf32, #tpu.memory_space<vmem>>, vector<16xf32>,
        %get3A_511 = vector.shape_cast %get3A_510 : vector<16xf32> to vector<16xf32>
        %sub3A_512 = arith.subf %broadcast_in_dim3A_398, %get3A_511 : vector<16xf32>
        %abs3A_513 = math.absf %sub3A_512 : vector<16xf32>
        %add3A_514 = arith.addf %add3A_502, %abs3A_513 : vector<16xf32>
        %add3A_515 = arith.addf %add3A_503, %sub3A_512 : vector<16xf32>
        %scan3A_516 = arith.constant 4 : i32
        %scan3A_517 = arith.addi %scan3A_469, %scan3A_516 : i32
        %mul3A_518 = arith.constant 16 : i32
        %mul3A_519 = arith.muli %scan3A_517, %mul3A_518 : i32
        %add3A_520 = arith.addi %mul3A_403, %mul3A_519 : i32
        %get3A_521 = arith.index_cast %add3A_520 : i32 to index
        %get3A_522 = tpu.vector_load %arg10[%get3A_521] {strides = array<i32>} : memref<32768xf32, #tpu.memory_space<vmem>>, vector<16xf32>,
        %get3A_523 = vector.shape_cast %get3A_522 : vector<16xf32> to vector<16xf32>
        %sub3A_524 = arith.subf %broadcast_in_dim3A_398, %get3A_523 : vector<16xf32>
        %abs3A_525 = math.absf %sub3A_524 : vector<16xf32>
        %add3A_526 = arith.addf %add3A_514, %abs3A_525 : vector<16xf32>
        %add3A_527 = arith.addf %add3A_515, %sub3A_524 : vector<16xf32>
        %scan3A_528 = arith.constant 5 : i32
        %scan3A_529 = arith.addi %scan3A_469, %scan3A_528 : i32
        %mul3A_530 = arith.constant 16 : i32
        %mul3A_531 = arith.muli %scan3A_529, %mul3A_530 : i32
        %add3A_532 = arith.addi %mul3A_403, %mul3A_531 : i32
        %get3A_533 = arith.index_cast %add3A_532 : i32 to index
        %get3A_534 = tpu.vector_load %arg10[%get3A_533] {strides = array<i32>} : memref<32768xf32, #tpu.memory_space<vmem>>, vector<16xf32>,
        %get3A_535 = vector.shape_cast %get3A_534 : vector<16xf32> to vector<16xf32>
        %sub3A_536 = arith.subf %broadcast_in_dim3A_398, %get3A_535 : vector<16xf32>
        %abs3A_537 = math.absf %sub3A_536 : vector<16xf32>
        %add3A_538 = arith.addf %add3A_526, %abs3A_537 : vector<16xf32>
        %add3A_539 = arith.addf %add3A_527, %sub3A_536 : vector<16xf32>
        %scan3A_540 = arith.constant 6 : i32
        %scan3A_541 = arith.addi %scan3A_469, %scan3A_540 : i32
        %mul3A_542 = arith.constant 16 : i32
        %mul3A_543 = arith.muli %scan3A_541, %mul3A_542 : i32
        %add3A_544 = arith.addi %mul3A_403, %mul3A_543 : i32
        %get3A_545 = arith.index_cast %add3A_544 : i32 to index
        %get3A_546 = tpu.vector_load %arg10[%get3A_545] {strides = array<i32>} : memref<32768xf32, #tpu.memory_space<vmem>>, vector<16xf32>,
        %get3A_547 = vector.shape_cast %get3A_546 : vector<16xf32> to vector<16xf32>
        %sub3A_548 = arith.subf %broadcast_in_dim3A_398, %get3A_547 : vector<16xf32>
        %abs3A_549 = math.absf %sub3A_548 : vector<16xf32>
        %add3A_550 = arith.addf %add3A_538, %abs3A_549 : vector<16xf32>
        %add3A_551 = arith.addf %add3A_539, %sub3A_548 : vector<16xf32>
        %scan3A_552 = arith.constant 7 : i32
        %scan3A_553 = arith.addi %scan3A_469, %scan3A_552 : i32
        %mul3A_554 = arith.constant 16 : i32
        %mul3A_555 = arith.muli %scan3A_553, %mul3A_554 : i32
        %add3A_556 = arith.addi %mul3A_403, %mul3A_555 : i32
        %get3A_557 = arith.index_cast %add3A_556 : i32 to index
        %get3A_558 = tpu.vector_load %arg10[%get3A_557] {strides = array<i32>} : memref<32768xf32, #tpu.memory_space<vmem>>, vector<16xf32>,
        %get3A_559 = vector.shape_cast %get3A_558 : vector<16xf32> to vector<16xf32>
        %sub3A_560 = arith.subf %broadcast_in_dim3A_398, %get3A_559 : vector<16xf32>
        %abs3A_561 = math.absf %sub3A_560 : vector<16xf32>
        %add3A_562 = arith.addf %add3A_550, %abs3A_561 : vector<16xf32>
        %add3A_563 = arith.addf %add3A_551, %sub3A_560 : vector<16xf32>
        scf.yield %add3A_562, %add3A_563 : vector<16xf32>, vector<16xf32>
      }
      %scan3A_413 = arith.constant 64 : i32
      %mul3A_414 = arith.mulf %broadcast_in_dim3A_401, %scan3A_412#0 : vector<16xf32>
      %add3A_415 = arith.addf %add3A_390, %mul3A_414 : vector<16xf32>
      %mul3A_416 = arith.mulf %broadcast_in_dim3A_401, %scan3A_412#1 : vector<16xf32>
      %add3A_417 = arith.addf %add3A_392, %mul3A_416 : vector<16xf32>
      %add3A_418 = arith.addf %add3A_393, %broadcast_in_dim3A_401 : vector<16xf32>
      %slice3A_419 = vector.extract_strided_slice %get3A_60 {offsets = [14], sizes = [1], strides = [1]} : vector<16xi32> to vector<1xi32>
      %squeeze3A_420 = vector.extract %slice3A_419[0] : i32 from vector<1xi32>
      %slice3A_421 = vector.extract_strided_slice %get3A_65 {offsets = [14], sizes = [1], strides = [1]} : vector<16xf32> to vector<1xf32>
      %squeeze3A_422 = vector.extract %slice3A_421[0] : f32 from vector<1xf32>
      %broadcast_in_dim3A_423 = vector.broadcast %squeeze3A_422 : f32 to vector<16xf32>
      %slice3A_424 = vector.extract_strided_slice %get3A_70 {offsets = [14], sizes = [1], strides = [1]} : vector<16xf32> to vector<1xf32>
      %squeeze3A_425 = vector.extract %slice3A_424[0] : f32 from vector<1xf32>
      %broadcast_in_dim3A_426 = vector.broadcast %squeeze3A_425 : f32 to vector<16xf32>
      %mul3A_427 = arith.constant 1024 : i32
      %mul3A_428 = arith.muli %squeeze3A_420, %mul3A_427 : i32
      %broadcast_in_dim3A_429 = arith.constant 0.000000e+00 : f32
      %broadcast_in_dim3A_430 = vector.broadcast %broadcast_in_dim3A_429 : f32 to vector<16xf32>
      %broadcast_in_dim3A_431 = arith.constant 0.000000e+00 : f32
      %broadcast_in_dim3A_432 = vector.broadcast %broadcast_in_dim3A_431 : f32 to vector<16xf32>
      %scan3A_433 = arith.constant 0 : i32
      %scan3A_434 = arith.constant 64 : i32
      %scan3A_435 = arith.addi %scan3A_433, %scan3A_434 : i32
      %scan3A_436 = arith.constant 8 : i32
      %scan3A_437:2 = scf.for %scan3A_469 = %scan3A_433 to %scan3A_435 step %scan3A_436 iter_args(%scan3A_470 = %broadcast_in_dim3A_430, %scan3A_471 = %broadcast_in_dim3A_432) -> (vector<16xf32>, vector<16xf32>)  : i32 {
        %mul3A_472 = arith.constant 16 : i32
        %mul3A_473 = arith.muli %scan3A_469, %mul3A_472 : i32
        %add3A_474 = arith.addi %mul3A_428, %mul3A_473 : i32
        %get3A_475 = arith.index_cast %add3A_474 : i32 to index
        %get3A_476 = tpu.vector_load %arg10[%get3A_475] {strides = array<i32>} : memref<32768xf32, #tpu.memory_space<vmem>>, vector<16xf32>,
        %get3A_477 = vector.shape_cast %get3A_476 : vector<16xf32> to vector<16xf32>
        %sub3A = arith.subf %broadcast_in_dim3A_423, %get3A_477 : vector<16xf32>
        %abs3A = math.absf %sub3A : vector<16xf32>
        %add3A_478 = arith.addf %scan3A_470, %abs3A : vector<16xf32>
        %add3A_479 = arith.addf %scan3A_471, %sub3A : vector<16xf32>
        %scan3A_480 = arith.constant 1 : i32
        %scan3A_481 = arith.addi %scan3A_469, %scan3A_480 : i32
        %mul3A_482 = arith.constant 16 : i32
        %mul3A_483 = arith.muli %scan3A_481, %mul3A_482 : i32
        %add3A_484 = arith.addi %mul3A_428, %mul3A_483 : i32
        %get3A_485 = arith.index_cast %add3A_484 : i32 to index
        %get3A_486 = tpu.vector_load %arg10[%get3A_485] {strides = array<i32>} : memref<32768xf32, #tpu.memory_space<vmem>>, vector<16xf32>,
        %get3A_487 = vector.shape_cast %get3A_486 : vector<16xf32> to vector<16xf32>
        %sub3A_488 = arith.subf %broadcast_in_dim3A_423, %get3A_487 : vector<16xf32>
        %abs3A_489 = math.absf %sub3A_488 : vector<16xf32>
        %add3A_490 = arith.addf %add3A_478, %abs3A_489 : vector<16xf32>
        %add3A_491 = arith.addf %add3A_479, %sub3A_488 : vector<16xf32>
        %scan3A_492 = arith.constant 2 : i32
        %scan3A_493 = arith.addi %scan3A_469, %scan3A_492 : i32
        %mul3A_494 = arith.constant 16 : i32
        %mul3A_495 = arith.muli %scan3A_493, %mul3A_494 : i32
        %add3A_496 = arith.addi %mul3A_428, %mul3A_495 : i32
        %get3A_497 = arith.index_cast %add3A_496 : i32 to index
        %get3A_498 = tpu.vector_load %arg10[%get3A_497] {strides = array<i32>} : memref<32768xf32, #tpu.memory_space<vmem>>, vector<16xf32>,
        %get3A_499 = vector.shape_cast %get3A_498 : vector<16xf32> to vector<16xf32>
        %sub3A_500 = arith.subf %broadcast_in_dim3A_423, %get3A_499 : vector<16xf32>
        %abs3A_501 = math.absf %sub3A_500 : vector<16xf32>
        %add3A_502 = arith.addf %add3A_490, %abs3A_501 : vector<16xf32>
        %add3A_503 = arith.addf %add3A_491, %sub3A_500 : vector<16xf32>
        %scan3A_504 = arith.constant 3 : i32
        %scan3A_505 = arith.addi %scan3A_469, %scan3A_504 : i32
        %mul3A_506 = arith.constant 16 : i32
        %mul3A_507 = arith.muli %scan3A_505, %mul3A_506 : i32
        %add3A_508 = arith.addi %mul3A_428, %mul3A_507 : i32
        %get3A_509 = arith.index_cast %add3A_508 : i32 to index
        %get3A_510 = tpu.vector_load %arg10[%get3A_509] {strides = array<i32>} : memref<32768xf32, #tpu.memory_space<vmem>>, vector<16xf32>,
        %get3A_511 = vector.shape_cast %get3A_510 : vector<16xf32> to vector<16xf32>
        %sub3A_512 = arith.subf %broadcast_in_dim3A_423, %get3A_511 : vector<16xf32>
        %abs3A_513 = math.absf %sub3A_512 : vector<16xf32>
        %add3A_514 = arith.addf %add3A_502, %abs3A_513 : vector<16xf32>
        %add3A_515 = arith.addf %add3A_503, %sub3A_512 : vector<16xf32>
        %scan3A_516 = arith.constant 4 : i32
        %scan3A_517 = arith.addi %scan3A_469, %scan3A_516 : i32
        %mul3A_518 = arith.constant 16 : i32
        %mul3A_519 = arith.muli %scan3A_517, %mul3A_518 : i32
        %add3A_520 = arith.addi %mul3A_428, %mul3A_519 : i32
        %get3A_521 = arith.index_cast %add3A_520 : i32 to index
        %get3A_522 = tpu.vector_load %arg10[%get3A_521] {strides = array<i32>} : memref<32768xf32, #tpu.memory_space<vmem>>, vector<16xf32>,
        %get3A_523 = vector.shape_cast %get3A_522 : vector<16xf32> to vector<16xf32>
        %sub3A_524 = arith.subf %broadcast_in_dim3A_423, %get3A_523 : vector<16xf32>
        %abs3A_525 = math.absf %sub3A_524 : vector<16xf32>
        %add3A_526 = arith.addf %add3A_514, %abs3A_525 : vector<16xf32>
        %add3A_527 = arith.addf %add3A_515, %sub3A_524 : vector<16xf32>
        %scan3A_528 = arith.constant 5 : i32
        %scan3A_529 = arith.addi %scan3A_469, %scan3A_528 : i32
        %mul3A_530 = arith.constant 16 : i32
        %mul3A_531 = arith.muli %scan3A_529, %mul3A_530 : i32
        %add3A_532 = arith.addi %mul3A_428, %mul3A_531 : i32
        %get3A_533 = arith.index_cast %add3A_532 : i32 to index
        %get3A_534 = tpu.vector_load %arg10[%get3A_533] {strides = array<i32>} : memref<32768xf32, #tpu.memory_space<vmem>>, vector<16xf32>,
        %get3A_535 = vector.shape_cast %get3A_534 : vector<16xf32> to vector<16xf32>
        %sub3A_536 = arith.subf %broadcast_in_dim3A_423, %get3A_535 : vector<16xf32>
        %abs3A_537 = math.absf %sub3A_536 : vector<16xf32>
        %add3A_538 = arith.addf %add3A_526, %abs3A_537 : vector<16xf32>
        %add3A_539 = arith.addf %add3A_527, %sub3A_536 : vector<16xf32>
        %scan3A_540 = arith.constant 6 : i32
        %scan3A_541 = arith.addi %scan3A_469, %scan3A_540 : i32
        %mul3A_542 = arith.constant 16 : i32
        %mul3A_543 = arith.muli %scan3A_541, %mul3A_542 : i32
        %add3A_544 = arith.addi %mul3A_428, %mul3A_543 : i32
        %get3A_545 = arith.index_cast %add3A_544 : i32 to index
        %get3A_546 = tpu.vector_load %arg10[%get3A_545] {strides = array<i32>} : memref<32768xf32, #tpu.memory_space<vmem>>, vector<16xf32>,
        %get3A_547 = vector.shape_cast %get3A_546 : vector<16xf32> to vector<16xf32>
        %sub3A_548 = arith.subf %broadcast_in_dim3A_423, %get3A_547 : vector<16xf32>
        %abs3A_549 = math.absf %sub3A_548 : vector<16xf32>
        %add3A_550 = arith.addf %add3A_538, %abs3A_549 : vector<16xf32>
        %add3A_551 = arith.addf %add3A_539, %sub3A_548 : vector<16xf32>
        %scan3A_552 = arith.constant 7 : i32
        %scan3A_553 = arith.addi %scan3A_469, %scan3A_552 : i32
        %mul3A_554 = arith.constant 16 : i32
        %mul3A_555 = arith.muli %scan3A_553, %mul3A_554 : i32
        %add3A_556 = arith.addi %mul3A_428, %mul3A_555 : i32
        %get3A_557 = arith.index_cast %add3A_556 : i32 to index
        %get3A_558 = tpu.vector_load %arg10[%get3A_557] {strides = array<i32>} : memref<32768xf32, #tpu.memory_space<vmem>>, vector<16xf32>,
        %get3A_559 = vector.shape_cast %get3A_558 : vector<16xf32> to vector<16xf32>
        %sub3A_560 = arith.subf %broadcast_in_dim3A_423, %get3A_559 : vector<16xf32>
        %abs3A_561 = math.absf %sub3A_560 : vector<16xf32>
        %add3A_562 = arith.addf %add3A_550, %abs3A_561 : vector<16xf32>
        %add3A_563 = arith.addf %add3A_551, %sub3A_560 : vector<16xf32>
        scf.yield %add3A_562, %add3A_563 : vector<16xf32>, vector<16xf32>
      }
      %scan3A_438 = arith.constant 64 : i32
      %mul3A_439 = arith.mulf %broadcast_in_dim3A_426, %scan3A_437#0 : vector<16xf32>
      %add3A_440 = arith.addf %add3A_415, %mul3A_439 : vector<16xf32>
      %mul3A_441 = arith.mulf %broadcast_in_dim3A_426, %scan3A_437#1 : vector<16xf32>
      %add3A_442 = arith.addf %add3A_417, %mul3A_441 : vector<16xf32>
      %add3A_443 = arith.addf %add3A_418, %broadcast_in_dim3A_426 : vector<16xf32>
      %slice3A_444 = vector.extract_strided_slice %get3A_60 {offsets = [15], sizes = [1], strides = [1]} : vector<16xi32> to vector<1xi32>
      %squeeze3A_445 = vector.extract %slice3A_444[0] : i32 from vector<1xi32>
      %slice3A_446 = vector.extract_strided_slice %get3A_65 {offsets = [15], sizes = [1], strides = [1]} : vector<16xf32> to vector<1xf32>
      %squeeze3A_447 = vector.extract %slice3A_446[0] : f32 from vector<1xf32>
      %broadcast_in_dim3A_448 = vector.broadcast %squeeze3A_447 : f32 to vector<16xf32>
      %slice3A_449 = vector.extract_strided_slice %get3A_70 {offsets = [15], sizes = [1], strides = [1]} : vector<16xf32> to vector<1xf32>
      %squeeze3A_450 = vector.extract %slice3A_449[0] : f32 from vector<1xf32>
      %broadcast_in_dim3A_451 = vector.broadcast %squeeze3A_450 : f32 to vector<16xf32>
      %mul3A_452 = arith.constant 1024 : i32
      %mul3A_453 = arith.muli %squeeze3A_445, %mul3A_452 : i32
      %broadcast_in_dim3A_454 = arith.constant 0.000000e+00 : f32
      %broadcast_in_dim3A_455 = vector.broadcast %broadcast_in_dim3A_454 : f32 to vector<16xf32>
      %broadcast_in_dim3A_456 = arith.constant 0.000000e+00 : f32
      %broadcast_in_dim3A_457 = vector.broadcast %broadcast_in_dim3A_456 : f32 to vector<16xf32>
      %scan3A_458 = arith.constant 0 : i32
      %scan3A_459 = arith.constant 64 : i32
      %scan3A_460 = arith.addi %scan3A_458, %scan3A_459 : i32
      %scan3A_461 = arith.constant 8 : i32
      %scan3A_462:2 = scf.for %scan3A_469 = %scan3A_458 to %scan3A_460 step %scan3A_461 iter_args(%scan3A_470 = %broadcast_in_dim3A_455, %scan3A_471 = %broadcast_in_dim3A_457) -> (vector<16xf32>, vector<16xf32>)  : i32 {
        %mul3A_472 = arith.constant 16 : i32
        %mul3A_473 = arith.muli %scan3A_469, %mul3A_472 : i32
        %add3A_474 = arith.addi %mul3A_453, %mul3A_473 : i32
        %get3A_475 = arith.index_cast %add3A_474 : i32 to index
        %get3A_476 = tpu.vector_load %arg10[%get3A_475] {strides = array<i32>} : memref<32768xf32, #tpu.memory_space<vmem>>, vector<16xf32>,
        %get3A_477 = vector.shape_cast %get3A_476 : vector<16xf32> to vector<16xf32>
        %sub3A = arith.subf %broadcast_in_dim3A_448, %get3A_477 : vector<16xf32>
        %abs3A = math.absf %sub3A : vector<16xf32>
        %add3A_478 = arith.addf %scan3A_470, %abs3A : vector<16xf32>
        %add3A_479 = arith.addf %scan3A_471, %sub3A : vector<16xf32>
        %scan3A_480 = arith.constant 1 : i32
        %scan3A_481 = arith.addi %scan3A_469, %scan3A_480 : i32
        %mul3A_482 = arith.constant 16 : i32
        %mul3A_483 = arith.muli %scan3A_481, %mul3A_482 : i32
        %add3A_484 = arith.addi %mul3A_453, %mul3A_483 : i32
        %get3A_485 = arith.index_cast %add3A_484 : i32 to index
        %get3A_486 = tpu.vector_load %arg10[%get3A_485] {strides = array<i32>} : memref<32768xf32, #tpu.memory_space<vmem>>, vector<16xf32>,
        %get3A_487 = vector.shape_cast %get3A_486 : vector<16xf32> to vector<16xf32>
        %sub3A_488 = arith.subf %broadcast_in_dim3A_448, %get3A_487 : vector<16xf32>
        %abs3A_489 = math.absf %sub3A_488 : vector<16xf32>
        %add3A_490 = arith.addf %add3A_478, %abs3A_489 : vector<16xf32>
        %add3A_491 = arith.addf %add3A_479, %sub3A_488 : vector<16xf32>
        %scan3A_492 = arith.constant 2 : i32
        %scan3A_493 = arith.addi %scan3A_469, %scan3A_492 : i32
        %mul3A_494 = arith.constant 16 : i32
        %mul3A_495 = arith.muli %scan3A_493, %mul3A_494 : i32
        %add3A_496 = arith.addi %mul3A_453, %mul3A_495 : i32
        %get3A_497 = arith.index_cast %add3A_496 : i32 to index
        %get3A_498 = tpu.vector_load %arg10[%get3A_497] {strides = array<i32>} : memref<32768xf32, #tpu.memory_space<vmem>>, vector<16xf32>,
        %get3A_499 = vector.shape_cast %get3A_498 : vector<16xf32> to vector<16xf32>
        %sub3A_500 = arith.subf %broadcast_in_dim3A_448, %get3A_499 : vector<16xf32>
        %abs3A_501 = math.absf %sub3A_500 : vector<16xf32>
        %add3A_502 = arith.addf %add3A_490, %abs3A_501 : vector<16xf32>
        %add3A_503 = arith.addf %add3A_491, %sub3A_500 : vector<16xf32>
        %scan3A_504 = arith.constant 3 : i32
        %scan3A_505 = arith.addi %scan3A_469, %scan3A_504 : i32
        %mul3A_506 = arith.constant 16 : i32
        %mul3A_507 = arith.muli %scan3A_505, %mul3A_506 : i32
        %add3A_508 = arith.addi %mul3A_453, %mul3A_507 : i32
        %get3A_509 = arith.index_cast %add3A_508 : i32 to index
        %get3A_510 = tpu.vector_load %arg10[%get3A_509] {strides = array<i32>} : memref<32768xf32, #tpu.memory_space<vmem>>, vector<16xf32>,
        %get3A_511 = vector.shape_cast %get3A_510 : vector<16xf32> to vector<16xf32>
        %sub3A_512 = arith.subf %broadcast_in_dim3A_448, %get3A_511 : vector<16xf32>
        %abs3A_513 = math.absf %sub3A_512 : vector<16xf32>
        %add3A_514 = arith.addf %add3A_502, %abs3A_513 : vector<16xf32>
        %add3A_515 = arith.addf %add3A_503, %sub3A_512 : vector<16xf32>
        %scan3A_516 = arith.constant 4 : i32
        %scan3A_517 = arith.addi %scan3A_469, %scan3A_516 : i32
        %mul3A_518 = arith.constant 16 : i32
        %mul3A_519 = arith.muli %scan3A_517, %mul3A_518 : i32
        %add3A_520 = arith.addi %mul3A_453, %mul3A_519 : i32
        %get3A_521 = arith.index_cast %add3A_520 : i32 to index
        %get3A_522 = tpu.vector_load %arg10[%get3A_521] {strides = array<i32>} : memref<32768xf32, #tpu.memory_space<vmem>>, vector<16xf32>,
        %get3A_523 = vector.shape_cast %get3A_522 : vector<16xf32> to vector<16xf32>
        %sub3A_524 = arith.subf %broadcast_in_dim3A_448, %get3A_523 : vector<16xf32>
        %abs3A_525 = math.absf %sub3A_524 : vector<16xf32>
        %add3A_526 = arith.addf %add3A_514, %abs3A_525 : vector<16xf32>
        %add3A_527 = arith.addf %add3A_515, %sub3A_524 : vector<16xf32>
        %scan3A_528 = arith.constant 5 : i32
        %scan3A_529 = arith.addi %scan3A_469, %scan3A_528 : i32
        %mul3A_530 = arith.constant 16 : i32
        %mul3A_531 = arith.muli %scan3A_529, %mul3A_530 : i32
        %add3A_532 = arith.addi %mul3A_453, %mul3A_531 : i32
        %get3A_533 = arith.index_cast %add3A_532 : i32 to index
        %get3A_534 = tpu.vector_load %arg10[%get3A_533] {strides = array<i32>} : memref<32768xf32, #tpu.memory_space<vmem>>, vector<16xf32>,
        %get3A_535 = vector.shape_cast %get3A_534 : vector<16xf32> to vector<16xf32>
        %sub3A_536 = arith.subf %broadcast_in_dim3A_448, %get3A_535 : vector<16xf32>
        %abs3A_537 = math.absf %sub3A_536 : vector<16xf32>
        %add3A_538 = arith.addf %add3A_526, %abs3A_537 : vector<16xf32>
        %add3A_539 = arith.addf %add3A_527, %sub3A_536 : vector<16xf32>
        %scan3A_540 = arith.constant 6 : i32
        %scan3A_541 = arith.addi %scan3A_469, %scan3A_540 : i32
        %mul3A_542 = arith.constant 16 : i32
        %mul3A_543 = arith.muli %scan3A_541, %mul3A_542 : i32
        %add3A_544 = arith.addi %mul3A_453, %mul3A_543 : i32
        %get3A_545 = arith.index_cast %add3A_544 : i32 to index
        %get3A_546 = tpu.vector_load %arg10[%get3A_545] {strides = array<i32>} : memref<32768xf32, #tpu.memory_space<vmem>>, vector<16xf32>,
        %get3A_547 = vector.shape_cast %get3A_546 : vector<16xf32> to vector<16xf32>
        %sub3A_548 = arith.subf %broadcast_in_dim3A_448, %get3A_547 : vector<16xf32>
        %abs3A_549 = math.absf %sub3A_548 : vector<16xf32>
        %add3A_550 = arith.addf %add3A_538, %abs3A_549 : vector<16xf32>
        %add3A_551 = arith.addf %add3A_539, %sub3A_548 : vector<16xf32>
        %scan3A_552 = arith.constant 7 : i32
        %scan3A_553 = arith.addi %scan3A_469, %scan3A_552 : i32
        %mul3A_554 = arith.constant 16 : i32
        %mul3A_555 = arith.muli %scan3A_553, %mul3A_554 : i32
        %add3A_556 = arith.addi %mul3A_453, %mul3A_555 : i32
        %get3A_557 = arith.index_cast %add3A_556 : i32 to index
        %get3A_558 = tpu.vector_load %arg10[%get3A_557] {strides = array<i32>} : memref<32768xf32, #tpu.memory_space<vmem>>, vector<16xf32>,
        %get3A_559 = vector.shape_cast %get3A_558 : vector<16xf32> to vector<16xf32>
        %sub3A_560 = arith.subf %broadcast_in_dim3A_448, %get3A_559 : vector<16xf32>
        %abs3A_561 = math.absf %sub3A_560 : vector<16xf32>
        %add3A_562 = arith.addf %add3A_550, %abs3A_561 : vector<16xf32>
        %add3A_563 = arith.addf %add3A_551, %sub3A_560 : vector<16xf32>
        scf.yield %add3A_562, %add3A_563 : vector<16xf32>, vector<16xf32>
      }
      %scan3A_463 = arith.constant 64 : i32
      %mul3A_464 = arith.mulf %broadcast_in_dim3A_451, %scan3A_462#0 : vector<16xf32>
      %add3A_465 = arith.addf %add3A_440, %mul3A_464 : vector<16xf32>
      %mul3A_466 = arith.mulf %broadcast_in_dim3A_451, %scan3A_462#1 : vector<16xf32>
      %add3A_467 = arith.addf %add3A_442, %mul3A_466 : vector<16xf32>
      %add3A_468 = arith.addf %add3A_443, %broadcast_in_dim3A_451 : vector<16xf32>
      scf.yield %add3A_465, %add3A_467, %add3A_468 : vector<16xf32>, vector<16xf32>, vector<16xf32>
    }
    %scan3A_15 = arith.constant 40 : i32
    %broadcast_in_dim3A_16 = arith.constant 0.000000e+00 : f32
    %broadcast_in_dim3A_17 = vector.broadcast %broadcast_in_dim3A_16 : f32 to vector<16xf32>
    %eq3A = arith.constant 0 : i32
    %eq3A_18 = arith.cmpi eq, %add3A, %eq3A : i32
    %convert_element_type3A = arith.extui %eq3A_18 : i1 to i32
    %cond3A = arith.constant 0 : i32
    %cond3A_19 = arith.cmpi ne, %convert_element_type3A, %cond3A : i32
    scf.if %cond3A_19 {
      "tpu.region"() ({
        %run_scoped3A = tpu.sem_alloc : memref<!tpu.dma_semaphore, #tpu.memory_space<semaphore_mem>>
        %dma_start3A = arith.constant 0 : i32
        %dma_start3A_68 = tpu.memref_slice %arg10[%dma_start3A] : memref<32768xf32, #tpu.memory_space<vmem>> -> memref<1024xf32, #tpu.memory_space<vmem>>
        %dma_start3A_69 = arith.constant 0 : i32
        %dma_start3A_70 = tpu.memref_slice %arg10[%dma_start3A_69] : memref<32768xf32, #tpu.memory_space<vmem>> -> memref<1024xf32, #tpu.memory_space<vmem>>
        tpu.enqueue_dma source(%arg2 : memref<1024xf32, #tpu.memory_space<hbm>>) target(%dma_start3A_70 : memref<1024xf32, #tpu.memory_space<vmem>>) target_semaphore(%run_scoped3A : memref<!tpu.dma_semaphore, #tpu.memory_space<semaphore_mem>>)
        %dma_wait3A = arith.constant 0 : i32
        %dma_wait3A_71 = tpu.memref_slice %arg10[%dma_wait3A] : memref<32768xf32, #tpu.memory_space<vmem>> -> memref<1024xf32, #tpu.memory_space<vmem>>
        %dma_wait3A_72 = arith.constant 0 : i32
        %dma_wait3A_73 = tpu.memref_slice %arg10[%dma_wait3A_72] : memref<32768xf32, #tpu.memory_space<vmem>> -> memref<1024xf32, #tpu.memory_space<vmem>>
        tpu.wait_dma2 semaphore(%run_scoped3A : memref<!tpu.dma_semaphore, #tpu.memory_space<semaphore_mem>>) src(%arg2 : memref<1024xf32, #tpu.memory_space<hbm>>) dst(%dma_wait3A_73 : memref<1024xf32, #tpu.memory_space<vmem>>)
        tpu.yield
      }) : () -> ()
      "tpu.region"() ({
        %run_scoped3A = tpu.sem_alloc : memref<!tpu.dma_semaphore, #tpu.memory_space<semaphore_mem>>
        %dma_start3A = arith.constant 1024 : i32
        %dma_start3A_68 = tpu.memref_slice %arg10[%dma_start3A] : memref<32768xf32, #tpu.memory_space<vmem>> -> memref<1024xf32, #tpu.memory_space<vmem>>
        %dma_start3A_69 = arith.constant 1024 : i32
        %dma_start3A_70 = tpu.memref_slice %arg10[%dma_start3A_69] : memref<32768xf32, #tpu.memory_space<vmem>> -> memref<1024xf32, #tpu.memory_space<vmem>>
        tpu.enqueue_dma source(%arg3 : memref<1024xf32, #tpu.memory_space<hbm>>) target(%dma_start3A_70 : memref<1024xf32, #tpu.memory_space<vmem>>) target_semaphore(%run_scoped3A : memref<!tpu.dma_semaphore, #tpu.memory_space<semaphore_mem>>)
        %dma_wait3A = arith.constant 1024 : i32
        %dma_wait3A_71 = tpu.memref_slice %arg10[%dma_wait3A] : memref<32768xf32, #tpu.memory_space<vmem>> -> memref<1024xf32, #tpu.memory_space<vmem>>
        %dma_wait3A_72 = arith.constant 1024 : i32
        %dma_wait3A_73 = tpu.memref_slice %arg10[%dma_wait3A_72] : memref<32768xf32, #tpu.memory_space<vmem>> -> memref<1024xf32, #tpu.memory_space<vmem>>
        tpu.wait_dma2 semaphore(%run_scoped3A : memref<!tpu.dma_semaphore, #tpu.memory_space<semaphore_mem>>) src(%arg3 : memref<1024xf32, #tpu.memory_space<hbm>>) dst(%dma_wait3A_73 : memref<1024xf32, #tpu.memory_space<vmem>>)
        tpu.yield
      }) : () -> ()
      "tpu.region"() ({
        %run_scoped3A = tpu.sem_alloc : memref<!tpu.dma_semaphore, #tpu.memory_space<semaphore_mem>>
        %dma_start3A = arith.constant 2048 : i32
        %dma_start3A_68 = tpu.memref_slice %arg10[%dma_start3A] : memref<32768xf32, #tpu.memory_space<vmem>> -> memref<1024xf32, #tpu.memory_space<vmem>>
        %dma_start3A_69 = arith.constant 2048 : i32
        %dma_start3A_70 = tpu.memref_slice %arg10[%dma_start3A_69] : memref<32768xf32, #tpu.memory_space<vmem>> -> memref<1024xf32, #tpu.memory_space<vmem>>
        tpu.enqueue_dma source(%arg4 : memref<1024xf32, #tpu.memory_space<hbm>>) target(%dma_start3A_70 : memref<1024xf32, #tpu.memory_space<vmem>>) target_semaphore(%run_scoped3A : memref<!tpu.dma_semaphore, #tpu.memory_space<semaphore_mem>>)
        %dma_wait3A = arith.constant 2048 : i32
        %dma_wait3A_71 = tpu.memref_slice %arg10[%dma_wait3A] : memref<32768xf32, #tpu.memory_space<vmem>> -> memref<1024xf32, #tpu.memory_space<vmem>>
        %dma_wait3A_72 = arith.constant 2048 : i32
        %dma_wait3A_73 = tpu.memref_slice %arg10[%dma_wait3A_72] : memref<32768xf32, #tpu.memory_space<vmem>> -> memref<1024xf32, #tpu.memory_space<vmem>>
        tpu.wait_dma2 semaphore(%run_scoped3A : memref<!tpu.dma_semaphore, #tpu.memory_space<semaphore_mem>>) src(%arg4 : memref<1024xf32, #tpu.memory_space<hbm>>) dst(%dma_wait3A_73 : memref<1024xf32, #tpu.memory_space<vmem>>)
        tpu.yield
      }) : () -> ()
      %broadcast_in_dim3A_53 = arith.constant 0.000000e+00 : f32
      %broadcast_in_dim3A_54 = vector.broadcast %broadcast_in_dim3A_53 : f32 to vector<16xf32>
      %scan3A_55 = arith.constant 0 : i32
      %scan3A_56 = arith.constant 64 : i32
      %scan3A_57 = arith.addi %scan3A_55, %scan3A_56 : i32
      %scan3A_58 = arith.constant 1 : i32
      %scan3A_59 = scf.for %scan3A_68 = %scan3A_55 to %scan3A_57 step %scan3A_58 iter_args(%scan3A_69 = %broadcast_in_dim3A_54) -> (vector<16xf32>)  : i32 {
        %mul3A_70 = arith.constant 16 : i32
        %mul3A_71 = arith.muli %scan3A_68, %mul3A_70 : i32
        %get3A = arith.index_cast %mul3A_71 : i32 to index
        %get3A_72 = tpu.vector_load %arg10[%get3A] {strides = array<i32>} : memref<32768xf32, #tpu.memory_space<vmem>>, vector<16xf32>,
        %get3A_73 = vector.shape_cast %get3A_72 : vector<16xf32> to vector<16xf32>
        %mul3A_74 = arith.constant 16 : i32
        %mul3A_75 = arith.muli %scan3A_68, %mul3A_74 : i32
        %add3A_76 = arith.constant 1024 : i32
        %add3A_77 = arith.addi %add3A_76, %mul3A_75 : i32
        %get3A_78 = arith.index_cast %add3A_77 : i32 to index
        %get3A_79 = tpu.vector_load %arg10[%get3A_78] {strides = array<i32>} : memref<32768xf32, #tpu.memory_space<vmem>>, vector<16xf32>,
        %get3A_80 = vector.shape_cast %get3A_79 : vector<16xf32> to vector<16xf32>
        %mul3A_81 = arith.constant 16 : i32
        %mul3A_82 = arith.muli %scan3A_68, %mul3A_81 : i32
        %add3A_83 = arith.constant 2048 : i32
        %add3A_84 = arith.addi %add3A_83, %mul3A_82 : i32
        %get3A_85 = arith.index_cast %add3A_84 : i32 to index
        %get3A_86 = tpu.vector_load %arg10[%get3A_85] {strides = array<i32>} : memref<32768xf32, #tpu.memory_space<vmem>>, vector<16xf32>,
        %get3A_87 = vector.shape_cast %get3A_86 : vector<16xf32> to vector<16xf32>
        %sub3A = arith.subf %get3A_73, %get3A_80 : vector<16xf32>
        %max3A = arith.constant 0.000000e+00 : f32
        %max3A_88 = vector.broadcast %max3A : f32 to vector<16xf32>
        %max3A_89 = arith.maximumf %sub3A, %max3A_88 : vector<16xf32>
        %neg3A = arith.constant 0.000000e+00 : f32
        %neg3A_90 = vector.broadcast %neg3A : f32 to vector<16xf32>
        %neg3A_91 = arith.subf %neg3A_90, %sub3A : vector<16xf32>
        %max3A_92 = arith.constant 0.000000e+00 : f32
        %max3A_93 = vector.broadcast %max3A_92 : f32 to vector<16xf32>
        %max3A_94 = arith.maximumf %neg3A_91, %max3A_93 : vector<16xf32>
        %mul3A_95 = arith.mulf %max3A_89, %max3A_89 : vector<16xf32>
        %mul3A_96 = arith.mulf %mul3A_95, %get3A_87 : vector<16xf32>
        %add3A_97 = arith.addf %scan3A_69, %mul3A_96 : vector<16xf32>
        %mul3A_98 = arith.mulf %max3A_94, %max3A_94 : vector<16xf32>
        %sub3A_99 = arith.constant 1.000000e+00 : f32
        %sub3A_100 = vector.broadcast %sub3A_99 : f32 to vector<16xf32>
        %sub3A_101 = arith.subf %sub3A_100, %get3A_87 : vector<16xf32>
        %mul3A_102 = arith.mulf %mul3A_98, %sub3A_101 : vector<16xf32>
        %add3A_103 = arith.addf %add3A_97, %mul3A_102 : vector<16xf32>
        scf.yield %add3A_103 : vector<16xf32>
      }
      %scan3A_60 = arith.constant 64 : i32
      %mul3A_61 = arith.constant 9.765625E-4 : f32
      %mul3A_62 = vector.broadcast %mul3A_61 : f32 to vector<16xf32>
      %mul3A_63 = arith.mulf %scan3A_59, %mul3A_62 : vector<16xf32>
      %swap3A_64 = arith.constant 48 : index
      %swap3A_65 = tpu.vector_load %arg16[%swap3A_64] {strides = array<i32>} : memref<128xf32, #tpu.memory_space<vmem>>, vector<16xf32>,
      %swap3A_66 = vector.shape_cast %swap3A_65 : vector<16xf32> to vector<16xf32>
      %swap3A_67 = vector.shape_cast %mul3A_63 : vector<16xf32> to vector<16xf32>
      tpu.vector_store %arg16[%swap3A_64], %swap3A_67 {strides = array<i32>} : memref<128xf32, #tpu.memory_space<vmem>>, vector<16xf32>,
    } else {
    }
    %ne3A = arith.constant 0 : i32
    %ne3A_20 = arith.cmpi ne, %add3A, %ne3A : i32
    %convert_element_type3A_21 = arith.extui %ne3A_20 : i1 to i32
    %cond3A_22 = arith.constant 0 : i32
    %cond3A_23 = arith.cmpi ne, %convert_element_type3A_21, %cond3A_22 : i32
    scf.if %cond3A_23 {
      %swap3A_53 = arith.constant 48 : index
      %swap3A_54 = tpu.vector_load %arg16[%swap3A_53] {strides = array<i32>} : memref<128xf32, #tpu.memory_space<vmem>>, vector<16xf32>,
      %swap3A_55 = vector.shape_cast %swap3A_54 : vector<16xf32> to vector<16xf32>
      %swap3A_56 = vector.shape_cast %broadcast_in_dim3A_17 : vector<16xf32> to vector<16xf32>
      tpu.vector_store %arg16[%swap3A_53], %swap3A_56 {strides = array<i32>} : memref<128xf32, #tpu.memory_space<vmem>>, vector<16xf32>,
    } else {
    }
    %swap3A = arith.constant 0 : index
    %swap3A_24 = tpu.vector_load %arg16[%swap3A] {strides = array<i32>} : memref<128xf32, #tpu.memory_space<vmem>>, vector<16xf32>,
    %swap3A_25 = vector.shape_cast %swap3A_24 : vector<16xf32> to vector<16xf32>
    %swap3A_26 = vector.shape_cast %scan3A_14#0 : vector<16xf32> to vector<16xf32>
    tpu.vector_store %arg16[%swap3A], %swap3A_26 {strides = array<i32>} : memref<128xf32, #tpu.memory_space<vmem>>, vector<16xf32>,
    %swap3A_27 = arith.constant 16 : index
    %swap3A_28 = tpu.vector_load %arg16[%swap3A_27] {strides = array<i32>} : memref<128xf32, #tpu.memory_space<vmem>>, vector<16xf32>,
    %swap3A_29 = vector.shape_cast %swap3A_28 : vector<16xf32> to vector<16xf32>
    %swap3A_30 = vector.shape_cast %scan3A_14#1 : vector<16xf32> to vector<16xf32>
    tpu.vector_store %arg16[%swap3A_27], %swap3A_30 {strides = array<i32>} : memref<128xf32, #tpu.memory_space<vmem>>, vector<16xf32>,
    %swap3A_31 = arith.constant 32 : index
    %swap3A_32 = tpu.vector_load %arg16[%swap3A_31] {strides = array<i32>} : memref<128xf32, #tpu.memory_space<vmem>>, vector<16xf32>,
    %swap3A_33 = vector.shape_cast %swap3A_32 : vector<16xf32> to vector<16xf32>
    %swap3A_34 = vector.shape_cast %scan3A_14#2 : vector<16xf32> to vector<16xf32>
    tpu.vector_store %arg16[%swap3A_31], %swap3A_34 {strides = array<i32>} : memref<128xf32, #tpu.memory_space<vmem>>, vector<16xf32>,
    %broadcast_in_dim3A_35 = arith.constant 0.000000e+00 : f32
    %broadcast_in_dim3A_36 = vector.broadcast %broadcast_in_dim3A_35 : f32 to vector<16xf32>
    %swap3A_37 = arith.constant 64 : index
    %swap3A_38 = tpu.vector_load %arg16[%swap3A_37] {strides = array<i32>} : memref<128xf32, #tpu.memory_space<vmem>>, vector<16xf32>,
    %swap3A_39 = vector.shape_cast %swap3A_38 : vector<16xf32> to vector<16xf32>
    %swap3A_40 = vector.shape_cast %broadcast_in_dim3A_36 : vector<16xf32> to vector<16xf32>
    tpu.vector_store %arg16[%swap3A_37], %swap3A_40 {strides = array<i32>} : memref<128xf32, #tpu.memory_space<vmem>>, vector<16xf32>,
    %swap3A_41 = arith.constant 80 : index
    %swap3A_42 = tpu.vector_load %arg16[%swap3A_41] {strides = array<i32>} : memref<128xf32, #tpu.memory_space<vmem>>, vector<16xf32>,
    %swap3A_43 = vector.shape_cast %swap3A_42 : vector<16xf32> to vector<16xf32>
    %swap3A_44 = vector.shape_cast %broadcast_in_dim3A_36 : vector<16xf32> to vector<16xf32>
    tpu.vector_store %arg16[%swap3A_41], %swap3A_44 {strides = array<i32>} : memref<128xf32, #tpu.memory_space<vmem>>, vector<16xf32>,
    %swap3A_45 = arith.constant 96 : index
    %swap3A_46 = tpu.vector_load %arg16[%swap3A_45] {strides = array<i32>} : memref<128xf32, #tpu.memory_space<vmem>>, vector<16xf32>,
    %swap3A_47 = vector.shape_cast %swap3A_46 : vector<16xf32> to vector<16xf32>
    %swap3A_48 = vector.shape_cast %broadcast_in_dim3A_36 : vector<16xf32> to vector<16xf32>
    tpu.vector_store %arg16[%swap3A_45], %swap3A_48 {strides = array<i32>} : memref<128xf32, #tpu.memory_space<vmem>>, vector<16xf32>,
    %swap3A_49 = arith.constant 112 : index
    %swap3A_50 = tpu.vector_load %arg16[%swap3A_49] {strides = array<i32>} : memref<128xf32, #tpu.memory_space<vmem>>, vector<16xf32>,
    %swap3A_51 = vector.shape_cast %swap3A_50 : vector<16xf32> to vector<16xf32>
    %swap3A_52 = vector.shape_cast %broadcast_in_dim3A_36 : vector<16xf32> to vector<16xf32>
    tpu.vector_store %arg16[%swap3A_49], %swap3A_52 {strides = array<i32>} : memref<128xf32, #tpu.memory_space<vmem>>, vector<16xf32>,
    "tpu.region"() ({
      %run_scoped3A = tpu.sem_alloc : memref<!tpu.dma_semaphore, #tpu.memory_space<semaphore_mem>>
      %dma_start3A = arith.constant 0 : i32
      %dma_start3A_53 = tpu.memref_slice %arg9[%add3A, %dma_start3A] : memref<32x128xf32, #tpu.memory_space<hbm>> -> memref<1x128xf32, #tpu.memory_space<hbm>>
      %dma_start3A_54 = tpu.memref_squeeze %dma_start3A_53 : memref<1x128xf32, #tpu.memory_space<hbm>> -> memref<128xf32, #tpu.memory_space<hbm>>
      %dma_start3A_55 = arith.constant 0 : i32
      %dma_start3A_56 = tpu.memref_slice %arg9[%add3A, %dma_start3A_55] : memref<32x128xf32, #tpu.memory_space<hbm>> -> memref<1x128xf32, #tpu.memory_space<hbm>>
      %dma_start3A_57 = tpu.memref_squeeze %dma_start3A_56 : memref<1x128xf32, #tpu.memory_space<hbm>> -> memref<128xf32, #tpu.memory_space<hbm>>
      tpu.enqueue_dma source(%arg16 : memref<128xf32, #tpu.memory_space<vmem>>) target(%dma_start3A_57 : memref<128xf32, #tpu.memory_space<hbm>>) target_semaphore(%run_scoped3A : memref<!tpu.dma_semaphore, #tpu.memory_space<semaphore_mem>>)
      %dma_wait3A = arith.constant 0 : i32
      %dma_wait3A_58 = tpu.memref_slice %arg9[%add3A, %dma_wait3A] : memref<32x128xf32, #tpu.memory_space<hbm>> -> memref<1x128xf32, #tpu.memory_space<hbm>>
      %dma_wait3A_59 = tpu.memref_squeeze %dma_wait3A_58 : memref<1x128xf32, #tpu.memory_space<hbm>> -> memref<128xf32, #tpu.memory_space<hbm>>
      %dma_wait3A_60 = arith.constant 0 : i32
      %dma_wait3A_61 = tpu.memref_slice %arg9[%add3A, %dma_wait3A_60] : memref<32x128xf32, #tpu.memory_space<hbm>> -> memref<1x128xf32, #tpu.memory_space<hbm>>
      %dma_wait3A_62 = tpu.memref_squeeze %dma_wait3A_61 : memref<1x128xf32, #tpu.memory_space<hbm>> -> memref<128xf32, #tpu.memory_space<hbm>>
      tpu.wait_dma2 semaphore(%run_scoped3A : memref<!tpu.dma_semaphore, #tpu.memory_space<semaphore_mem>>) src(%arg16 : memref<128xf32, #tpu.memory_space<vmem>>) dst(%dma_wait3A_62 : memref<128xf32, #tpu.memory_space<hbm>>)
      tpu.yield
    }) : () -> ()
    return
  }
}

</mosaic_0001>

<sc_bundles>
// kernel: kernel.3.cloned.1.call-start
scs
__scs_entry_jumppad:
0x0: {  	(pc) =	sbr.rel $0x88, $3  }
0x1: {  	(tag) =	ssettag $0x0;
	lr =	simm.s32 $0x1  }
0x2: {  	[smem:$0x3F9A] =	sst lr;
	_ =	strace $0xD0000000  }
0x3: {  	_ = 	snop  }
0x4: {  	_ = 	snop  }
0x5: {  	_ = 	snop  }
0x6: {  	_ = 	snop  }
0x7: {  	_ = 	snop  }
__scs_overlays_trampoline_lowered:
0x8: {  	[smem:$0x3FA9] =	sst s0  }
0x9: {  	[smem:$0x3FAA] =	sst s1  }
0xa: {  	[smem:$0x3FAB] =	sst s2  }
0xb: {  	[smem:$0x3FAC] =	sst s3  }
0xc: {  	[smem:$0x3FAD] =	sst s4  }
0xd: {  	[smem:$0x3FAE] =	sst s5  }
0xe: {  	[smem:$0x3FAF] =	sst s6  }
0xf: {  	[smem:$0x3FB0] =	sst s7  }
0x10: {  	[smem:$0x3FB1] =	sst s8  }
0x11: {  	[smem:$0x3FB2] =	sst s9;
	s0 =	simm.s32 @!p0 $0x0  }
0x12: {  	s1 =	sld [smem:$0x3F98];
	s0 =	simm.s32 @p0 $0x1  }
0x13: {  	[smem:$0x3FB3] =	sst s0;
	s0 =	simm.s32 @!p1 $0x0  }
0x14: {  	s2 =	sld [smem:$0x3F97];
	s0 =	simm.s32 @p1 $0x1  }
0x15: {  	[smem:$0x3FB4] =	sst s0;
	s0 =	simm.s32 @!p2 $0x0  }
0x16: {  	s3 =	sld [smem:$0x3FDB];
	s0 =	simm.s32 @p2 $0x1  }
0x17: {  	s4 =	simm.s32 $0x1BF5;
	[smem:$0x3FB6] =	sst s0  }
0x18: {  	s0 =	sld [smem:$0x3F99];
	_ =	swait.ge [sflag:s4], $0x0  }
0x19: {  	s7 =	sld [smem:$0x3F9A]  }
0x1a: {  	s8 =	sadd.s32 $0xFFFFE003, lr  }
0x1b: {  	s9 =	sadd.s32 $0xFFFFFEF7, lr;
	s5 =	simm.s32 $0xFFFFFFFF;
	p2 =	slt.u32 s8, $0xFFFFF086  }
0x1c: {  	p1 =	slt.u32 s9, $0xF7A;
	s5 =	simm.s32 @!p2 $0x0  }
0x1d: {  	s5 =	simm.s32 @p1 $0x1;
	p0 =	seq.s32 s7, s2  }
0x1e: {  	s7 =	smul.u32 @!p0 $0xF7A, s2;
	p2 =	seq.s32 @!p0 s5, $0x0  }
0x1f: {  	s9 =	smul.u32 $0xF7A, s1;
	s8 =	simm.s32 @!p0 $0x1BF5;
	p2 =	por !p2, p0  }
0x20: {  	[sflag:s8] =	ssyncset.s32 @!p0 $0xFFFFF086;
	s6 =	sadd.s32 @!p0 s3, s7;
	s7 =	simm.s32 @!p0 $0x108  }
0x21: {  	s3 =	sadd.s32 s3, s9;
	s6 =	sadd.s32 @!p0 $0x88, s6;
	s7 =	simm.s32 @p2 $0x1082  }
0x22: {  	[simem:s7], [sflag:s8] =	dma.local @!p0 [hbm:s6], $0xF7A  }
0x23: {  	s9 =	sor.u32 $0xD0000000, s2;
	s6 =	simm.s32 $0x108;
	_ =	swait.ge @!p0 [sflag:s8], $0x0  }
0x24: {  	s3 =	sadd.s32 $0x88, s3;
	s6 =	simm.s32 @!p1 $0x1082;
	[sflag:s4] =	ssyncset.s32 $0xFFFFF086  }
0x25: {  	[simem:s6], [sflag:s4] =	dma.local [hbm:s3], $0xF7A  }
0x26: {  	[smem:$0x3F9A] =	sst s1;
	(tag) =	ssettag s2;
	_ =	strace s9  }
0x27: {  	s1 =	sld [smem:$0x3FAA]  }
0x28: {  	s2 =	sld [smem:$0x3FAB]  }
0x29: {  	s4 =	sld [smem:$0x3FAD]  }
0x2a: {  	p0 =	seq.s32 s5, $0x0;
	s5 =	sld [smem:$0x3FAE]  }
0x2b: {  	s6 =	sld [smem:$0x3FAF]  }
0x2c: {  	s7 =	sld [smem:$0x3FB0]  }
0x2d: {  	s3 =	simm.s32 $0x108;
	s8 =	sld [smem:$0x3FB1]  }
0x2e: {  	s3 =	simm.s32 @!p0 $0x1082;
	s9 =	sld [smem:$0x3FB2]  }
0x2f: {  	lr =	sadd.s32 s0, s3;
	s0 =	sld [smem:$0x3FA9]  }
0x30: {  	s3 =	sld [smem:$0x3FAC]  }
0x31: {  	[smem:$0x3FB5] =	sst s10  }
0x32: {  	s10 =	sld [smem:$0x3FB3];
	_ =	sdelay $0x3  }
0x33: {  	p0 =	seq.s32 s10, $0x1;
	s10 =	sld [smem:$0x3FB5];
	_ =	sdelay $0x3  }
0x34: {  	[smem:$0x3FB5] =	sst s10  }
0x35: {  	s10 =	sld [smem:$0x3FB4];
	_ =	sdelay $0x3  }
0x36: {  	p1 =	seq.s32 s10, $0x1;
	s10 =	sld [smem:$0x3FB5];
	_ =	sdelay $0x3  }
0x37: {  	[smem:$0x3FB5] =	sst s10  }
0x38: {  	s10 =	sld [smem:$0x3FB6]  }
0x39: {  	_ = 	snop;
	(pc) =	sbr.ind lr, $3  }
0x3a: {  	_ = 	snop  }
0x3b: {  	_ = 	snop  }
0x3c: {  	p2 =	seq.s32 s10, $0x1;
	s10 =	sld [smem:$0x3FB5]  }
0x3d: {  	_ =	shalt  }
0x3e: {  	_ =	shalt  }
0x3f: {  	_ =	shalt  }
0x40: {  	_ =	shalt  }
0x41: {  	_ =	shalt  }
0x42: {  	_ =	shalt  }
0x43: {  	_ =	shalt  }
0x44: {  	_ =	shalt  }
0x45: {  	_ =	shalt  }
0x46: {  	_ =	shalt  }
0x47: {  	_ =	shalt  }
0x48: {  	_ =	shalt  }
0x49: {  	_ =	shalt  }
0x4a: {  	_ =	shalt  }
0x4b: {  	_ =	shalt  }
0x4c: {  	_ =	shalt  }
0x4d: {  	_ =	shalt  }
0x4e: {  	_ =	shalt  }
0x4f: {  	_ =	shalt  }
0x50: {  	_ =	shalt  }
0x51: {  	_ =	shalt  }
0x52: {  	_ =	shalt  }
0x53: {  	_ =	shalt  }
0x54: {  	_ =	shalt  }
0x55: {  	_ =	shalt  }
0x56: {  	_ =	shalt  }
0x57: {  	_ =	shalt  }
0x58: {  	_ =	shalt  }
0x59: {  	_ =	shalt  }
0x5a: {  	_ =	shalt  }
0x5b: {  	_ =	shalt  }
0x5c: {  	_ =	shalt  }
0x5d: {  	_ =	shalt  }
0x5e: {  	_ =	shalt  }
0x5f: {  	_ =	shalt  }
0x60: {  	_ =	shalt  }
0x61: {  	_ =	shalt  }
0x62: {  	_ =	shalt  }
0x63: {  	_ =	shalt  }
0x64: {  	_ =	shalt  }
0x65: {  	_ =	shalt  }
0x66: {  	_ =	shalt  }
0x67: {  	_ =	shalt  }
0x68: {  	_ =	shalt  }
0x69: {  	_ =	shalt  }
0x6a: {  	_ =	shalt  }
0x6b: {  	_ =	shalt  }
0x6c: {  	_ =	shalt  }
0x6d: {  	_ =	shalt  }
0x6e: {  	_ =	shalt  }
0x6f: {  	_ =	shalt  }
0x70: {  	_ =	shalt  }
0x71: {  	_ =	shalt  }
0x72: {  	_ =	shalt  }
0x73: {  	_ =	shalt  }
0x74: {  	_ =	shalt  }
0x75: {  	_ =	shalt  }
0x76: {  	_ =	shalt  }
0x77: {  	_ =	shalt  }
0x78: {  	_ =	shalt  }
0x79: {  	_ =	shalt  }
0x7a: {  	_ =	shalt  }
0x7b: {  	_ =	shalt  }
0x7c: {  	_ =	shalt  }
0x7d: {  	_ =	shalt  }
0x7e: {  	_ =	shalt  }
0x7f: {  	_ =	shalt  }
0x80: {  	_ =	shalt  }
0x81: {  	_ =	shalt  }
0x82: {  	_ =	shalt  }
0x83: {  	_ =	shalt  }
0x84: {  	_ =	shalt  }
0x85: {  	_ =	shalt  }
0x86: {  	_ =	shalt  }
0x87: {  	_ =	shalt  }
.Lfunc_end0:
.L_simem_size_0:
called_computation_lowered:
.L_overlay_start_0:
0x88: {  	s2 =	sld [smem:$0x3FD9]  }
0x89: {  	s3 =	sld [smem:$0x3FFE];
	_ =	sdelay $0x1  }
0x8a: {  	s1 =	srdreg.scid  }
0x8b: {  	s0 =	sand.u32 $0x1, s1  }
0x8c: {  	s17 =	sshll.u32 s0, $0xA;
	s2 =	sadd.s32 s3, s2  }
0x8d: {  	s2 =	sadd.s32 s2, s17  }
0x8e: {  	[smem:$0x3FC1] =	sst s2  }
0x8f: {  	_ = 	snop  }
0x90: {  	s2 =	sld [smem:$0x3FC9]  }
0x91: {  	s18 =	sld [smem:$0x3FC8]  }
0x92: {  	s4 =	sld [smem:$0x3FC3];
	(tm) =	ssettm $0x1  }
0x93: {  	s5 =	sld [smem:$0x3FFB];
	_ =	sdelay $0x3  }
0x94: {  	_ =	strace s5  }
0x95: {  	s5 =	sld [smem:$0x3FFC];
	_ =	sdelay $0x3  }
0x96: {  	_ =	strace s5  }
0x97: {  	s5 =	sld [smem:$0x3FFD];
	_ =	sdelay $0x3  }
0x98: {  	_ =	strace s5  }
0x99: {  	_ =	strace $0x8FFFFFFF  }
0x9a: {  	s19 =	sld [smem:$0x3FDB];
	_ =	sdelay $0x1  }
0x9b: {  	s6 =	simm.s32 $_scs_section_size  }
0x9c: {  	s7 =	simm.s32 $_size__tile_overlayer_lowered;
	s8 =	simm.s32 $_tile_overlayer_lowered  }
0x9d: {  	s22 =	simm.s32 $0x1BFF;
	s21 =	sshll.u32 s8, $0x1;
	s5 =	sadd.s32 s6, s19  }
0x9e: {  	s9 =	simm.s32 $0x0;
	s20 =	sshll.u32 s7, $0x1;
	s7 =	sadd.s32 s21, s5  }
0x9f: {  	[timem:s9], [sflag:s22] =	dma.local [hbm:s7], s20  }
0xa0: {  	_ =	swait.ge [sflag:s22], s20  }
0xa1: {  	s6 =	ssub.s32 $0x0, s20;
	[sflag:s22] =	ssyncset.done $0x0  }
0xa2: {  	[sflag:s22] =	ssyncadd.s32 s6;
	_ =	sdelay $0x1  }
0xa3: {  	s23 =	simm.s32 $0x1B8B  }
0xa4: {  	_ =	swait.ge [sflag:s23], $0x1  }
0xa5: {  	[sflag:s23] =	ssyncset.done $0x0  }
0xa6: {  	s25 =	simm.s32 $0x1B8E;
	s24 =	sld [smem:$0x3FFE];
	[sflag:s23] =	ssyncadd.s32 $0xFFFFFFFF  }
0xa7: {  	s26 =	simm.s32 $execute0_lowered;
	[smem:$0x3FD2] =	sst s25  }
0xa8: {  	s7 =	sshll.u32 s26, $0x1;
	_ =	strace $0x80000046;
	[dreg:$0x1] =	wrdreg $0xFFFFFFFF  }
0xa9: {  	s28 =	simm.s32 $_size_execute0_lowered;
	s5 =	sadd.s32 s5, s7;
	[dreg:$0x0] =	wrdreg $0x0  }
0xaa: {  	s7 =	sshll.u32 s28, $0x1;
	[dreg:$0x2] =	wrdreg s5  }
0xab: {  	[dreg:$0x3] =	wrdreg s7  }
0xac: {  	[dreg:$0x4] =	wrdreg $0xC0  }
0xad: {  	_ =	task [dreg:s9], $0x5FFFF  }
0xae: {  	[dreg:$0x1] =	wrdreg $0xFFFFFFFF  }
0xaf: {  	[dreg:$0x0] =	wrdreg $0x60  }
0xb0: {  	[dreg:$0x2] =	wrdreg s2  }
0xb1: {  	[dreg:$0x3] =	wrdreg s18  }
0xb2: {  	[dreg:$0x4] =	wrdreg s4  }
0xb3: {  	[dreg:$0x5] =	wrdreg s24  }
0xb4: {  	[dreg:$0x6] =	wrdreg $0x9  }
0xb5: {  	_ =	task.clear_ibuf [dreg:s9], $0x7FFFF;
	_ =	strace $0x90000046  }
0xb6: {  	s29 =	simm.s32 $0x9;
	_ =	strace $0x80000048  }
0xb7: {  	_ =	swait.ge [sflag:s29], $0x1  }
0xb8: {  	[sflag:s29] =	ssyncadd.s32 $0xFFFFFFFF  }
0xb9: {  	_ =	strace $0x90000048  }
0xba: {  	_ =	sfence  }
0xbb: {  	s30 =	sld [smem:$0x0];
	_ =	sdelay $0x2  }
0xbc: {  	s31 =	sshll.u32 s1, $0xD;
	s1 =	sshrl.u32 s1, $0x2  }
0xbd: {  	s3 =	sand.u32 $0x4000, s31;
	s1 =	sadd.s32 s1, s30  }
0xbe: {  	s0 =	sor.u32 s3, s0;
	s1 =	sshll.u32 s1, $0x11  }
0xbf: {  	s0 =	sor.u32 s1, s0  }
0xc0: {  	s0 =	sadd.s32 $0x8F2B, s0  }
0xc1: {  	[sflag:s0] =	ssyncadd.remote.s32 $0x1  }
0xc2: {  	_ =	sfence.sel $0xFFFF  }
0xc3: {  	[dreg:$0x0] =	wrdreg $0xFFFFFFFF;
	(pc) =	sbr.abs _section_cstart, $3  }
0xc4: {  	[dreg:$0x1] =	wrdreg $0xFFFFFFFF  }
0xc5: {  	_ =	task.clear_ibuf [dreg:s9], $0x2FFFF;
	_ =	strace $0x9FFFFFFF  }
0xc6: {  	(tm) =	ssettm $0x7FFFFFFF  }
0xc7: {  	_ =	shalt  }
tec
execute0_lowered:
.L_overlay_start_1:
0x0: {  	(tag) =	ssettag $0x1  }
0x1: {  	s1 =	rddreg [dreg:$0x0]  }
0x2: {  	s2 =	rddreg [dreg:$0x1]  }
0x3: {  	s4 =	rddreg [dreg:$0x2]  }
0x4: {  	s3 =	srdreg.scid;
	s0 =	stileid.u32  }
0x5: {  	s8 =	rddreg [dreg:$0x3];
	s5 =	simm.s32 $0x0;
	s13 =	simm.s32 $0x8000  }
0x6: {  	s14 =	simm.s32 $0x8280;
	s15 =	simm.s32 $0x8500;
	s17 =	simm.s32 $0x800  }
0x7: {  	s18 =	simm.s32 $0x8C80;
	s7 =	sand.u32 $0x1, s3;
	s6 =	sshll.u32 s0, $0x1  }
0x8: {  	s19 =	simm.s32 $0x0;
	[smem:$0x7FF] =	sst s5;
	s16 =	sor.u32 s7, s6  }
0x9: {  	s3 =	rddreg [dreg:$0x4];
	_ =	strace $0x80000047;
	s9 =	smul.u32 $0x50, s16  }
.Ltmp0:
0xa: {  	s6 =	sadd.s32 $0x1E00, s8;
	s10 =	ssub.s32 $0x2, s7;
	(pc) =	sbr.rel .LBB2_1-.Ltmp0, $4  }
0xb: {  	s11 =	sshll.u32 s16, $0x4;
	s12 =	sshrl.u32 s10, $0x1;
	p0 =	sne.s32 s16, $0x0  }
0xc: {  	s16 =	simm.s32 $0x400;
	s11 =	sadd.s32 s11, s8;
	s12 =	ssub.s32 s10, s12  }
0xd: {  	s7 =	sadd.s32 s8, s9;
	s10 =	sadd.s32 $0x2E00, s11;
	s11 =	smax.u32 s12, $0x1  }
0xe: {  	v0 =	vimm.f32 $0.0e+00;
	s12 =	simm.s32 $0x1;
	s8 =	sadd.s32 $0xA00, s7;
	s9 =	sadd.s32 $0x1400, s7  }
.LBB2_41:
0xf: {  	[tilespmem:$0x8CB0] =	vst v1  }
0x10: {  	[tilespmem:$0x8C80] =	vst v4  }
0x11: {  	[tilespmem:$0x8C90] =	vst v3  }
0x12: {  	[tilespmem:$0x8CA0] =	vst v2  }
0x13: {  	[tilespmem:$0x8CC0] =	vst v0  }
0x14: {  	[tilespmem:$0x8CD0] =	vst v0;
	s19 =	sadd.s32 $0x1, s19  }
0x15: {  	[tilespmem:$0x8CE0] =	vst v0;
	p1 =	sne.s32 s19, s11  }
.Ltmp1:
0x16: {  	[tilespmem:$0x8CF0] =	vst v0;
	(pc) =	sbr.rel @!p1 .LBB2_42-.Ltmp1, $4  }
0x17: {  	[hbm4b:s10+s5] =	stream.linear.scatter [tilespmem:s18], [sflag:$0x1], $0x80, $0x38;
	[tilespmem:$0x8D00] =	vst v63  }
0x18: {  	_ =	swait.ge [sflag:s12], $0x80  }
0x19: {  	[sflag:s12] =	ssyncset.done $0x0  }
0x1a: {  	[sflag:s12] =	ssyncadd.s32 $0xFFFFFF80  }
.LBB2_1:
0x1b: {  	[tilespmem:s5], [sflag:$0x1] =	stream.linear.gather [hbm4b:s6+s5], $0x8000, $0x38;
	[tilespmem:$0x8D00] =	vst v63  }
0x1c: {  	_ =	swait.ge [sflag:s12], $0x8000  }
0x1d: {  	[sflag:s12] =	ssyncset.done $0x0  }
0x1e: {  	[sflag:s12] =	ssyncadd.s32 $0xFFFF8000  }
0x1f: {  	[tilespmem:s13], [sflag:$0x1] =	stream.linear.gather [hbm4b:s8+s5], $0x280, $0x38;
	[tilespmem:$0x8D00] =	vst v63  }
0x20: {  	_ =	swait.ge [sflag:s12], $0x280  }
0x21: {  	[sflag:s12] =	ssyncset.done $0x0  }
0x22: {  	[sflag:s12] =	ssyncadd.s32 $0xFFFFFD80  }
0x23: {  	[tilespmem:s14], [sflag:$0x1] =	stream.linear.gather [hbm4b:s9+s5], $0x280, $0x38;
	[tilespmem:$0x8D00] =	vst v63  }
0x24: {  	_ =	swait.ge [sflag:s12], $0x280  }
0x25: {  	[sflag:s12] =	ssyncset.done $0x0  }
0x26: {  	[sflag:s12] =	ssyncadd.s32 $0xFFFFFD80  }
0x27: {  	[tilespmem:s15], [sflag:$0x1] =	stream.linear.gather [hbm4b:s7+s5], $0x280, $0x38;
	[tilespmem:$0x8D00] =	vst v63  }
0x28: {  	_ =	swait.ge [sflag:s12], $0x280  }
0x29: {  	[sflag:s12] =	ssyncset.done $0x0  }
0x2a: {  	s22 =	simm.s32 $0x0;
	[sflag:s12] =	ssyncadd.s32 $0xFFFFFD80  }
0x2b: {  	v1 =	vld [tilespmem:s22+$0x8000];
	_ =	sdelay $0x4  }
0x2c: {  	v2 =	vmul.f32 $3.200000000e+01, v1  }
0x2d: {  	s20 =	simm.s32 $0x10;
	(erf) = vrcp.f32 v1  }
0x2e: {  	v1 =	vld [tilespmem:s20+$0x8000];
	v2 =	vtrunc.f32 v2  }
0x2f: {  	v2 =	vcvt.f32.s32 v2;
	_ =	sdelay $0x1  }
0x30: {  	v3 =	vld [tilespmem:s22+$0x8500];
	vm0 =	vgt.s32 v2, $0x0  }
0x31: {  	v5 =	vld [tilespmem:s22+$0x8280];
	v6 =	vnsel vm0, $0x0, v2  }
0x32: {  	s21 =	simm.s32 $0x20;
	v4 =	vmul.f32 $3.200000000e+01, v1;
	(erf) = vrcp.f32 v1;
	v6 =	vmin.u32 v6, $0x1F  }
0x33: {  	v2 =	vld [tilespmem:s21+$0x8000]  }
0x34: {  	v4 =	vtrunc.f32 v4  }
0x35: {  	v4 =	vcvt.f32.s32 v4;
	[tilespmem:s22+$0x8A00] =	vst v6;
	v6 =	vpop (erf)  }
0x36: {  	vm1 =	vlt.f32 v3, $0.0e+00;
	vm2 =	vgt.f32 v3, $0.0e+00;
	v1 =	vld [tilespmem:s20+$0x8280];
	v5 =	vmul.f32 v6, v5  }
0x37: {  	s23 =	simm.s32 $0xC0;
	vm1 =	vmor vm2, vm1;
	v3 =	vld [tilespmem:s20+$0x8500];
	vm0 =	vgt.s32 v4, $0x0  }
.LBB2_2:
0x38: {  	s24 =	sshra.s32 s23, $0x2;
	p1 =	sne.s32 s23, $0x9C0;
	s23 =	sadd.s32 $0x40, s23;
	v6 =	vmul.f32 $3.200000000e+01, v2;
	(erf) = vrcp.f32 v2;
	v5 =	vnsel vm1, $0x0, v5  }
.Ltmp2:
0x39: {  	v4 =	vnsel vm0, $0x0, v4;
	v2 =	vld [tilespmem:s24+$0x8000];
	[tilespmem:s22+$0x8780] =	vst v5;
	s22 =	smov.u32 s20;
	s20 =	smov.u32 s21;
	(pc) =	sbr.rel @p1 .LBB2_2-.Ltmp2, $4  }
0x3a: {  	s21 =	smov.u32 s24;
	v7 =	vtrunc.f32 v6;
	v6 =	vmin.u32 v4, $0x1F  }
0x3b: {  	v4 =	vcvt.f32.s32 v7;
	[tilespmem:s22+$0x8A00] =	vst v6;
	v5 =	vpop (erf)  }
0x3c: {  	vm1 =	vlt.f32 v3, $0.0e+00;
	vm2 =	vgt.f32 v3, $0.0e+00;
	v5 =	vmul.f32 v5, v1;
	v1 =	vld [tilespmem:s20+$0x8280]  }
0x3d: {  	v3 =	vld [tilespmem:s20+$0x8500];
	vm0 =	vgt.s32 v4, $0x0;
	vm1 =	vmor vm2, vm1  }
0x3e: {  	(erf) = vrcp.f32 v2  }
0x3f: {  	v5 =	vnsel vm1, $0x0, v5;
	v4 =	vnsel vm0, $0x0, v4  }
0x40: {  	[tilespmem:s22+$0x8780] =	vst v5;
	v4 =	vmin.u32 v4, $0x1F  }
0x41: {  	v2 =	vmul.f32 $3.200000000e+01, v2;
	[tilespmem:s20+$0x8A00] =	vst v4  }
0x42: {  	v4 =	vld [tilespmem:s21+$0x8280]  }
0x43: {  	v2 =	vtrunc.f32 v2;
	v5 =	vld [tilespmem:s21+$0x8500]  }
0x44: {  	v2 =	vcvt.f32.s32 v2;
	v6 =	vpop (erf)  }
0x45: {  	vm12 =	vlt.f32 v3, $0.0e+00;
	vm13 =	vgt.f32 v3, $0.0e+00;
	v1 =	vmul.f32 v6, v1  }
0x46: {  	vm2 =	vgt.s32 v2, $0x0;
	vm0 =	vmor vm13, vm12  }
0x47: {  	v1 =	vnsel vm0, $0x0, v1;
	v2 =	vnsel vm2, $0x0, v2;
	v3 =	vpop (erf)  }
0x48: {  	vm14 =	vlt.f32 v5, $0.0e+00;
	vm15 =	vgt.f32 v5, $0.0e+00;
	v3 =	vmul.f32 v3, v4  }
0x49: {  	[tilespmem:s20+$0x8780] =	vst v1;
	v1 =	vmin.u32 v2, $0x1F;
	vm0 =	vmor vm15, vm14  }
0x4a: {  	[tilespmem:s21+$0x8A00] =	vst v1;
	v1 =	vimm.f32 $0.0e+00;
	v2 =	vnsel vm0, $0x0, v3  }
0x4b: {  	s20 =	simm.s32 $0x0;
	v4 =	vimm.f32 $0.0e+00;
	v3 =	vimm.f32 $0.0e+00;
	[tilespmem:s21+$0x8780] =	vst v2;
	v2 =	vimm.f32 $0.0e+00  }
.LBB2_4:
0x4c: {  	s21 =	sshll.u32 s20, $0x4  }
0x4d: {  	v7 =	vld [tilespmem:s21+$0x8A00];
	_ =	sdelay $0x4  }
0x4e: {  	(v2sf) =	vpush v7, $0x0;
	_ =	sdelay $0xe  }
0x4f: {  	s22 =	spop (v2sf)  }
0x50: {  	s22 =	sshll.u32 s22, $0xC  }
0x51: {  	v6 =	vld [tilespmem:s21+$0x8780];
	s22 =	sshra.s32 s22, $0x2  }
0x52: {  	s22 =	sor.u32 $0x40, s22  }
0x53: {  	v5 =	vld [tilespmem:s22+$0xFFFFFFC0];
	_ =	sdelay $0x1  }
0x54: {  	v9 =	vld [tilespmem:s22+$0xFFFFFFD0]  }
0x55: {  	v8 =	vbroadcast v6, $0x0  }
0x56: {  	v10 =	vld [tilespmem:s22+$0xFFFFFFE0]  }
0x57: {  	v5 =	vsub.f32 v8, v5  }
0x58: {  	v11 =	vld [tilespmem:s22+$0xFFFFFFF0]  }
0x59: {  	v9 =	vsub.f32 v8, v9;
	v12 =	vand.u32 $0x7FFFFFFF, v5  }
0x5a: {  	v13 =	vld [tilespmem:s22+$0x0];
	v5 =	vadd.f32 v5, v1;
	v12 =	vadd.f32 v12, v1  }
0x5b: {  	v10 =	vsub.f32 v8, v10;
	v14 =	vand.u32 $0x7FFFFFFF, v9  }
0x5c: {  	v16 =	vld [tilespmem:s22+$0x10];
	v9 =	vadd.f32 v9, v5;
	v12 =	vadd.f32 v14, v12  }
0x5d: {  	v5 =	vand.u32 $0x7FFFFFFF, v10;
	v14 =	vsub.f32 v8, v11  }
0x5e: {  	v11 =	vld [tilespmem:s22+$0x20];
	v9 =	vadd.f32 v10, v9;
	v15 =	vadd.f32 v5, v12  }
0x5f: {  	v10 =	vand.u32 $0x7FFFFFFF, v14;
	v12 =	vsub.f32 v8, v13  }
0x60: {  	v14 =	vadd.f32 v14, v9;
	v9 =	vld [tilespmem:s22+$0x30];
	v10 =	vadd.f32 v10, v15  }
0x61: {  	v5 =	vld [tilespmem:s21+$0x8500];
	s21 =	simm.s32 $0x0;
	v13 =	vsub.f32 v8, v16;
	s22 =	sadd.s32 $0x80, s22;
	v15 =	vand.u32 $0x7FFFFFFF, v12  }
.LBB2_5:
0x62: {  	v16 =	vld [tilespmem:s22+$0xFFFFFFC0];
	s21 =	sadd.s32 $0x8, s21;
	v10 =	vadd.f32 v15, v10;
	v12 =	vadd.f32 v12, v14  }
0x63: {  	p1 =	slt.u32 s21, $0x38;
	v14 =	vand.u32 $0x7FFFFFFF, v13;
	v11 =	vsub.f32 v8, v11  }
0x64: {  	v15 =	vld [tilespmem:s22+$0xFFFFFFD0];
	v10 =	vadd.f32 v14, v10;
	v12 =	vadd.f32 v13, v12  }
0x65: {  	v13 =	vand.u32 $0x7FFFFFFF, v11;
	v9 =	vsub.f32 v8, v9  }
0x66: {  	v14 =	vld [tilespmem:s22+$0xFFFFFFE0];
	v10 =	vadd.f32 v13, v10;
	v11 =	vadd.f32 v11, v12  }
0x67: {  	v12 =	vsub.f32 v8, v16;
	v13 =	vand.u32 $0x7FFFFFFF, v9  }
0x68: {  	v16 =	vld [tilespmem:s22+$0xFFFFFFF0];
	v10 =	vadd.f32 v13, v10;
	v9 =	vadd.f32 v9, v11  }
0x69: {  	v11 =	vand.u32 $0x7FFFFFFF, v12;
	v13 =	vsub.f32 v8, v15  }
0x6a: {  	v10 =	vadd.f32 v11, v10;
	v9 =	vadd.f32 v12, v9;
	v12 =	vld [tilespmem:s22+$0x0]  }
0x6b: {  	v11 =	vand.u32 $0x7FFFFFFF, v13;
	v14 =	vsub.f32 v8, v14  }
0x6c: {  	v10 =	vadd.f32 v11, v10;
	v9 =	vadd.f32 v13, v9;
	v13 =	vld [tilespmem:s22+$0x10]  }
.Ltmp3:
0x6d: {  	v11 =	vand.u32 $0x7FFFFFFF, v14;
	v15 =	vsub.f32 v8, v16;
	(pc) =	sbr.rel @p1 .LBB2_5-.Ltmp3, $4  }
0x6e: {  	v10 =	vadd.f32 v11, v10;
	v9 =	vadd.f32 v14, v9;
	v11 =	vld [tilespmem:s22+$0x20]  }
0x6f: {  	v14 =	vand.u32 $0x7FFFFFFF, v15;
	v12 =	vsub.f32 v8, v12  }
0x70: {  	v10 =	vadd.f32 v14, v10;
	v14 =	vadd.f32 v15, v9;
	v9 =	vld [tilespmem:s22+$0x30]  }
0x71: {  	s22 =	sadd.s32 $0x80, s22;
	v15 =	vand.u32 $0x7FFFFFFF, v12;
	v13 =	vsub.f32 v8, v13  }
0x72: {  	(v2sf) =	vpush v7, $0x1;
	_ =	sdelay $0xe  }
0x73: {  	s21 =	spop (v2sf)  }
0x74: {  	s21 =	sshll.u32 s21, $0xC  }
0x75: {  	s21 =	sshra.s32 s21, $0x2  }
0x76: {  	s22 =	sor.u32 $0x40, s21  }
0x77: {  	v16 =	vld [tilespmem:s22+$0xFFFFFFC0];
	_ =	sdelay $0x1  }
0x78: {  	v15 =	vadd.f32 v15, v10;
	v10 =	vbroadcast v6, $0x1;
	v17 =	vld [tilespmem:s22+$0xFFFFFFD0]  }
0x79: {  	v12 =	vadd.f32 v12, v14;
	v14 =	vand.u32 $0x7FFFFFFF, v13;
	v11 =	vsub.f32 v8, v11  }
0x7a: {  	v14 =	vadd.f32 v14, v15;
	v18 =	vld [tilespmem:s22+$0xFFFFFFE0]  }
0x7b: {  	v12 =	vadd.f32 v13, v12;
	v13 =	vand.u32 $0x7FFFFFFF, v11;
	v15 =	vsub.f32 v10, v16  }
0x7c: {  	v9 =	vsub.f32 v8, v9;
	v13 =	vadd.f32 v13, v14;
	v8 =	vld [tilespmem:s22+$0xFFFFFFF0]  }
0x7d: {  	v16 =	vimm.f32 $0.0e+00;
	v17 =	vsub.f32 v10, v17;
	v19 =	vand.u32 $0x7FFFFFFF, v15  }
0x7e: {  	v15 =	vadd.f32 v15, v16;
	v14 =	vadd.f32 v19, v16;
	v19 =	vld [tilespmem:s22+$0x0]  }
0x7f: {  	v11 =	vadd.f32 v11, v12;
	v18 =	vsub.f32 v10, v18;
	v16 =	vand.u32 $0x7FFFFFFF, v17  }
0x80: {  	v12 =	vand.u32 $0x7FFFFFFF, v9;
	v20 =	vld [tilespmem:s22+$0x10];
	v15 =	vadd.f32 v17, v15;
	v14 =	vadd.f32 v16, v14  }
0x81: {  	v17 =	vsub.f32 v10, v8;
	v8 =	vadd.f32 v12, v13;
	v16 =	vand.u32 $0x7FFFFFFF, v18  }
0x82: {  	v13 =	vld [tilespmem:s22+$0x20];
	v15 =	vadd.f32 v18, v15;
	v12 =	vadd.f32 v16, v14  }
0x83: {  	v9 =	vadd.f32 v9, v11;
	v16 =	vand.u32 $0x7FFFFFFF, v17;
	v14 =	vsub.f32 v10, v19  }
0x84: {  	v11 =	vld [tilespmem:s22+$0x30];
	v12 =	vadd.f32 v16, v12;
	v16 =	vadd.f32 v17, v15  }
0x85: {  	s21 =	simm.s32 $0x0;
	s22 =	sadd.s32 $0x80, s22;
	v15 =	vsub.f32 v10, v20;
	v17 =	vand.u32 $0x7FFFFFFF, v14  }
.LBB2_7:
0x86: {  	v18 =	vld [tilespmem:s22+$0xFFFFFFC0];
	s21 =	sadd.s32 $0x8, s21;
	v12 =	vadd.f32 v17, v12;
	v14 =	vadd.f32 v14, v16  }
0x87: {  	p1 =	slt.u32 s21, $0x38;
	v16 =	vand.u32 $0x7FFFFFFF, v15;
	v13 =	vsub.f32 v10, v13  }
0x88: {  	v17 =	vld [tilespmem:s22+$0xFFFFFFD0];
	v12 =	vadd.f32 v16, v12;
	v14 =	vadd.f32 v15, v14  }
0x89: {  	v15 =	vand.u32 $0x7FFFFFFF, v13;
	v11 =	vsub.f32 v10, v11  }
0x8a: {  	v16 =	vld [tilespmem:s22+$0xFFFFFFE0];
	v12 =	vadd.f32 v15, v12;
	v13 =	vadd.f32 v13, v14  }
0x8b: {  	v14 =	vsub.f32 v10, v18;
	v15 =	vand.u32 $0x7FFFFFFF, v11  }
0x8c: {  	v18 =	vld [tilespmem:s22+$0xFFFFFFF0];
	v12 =	vadd.f32 v15, v12;
	v11 =	vadd.f32 v11, v13  }
0x8d: {  	v13 =	vand.u32 $0x7FFFFFFF, v14;
	v15 =	vsub.f32 v10, v17  }
0x8e: {  	v12 =	vadd.f32 v13, v12;
	v11 =	vadd.f32 v14, v11;
	v14 =	vld [tilespmem:s22+$0x0]  }
0x8f: {  	v13 =	vand.u32 $0x7FFFFFFF, v15;
	v16 =	vsub.f32 v10, v16  }
0x90: {  	v12 =	vadd.f32 v13, v12;
	v11 =	vadd.f32 v15, v11;
	v15 =	vld [tilespmem:s22+$0x10]  }
.Ltmp4:
0x91: {  	v13 =	vand.u32 $0x7FFFFFFF, v16;
	v17 =	vsub.f32 v10, v18;
	(pc) =	sbr.rel @p1 .LBB2_7-.Ltmp4, $4  }
0x92: {  	v12 =	vadd.f32 v13, v12;
	v11 =	vadd.f32 v16, v11;
	v13 =	vld [tilespmem:s22+$0x20]  }
0x93: {  	v16 =	vand.u32 $0x7FFFFFFF, v17;
	v14 =	vsub.f32 v10, v14  }
0x94: {  	v12 =	vadd.f32 v16, v12;
	v16 =	vadd.f32 v17, v11;
	v11 =	vld [tilespmem:s22+$0x30]  }
0x95: {  	s22 =	sadd.s32 $0x80, s22;
	v17 =	vand.u32 $0x7FFFFFFF, v14;
	v15 =	vsub.f32 v10, v15  }
0x96: {  	(v2sf) =	vpush v7, $0x2;
	_ =	sdelay $0xe  }
0x97: {  	s21 =	spop (v2sf)  }
0x98: {  	s21 =	sshll.u32 s21, $0xC  }
0x99: {  	s21 =	sshra.s32 s21, $0x2  }
0x9a: {  	s22 =	sor.u32 $0x40, s21  }
0x9b: {  	v18 =	vld [tilespmem:s22+$0xFFFFFFC0];
	_ =	sdelay $0x1  }
0x9c: {  	v17 =	vadd.f32 v17, v12;
	v12 =	vbroadcast v6, $0x2;
	v19 =	vld [tilespmem:s22+$0xFFFFFFD0]  }
0x9d: {  	v14 =	vadd.f32 v14, v16;
	v16 =	vand.u32 $0x7FFFFFFF, v15;
	v13 =	vsub.f32 v10, v13  }
0x9e: {  	v16 =	vadd.f32 v16, v17;
	v20 =	vld [tilespmem:s22+$0xFFFFFFE0]  }
0x9f: {  	v14 =	vadd.f32 v15, v14;
	v15 =	vand.u32 $0x7FFFFFFF, v13;
	v17 =	vsub.f32 v12, v18  }
0xa0: {  	v11 =	vsub.f32 v10, v11;
	v15 =	vadd.f32 v15, v16;
	v10 =	vld [tilespmem:s22+$0xFFFFFFF0]  }
0xa1: {  	v18 =	vimm.f32 $0.0e+00;
	v19 =	vsub.f32 v12, v19;
	v21 =	vand.u32 $0x7FFFFFFF, v17  }
0xa2: {  	v63 =	vld [tilespmem:s22+$0x0];
	v17 =	vadd.f32 v17, v18;
	v16 =	vadd.f32 v21, v18  }
0xa3: {  	v13 =	vadd.f32 v13, v14;
	v20 =	vsub.f32 v12, v20;
	v18 =	vand.u32 $0x7FFFFFFF, v19  }
0xa4: {  	v14 =	vand.u32 $0x7FFFFFFF, v11;
	v22 =	vld [tilespmem:s22+$0x10];
	v17 =	vadd.f32 v19, v17;
	v16 =	vadd.f32 v18, v16  }
0xa5: {  	v19 =	vsub.f32 v12, v10;
	v10 =	vadd.f32 v14, v15;
	v18 =	vand.u32 $0x7FFFFFFF, v20  }
0xa6: {  	v15 =	vld [tilespmem:s22+$0x20];
	v17 =	vadd.f32 v20, v17;
	v14 =	vadd.f32 v18, v16  }
0xa7: {  	v11 =	vadd.f32 v11, v13;
	v18 =	vand.u32 $0x7FFFFFFF, v19;
	v16 =	vsub.f32 v12, v63  }
0xa8: {  	v13 =	vld [tilespmem:s22+$0x30];
	v14 =	vadd.f32 v18, v14;
	v18 =	vadd.f32 v19, v17  }
0xa9: {  	s21 =	simm.s32 $0x0;
	s22 =	sadd.s32 $0x80, s22;
	v19 =	vand.u32 $0x7FFFFFFF, v16;
	v17 =	vsub.f32 v12, v22  }
.LBB2_9:
0xaa: {  	v20 =	vld [tilespmem:s22+$0xFFFFFFC0];
	s21 =	sadd.s32 $0x8, s21;
	v14 =	vadd.f32 v19, v14;
	v16 =	vadd.f32 v16, v18  }
0xab: {  	p1 =	slt.u32 s21, $0x38;
	v18 =	vand.u32 $0x7FFFFFFF, v17;
	v15 =	vsub.f32 v12, v15  }
0xac: {  	v19 =	vld [tilespmem:s22+$0xFFFFFFD0];
	v14 =	vadd.f32 v18, v14;
	v16 =	vadd.f32 v17, v16  }
0xad: {  	v17 =	vand.u32 $0x7FFFFFFF, v15;
	v13 =	vsub.f32 v12, v13  }
0xae: {  	v18 =	vld [tilespmem:s22+$0xFFFFFFE0];
	v14 =	vadd.f32 v17, v14;
	v15 =	vadd.f32 v15, v16  }
0xaf: {  	v16 =	vsub.f32 v12, v20;
	v17 =	vand.u32 $0x7FFFFFFF, v13  }
0xb0: {  	v20 =	vld [tilespmem:s22+$0xFFFFFFF0];
	v14 =	vadd.f32 v17, v14;
	v13 =	vadd.f32 v13, v15  }
0xb1: {  	v15 =	vand.u32 $0x7FFFFFFF, v16;
	v17 =	vsub.f32 v12, v19  }
0xb2: {  	v14 =	vadd.f32 v15, v14;
	v13 =	vadd.f32 v16, v13;
	v16 =	vld [tilespmem:s22+$0x0]  }
0xb3: {  	v15 =	vand.u32 $0x7FFFFFFF, v17;
	v18 =	vsub.f32 v12, v18  }
0xb4: {  	v14 =	vadd.f32 v15, v14;
	v13 =	vadd.f32 v17, v13;
	v17 =	vld [tilespmem:s22+$0x10]  }
.Ltmp5:
0xb5: {  	v15 =	vand.u32 $0x7FFFFFFF, v18;
	v19 =	vsub.f32 v12, v20;
	(pc) =	sbr.rel @p1 .LBB2_9-.Ltmp5, $4  }
0xb6: {  	v14 =	vadd.f32 v15, v14;
	v13 =	vadd.f32 v18, v13;
	v15 =	vld [tilespmem:s22+$0x20]  }
0xb7: {  	v18 =	vand.u32 $0x7FFFFFFF, v19;
	v16 =	vsub.f32 v12, v16  }
0xb8: {  	v14 =	vadd.f32 v18, v14;
	v18 =	vadd.f32 v19, v13;
	v13 =	vld [tilespmem:s22+$0x30]  }
0xb9: {  	s22 =	sadd.s32 $0x80, s22;
	v19 =	vand.u32 $0x7FFFFFFF, v16;
	v17 =	vsub.f32 v12, v17  }
0xba: {  	(v2sf) =	vpush v7, $0x3;
	_ =	sdelay $0xe  }
0xbb: {  	s21 =	spop (v2sf)  }
0xbc: {  	s21 =	sshll.u32 s21, $0xC  }
0xbd: {  	s21 =	sshra.s32 s21, $0x2  }
0xbe: {  	s22 =	sor.u32 $0x40, s21  }
0xbf: {  	v20 =	vld [tilespmem:s22+$0xFFFFFFC0];
	_ =	sdelay $0x1  }
0xc0: {  	v19 =	vadd.f32 v19, v14;
	v14 =	vbroadcast v6, $0x3;
	v21 =	vld [tilespmem:s22+$0xFFFFFFD0]  }
0xc1: {  	v16 =	vadd.f32 v16, v18;
	v18 =	vand.u32 $0x7FFFFFFF, v17;
	v15 =	vsub.f32 v12, v15  }
0xc2: {  	v18 =	vadd.f32 v18, v19;
	v22 =	vld [tilespmem:s22+$0xFFFFFFE0]  }
0xc3: {  	v16 =	vadd.f32 v17, v16;
	v17 =	vand.u32 $0x7FFFFFFF, v15;
	v19 =	vsub.f32 v14, v20  }
0xc4: {  	v13 =	vsub.f32 v12, v13;
	v17 =	vadd.f32 v17, v18;
	v12 =	vld [tilespmem:s22+$0xFFFFFFF0]  }
0xc5: {  	v20 =	vimm.f32 $0.0e+00;
	v21 =	vsub.f32 v14, v21;
	v23 =	vand.u32 $0x7FFFFFFF, v19  }
0xc6: {  	v19 =	vadd.f32 v19, v20;
	v18 =	vadd.f32 v23, v20;
	v23 =	vld [tilespmem:s22+$0x0]  }
0xc7: {  	v15 =	vadd.f32 v15, v16;
	v22 =	vsub.f32 v14, v22;
	v20 =	vand.u32 $0x7FFFFFFF, v21  }
0xc8: {  	v16 =	vand.u32 $0x7FFFFFFF, v13;
	v24 =	vld [tilespmem:s22+$0x10];
	v19 =	vadd.f32 v21, v19;
	v18 =	vadd.f32 v20, v18  }
0xc9: {  	v21 =	vsub.f32 v14, v12;
	v12 =	vadd.f32 v16, v17;
	v20 =	vand.u32 $0x7FFFFFFF, v22  }
0xca: {  	v17 =	vld [tilespmem:s22+$0x20];
	v19 =	vadd.f32 v22, v19;
	v16 =	vadd.f32 v20, v18  }
0xcb: {  	v13 =	vadd.f32 v13, v15;
	v20 =	vand.u32 $0x7FFFFFFF, v21;
	v18 =	vsub.f32 v14, v23  }
0xcc: {  	v15 =	vld [tilespmem:s22+$0x30];
	v16 =	vadd.f32 v20, v16;
	v20 =	vadd.f32 v21, v19  }
0xcd: {  	s21 =	simm.s32 $0x0;
	s22 =	sadd.s32 $0x80, s22;
	v19 =	vsub.f32 v14, v24;
	v21 =	vand.u32 $0x7FFFFFFF, v18  }
.LBB2_11:
0xce: {  	v22 =	vld [tilespmem:s22+$0xFFFFFFC0];
	s21 =	sadd.s32 $0x8, s21;
	v16 =	vadd.f32 v21, v16;
	v18 =	vadd.f32 v18, v20  }
0xcf: {  	p1 =	slt.u32 s21, $0x38;
	v20 =	vand.u32 $0x7FFFFFFF, v19;
	v17 =	vsub.f32 v14, v17  }
0xd0: {  	v21 =	vld [tilespmem:s22+$0xFFFFFFD0];
	v16 =	vadd.f32 v20, v16;
	v18 =	vadd.f32 v19, v18  }
0xd1: {  	v19 =	vand.u32 $0x7FFFFFFF, v17;
	v15 =	vsub.f32 v14, v15  }
0xd2: {  	v20 =	vld [tilespmem:s22+$0xFFFFFFE0];
	v16 =	vadd.f32 v19, v16;
	v17 =	vadd.f32 v17, v18  }
0xd3: {  	v18 =	vsub.f32 v14, v22;
	v19 =	vand.u32 $0x7FFFFFFF, v15  }
0xd4: {  	v22 =	vld [tilespmem:s22+$0xFFFFFFF0];
	v16 =	vadd.f32 v19, v16;
	v15 =	vadd.f32 v15, v17  }
0xd5: {  	v17 =	vand.u32 $0x7FFFFFFF, v18;
	v19 =	vsub.f32 v14, v21  }
0xd6: {  	v16 =	vadd.f32 v17, v16;
	v15 =	vadd.f32 v18, v15;
	v18 =	vld [tilespmem:s22+$0x0]  }
0xd7: {  	v17 =	vand.u32 $0x7FFFFFFF, v19;
	v20 =	vsub.f32 v14, v20  }
0xd8: {  	v16 =	vadd.f32 v17, v16;
	v15 =	vadd.f32 v19, v15;
	v19 =	vld [tilespmem:s22+$0x10]  }
.Ltmp6:
0xd9: {  	v17 =	vand.u32 $0x7FFFFFFF, v20;
	v21 =	vsub.f32 v14, v22;
	(pc) =	sbr.rel @p1 .LBB2_11-.Ltmp6, $4  }
0xda: {  	v16 =	vadd.f32 v17, v16;
	v15 =	vadd.f32 v20, v15;
	v17 =	vld [tilespmem:s22+$0x20]  }
0xdb: {  	v20 =	vand.u32 $0x7FFFFFFF, v21;
	v18 =	vsub.f32 v14, v18  }
0xdc: {  	v16 =	vadd.f32 v20, v16;
	v20 =	vadd.f32 v21, v15;
	v15 =	vld [tilespmem:s22+$0x30]  }
0xdd: {  	s22 =	sadd.s32 $0x80, s22;
	v21 =	vand.u32 $0x7FFFFFFF, v18;
	v19 =	vsub.f32 v14, v19  }
0xde: {  	(v2sf) =	vpush v7, $0x4;
	_ =	sdelay $0xe  }
0xdf: {  	s21 =	spop (v2sf)  }
0xe0: {  	s21 =	sshll.u32 s21, $0xC  }
0xe1: {  	s21 =	sshra.s32 s21, $0x2  }
0xe2: {  	s22 =	sor.u32 $0x40, s21  }
0xe3: {  	v22 =	vld [tilespmem:s22+$0xFFFFFFC0];
	_ =	sdelay $0x1  }
0xe4: {  	v21 =	vadd.f32 v21, v16;
	v16 =	vbroadcast v6, $0x4;
	v23 =	vld [tilespmem:s22+$0xFFFFFFD0]  }
0xe5: {  	v18 =	vadd.f32 v18, v20;
	v20 =	vand.u32 $0x7FFFFFFF, v19;
	v17 =	vsub.f32 v14, v17  }
0xe6: {  	v20 =	vadd.f32 v20, v21;
	v24 =	vld [tilespmem:s22+$0xFFFFFFE0]  }
0xe7: {  	v18 =	vadd.f32 v19, v18;
	v19 =	vand.u32 $0x7FFFFFFF, v17;
	v21 =	vsub.f32 v16, v22  }
0xe8: {  	v15 =	vsub.f32 v14, v15;
	v19 =	vadd.f32 v19, v20;
	v14 =	vld [tilespmem:s22+$0xFFFFFFF0]  }
0xe9: {  	v22 =	vimm.f32 $0.0e+00;
	v23 =	vsub.f32 v16, v23;
	v25 =	vand.u32 $0x7FFFFFFF, v21  }
0xea: {  	v63 =	vld [tilespmem:s22+$0x0];
	v21 =	vadd.f32 v21, v22;
	v20 =	vadd.f32 v25, v22  }
0xeb: {  	v17 =	vadd.f32 v17, v18;
	v24 =	vsub.f32 v16, v24;
	v22 =	vand.u32 $0x7FFFFFFF, v23  }
0xec: {  	v18 =	vand.u32 $0x7FFFFFFF, v15;
	v26 =	vld [tilespmem:s22+$0x10];
	v21 =	vadd.f32 v23, v21;
	v20 =	vadd.f32 v22, v20  }
0xed: {  	v23 =	vsub.f32 v16, v14;
	v14 =	vadd.f32 v18, v19;
	v22 =	vand.u32 $0x7FFFFFFF, v24  }
0xee: {  	v19 =	vld [tilespmem:s22+$0x20];
	v21 =	vadd.f32 v24, v21;
	v18 =	vadd.f32 v22, v20  }
0xef: {  	v15 =	vadd.f32 v15, v17;
	v22 =	vand.u32 $0x7FFFFFFF, v23;
	v20 =	vsub.f32 v16, v63  }
0xf0: {  	v17 =	vld [tilespmem:s22+$0x30];
	v18 =	vadd.f32 v22, v18;
	v22 =	vadd.f32 v23, v21  }
0xf1: {  	s21 =	simm.s32 $0x0;
	s22 =	sadd.s32 $0x80, s22;
	v23 =	vand.u32 $0x7FFFFFFF, v20;
	v21 =	vsub.f32 v16, v26  }
.LBB2_13:
0xf2: {  	v24 =	vld [tilespmem:s22+$0xFFFFFFC0];
	s21 =	sadd.s32 $0x8, s21;
	v18 =	vadd.f32 v23, v18;
	v20 =	vadd.f32 v20, v22  }
0xf3: {  	p1 =	slt.u32 s21, $0x38;
	v22 =	vand.u32 $0x7FFFFFFF, v21;
	v19 =	vsub.f32 v16, v19  }
0xf4: {  	v23 =	vld [tilespmem:s22+$0xFFFFFFD0];
	v18 =	vadd.f32 v22, v18;
	v20 =	vadd.f32 v21, v20  }
0xf5: {  	v21 =	vand.u32 $0x7FFFFFFF, v19;
	v17 =	vsub.f32 v16, v17  }
0xf6: {  	v22 =	vld [tilespmem:s22+$0xFFFFFFE0];
	v18 =	vadd.f32 v21, v18;
	v19 =	vadd.f32 v19, v20  }
0xf7: {  	v20 =	vsub.f32 v16, v24;
	v21 =	vand.u32 $0x7FFFFFFF, v17  }
0xf8: {  	v24 =	vld [tilespmem:s22+$0xFFFFFFF0];
	v18 =	vadd.f32 v21, v18;
	v17 =	vadd.f32 v17, v19  }
0xf9: {  	v19 =	vand.u32 $0x7FFFFFFF, v20;
	v21 =	vsub.f32 v16, v23  }
0xfa: {  	v18 =	vadd.f32 v19, v18;
	v17 =	vadd.f32 v20, v17;
	v20 =	vld [tilespmem:s22+$0x0]  }
0xfb: {  	v19 =	vand.u32 $0x7FFFFFFF, v21;
	v22 =	vsub.f32 v16, v22  }
0xfc: {  	v18 =	vadd.f32 v19, v18;
	v17 =	vadd.f32 v21, v17;
	v21 =	vld [tilespmem:s22+$0x10]  }
.Ltmp7:
0xfd: {  	v19 =	vand.u32 $0x7FFFFFFF, v22;
	v23 =	vsub.f32 v16, v24;
	(pc) =	sbr.rel @p1 .LBB2_13-.Ltmp7, $4  }
0xfe: {  	v18 =	vadd.f32 v19, v18;
	v17 =	vadd.f32 v22, v17;
	v19 =	vld [tilespmem:s22+$0x20]  }
0xff: {  	v22 =	vand.u32 $0x7FFFFFFF, v23;
	v20 =	vsub.f32 v16, v20  }
0x100: {  	v18 =	vadd.f32 v22, v18;
	v22 =	vadd.f32 v23, v17;
	v17 =	vld [tilespmem:s22+$0x30]  }
0x101: {  	s22 =	sadd.s32 $0x80, s22;
	v23 =	vand.u32 $0x7FFFFFFF, v20;
	v21 =	vsub.f32 v16, v21  }
0x102: {  	(v2sf) =	vpush v7, $0x5;
	_ =	sdelay $0xe  }
0x103: {  	s21 =	spop (v2sf)  }
0x104: {  	s21 =	sshll.u32 s21, $0xC  }
0x105: {  	s21 =	sshra.s32 s21, $0x2  }
0x106: {  	s22 =	sor.u32 $0x40, s21  }
0x107: {  	v24 =	vld [tilespmem:s22+$0xFFFFFFC0];
	_ =	sdelay $0x1  }
0x108: {  	v23 =	vadd.f32 v23, v18;
	v18 =	vbroadcast v6, $0x5;
	v25 =	vld [tilespmem:s22+$0xFFFFFFD0]  }
0x109: {  	v20 =	vadd.f32 v20, v22;
	v22 =	vand.u32 $0x7FFFFFFF, v21;
	v19 =	vsub.f32 v16, v19  }
0x10a: {  	v22 =	vadd.f32 v22, v23;
	v26 =	vld [tilespmem:s22+$0xFFFFFFE0]  }
0x10b: {  	v20 =	vadd.f32 v21, v20;
	v21 =	vand.u32 $0x7FFFFFFF, v19;
	v23 =	vsub.f32 v18, v24  }
0x10c: {  	v17 =	vsub.f32 v16, v17;
	v21 =	vadd.f32 v21, v22;
	v16 =	vld [tilespmem:s22+$0xFFFFFFF0]  }
0x10d: {  	v24 =	vimm.f32 $0.0e+00;
	v25 =	vsub.f32 v18, v25;
	v27 =	vand.u32 $0x7FFFFFFF, v23  }
0x10e: {  	v23 =	vadd.f32 v23, v24;
	v22 =	vadd.f32 v27, v24;
	v27 =	vld [tilespmem:s22+$0x0]  }
0x10f: {  	v19 =	vadd.f32 v19, v20;
	v26 =	vsub.f32 v18, v26;
	v24 =	vand.u32 $0x7FFFFFFF, v25  }
0x110: {  	v20 =	vand.u32 $0x7FFFFFFF, v17;
	v28 =	vld [tilespmem:s22+$0x10];
	v23 =	vadd.f32 v25, v23;
	v22 =	vadd.f32 v24, v22  }
0x111: {  	v25 =	vsub.f32 v18, v16;
	v16 =	vadd.f32 v20, v21;
	v24 =	vand.u32 $0x7FFFFFFF, v26  }
0x112: {  	v21 =	vld [tilespmem:s22+$0x20];
	v23 =	vadd.f32 v26, v23;
	v20 =	vadd.f32 v24, v22  }
0x113: {  	v17 =	vadd.f32 v17, v19;
	v24 =	vand.u32 $0x7FFFFFFF, v25;
	v22 =	vsub.f32 v18, v27  }
0x114: {  	v19 =	vld [tilespmem:s22+$0x30];
	v20 =	vadd.f32 v24, v20;
	v24 =	vadd.f32 v25, v23  }
0x115: {  	s21 =	simm.s32 $0x0;
	s22 =	sadd.s32 $0x80, s22;
	v23 =	vsub.f32 v18, v28;
	v25 =	vand.u32 $0x7FFFFFFF, v22  }
.LBB2_15:
0x116: {  	v26 =	vld [tilespmem:s22+$0xFFFFFFC0];
	s21 =	sadd.s32 $0x8, s21;
	v20 =	vadd.f32 v25, v20;
	v22 =	vadd.f32 v22, v24  }
0x117: {  	p1 =	slt.u32 s21, $0x38;
	v24 =	vand.u32 $0x7FFFFFFF, v23;
	v21 =	vsub.f32 v18, v21  }
0x118: {  	v25 =	vld [tilespmem:s22+$0xFFFFFFD0];
	v20 =	vadd.f32 v24, v20;
	v22 =	vadd.f32 v23, v22  }
0x119: {  	v23 =	vand.u32 $0x7FFFFFFF, v21;
	v19 =	vsub.f32 v18, v19  }
0x11a: {  	v24 =	vld [tilespmem:s22+$0xFFFFFFE0];
	v20 =	vadd.f32 v23, v20;
	v21 =	vadd.f32 v21, v22  }
0x11b: {  	v22 =	vsub.f32 v18, v26;
	v23 =	vand.u32 $0x7FFFFFFF, v19  }
0x11c: {  	v26 =	vld [tilespmem:s22+$0xFFFFFFF0];
	v20 =	vadd.f32 v23, v20;
	v19 =	vadd.f32 v19, v21  }
0x11d: {  	v21 =	vand.u32 $0x7FFFFFFF, v22;
	v23 =	vsub.f32 v18, v25  }
0x11e: {  	v20 =	vadd.f32 v21, v20;
	v19 =	vadd.f32 v22, v19;
	v22 =	vld [tilespmem:s22+$0x0]  }
0x11f: {  	v21 =	vand.u32 $0x7FFFFFFF, v23;
	v24 =	vsub.f32 v18, v24  }
0x120: {  	v20 =	vadd.f32 v21, v20;
	v19 =	vadd.f32 v23, v19;
	v23 =	vld [tilespmem:s22+$0x10]  }
.Ltmp8:
0x121: {  	v21 =	vand.u32 $0x7FFFFFFF, v24;
	v25 =	vsub.f32 v18, v26;
	(pc) =	sbr.rel @p1 .LBB2_15-.Ltmp8, $4  }
0x122: {  	v20 =	vadd.f32 v21, v20;
	v19 =	vadd.f32 v24, v19;
	v21 =	vld [tilespmem:s22+$0x20]  }
0x123: {  	v24 =	vand.u32 $0x7FFFFFFF, v25;
	v22 =	vsub.f32 v18, v22  }
0x124: {  	v20 =	vadd.f32 v24, v20;
	v24 =	vadd.f32 v25, v19;
	v19 =	vld [tilespmem:s22+$0x30]  }
0x125: {  	s22 =	sadd.s32 $0x80, s22;
	v25 =	vand.u32 $0x7FFFFFFF, v22;
	v23 =	vsub.f32 v18, v23  }
0x126: {  	(v2sf) =	vpush v7, $0x6;
	_ =	sdelay $0xe  }
0x127: {  	s21 =	spop (v2sf)  }
0x128: {  	s21 =	sshll.u32 s21, $0xC  }
0x129: {  	s21 =	sshra.s32 s21, $0x2  }
0x12a: {  	s22 =	sor.u32 $0x40, s21  }
0x12b: {  	v26 =	vld [tilespmem:s22+$0xFFFFFFC0];
	_ =	sdelay $0x1  }
0x12c: {  	v25 =	vadd.f32 v25, v20;
	v20 =	vbroadcast v6, $0x6;
	v27 =	vld [tilespmem:s22+$0xFFFFFFD0]  }
0x12d: {  	v22 =	vadd.f32 v22, v24;
	v24 =	vand.u32 $0x7FFFFFFF, v23;
	v21 =	vsub.f32 v18, v21  }
0x12e: {  	v24 =	vadd.f32 v24, v25;
	v28 =	vld [tilespmem:s22+$0xFFFFFFE0]  }
0x12f: {  	v22 =	vadd.f32 v23, v22;
	v23 =	vand.u32 $0x7FFFFFFF, v21;
	v25 =	vsub.f32 v20, v26  }
0x130: {  	v19 =	vsub.f32 v18, v19;
	v23 =	vadd.f32 v23, v24;
	v18 =	vld [tilespmem:s22+$0xFFFFFFF0]  }
0x131: {  	v26 =	vimm.f32 $0.0e+00;
	v27 =	vsub.f32 v20, v27;
	v29 =	vand.u32 $0x7FFFFFFF, v25  }
0x132: {  	v25 =	vadd.f32 v25, v26;
	v24 =	vadd.f32 v29, v26;
	v29 =	vld [tilespmem:s22+$0x0]  }
0x133: {  	v21 =	vadd.f32 v21, v22;
	v28 =	vsub.f32 v20, v28;
	v26 =	vand.u32 $0x7FFFFFFF, v27  }
0x134: {  	v22 =	vand.u32 $0x7FFFFFFF, v19;
	v30 =	vld [tilespmem:s22+$0x10];
	v25 =	vadd.f32 v27, v25;
	v24 =	vadd.f32 v26, v24  }
0x135: {  	v27 =	vsub.f32 v20, v18;
	v18 =	vadd.f32 v22, v23;
	v26 =	vand.u32 $0x7FFFFFFF, v28  }
0x136: {  	v23 =	vld [tilespmem:s22+$0x20];
	v25 =	vadd.f32 v28, v25;
	v22 =	vadd.f32 v26, v24  }
0x137: {  	v19 =	vadd.f32 v19, v21;
	v26 =	vand.u32 $0x7FFFFFFF, v27;
	v24 =	vsub.f32 v20, v29  }
0x138: {  	v21 =	vld [tilespmem:s22+$0x30];
	v22 =	vadd.f32 v26, v22;
	v26 =	vadd.f32 v27, v25  }
0x139: {  	s21 =	simm.s32 $0x0;
	s22 =	sadd.s32 $0x80, s22;
	v25 =	vsub.f32 v20, v30;
	v27 =	vand.u32 $0x7FFFFFFF, v24  }
.LBB2_17:
0x13a: {  	v28 =	vld [tilespmem:s22+$0xFFFFFFC0];
	s21 =	sadd.s32 $0x8, s21;
	v22 =	vadd.f32 v27, v22;
	v24 =	vadd.f32 v24, v26  }
0x13b: {  	p1 =	slt.u32 s21, $0x38;
	v26 =	vand.u32 $0x7FFFFFFF, v25;
	v23 =	vsub.f32 v20, v23  }
0x13c: {  	v27 =	vld [tilespmem:s22+$0xFFFFFFD0];
	v22 =	vadd.f32 v26, v22;
	v24 =	vadd.f32 v25, v24  }
0x13d: {  	v25 =	vand.u32 $0x7FFFFFFF, v23;
	v21 =	vsub.f32 v20, v21  }
0x13e: {  	v26 =	vld [tilespmem:s22+$0xFFFFFFE0];
	v22 =	vadd.f32 v25, v22;
	v23 =	vadd.f32 v23, v24  }
0x13f: {  	v24 =	vsub.f32 v20, v28;
	v25 =	vand.u32 $0x7FFFFFFF, v21  }
0x140: {  	v28 =	vld [tilespmem:s22+$0xFFFFFFF0];
	v22 =	vadd.f32 v25, v22;
	v21 =	vadd.f32 v21, v23  }
0x141: {  	v23 =	vand.u32 $0x7FFFFFFF, v24;
	v25 =	vsub.f32 v20, v27  }
0x142: {  	v22 =	vadd.f32 v23, v22;
	v21 =	vadd.f32 v24, v21;
	v24 =	vld [tilespmem:s22+$0x0]  }
0x143: {  	v23 =	vand.u32 $0x7FFFFFFF, v25;
	v26 =	vsub.f32 v20, v26  }
0x144: {  	v22 =	vadd.f32 v23, v22;
	v21 =	vadd.f32 v25, v21;
	v25 =	vld [tilespmem:s22+$0x10]  }
.Ltmp9:
0x145: {  	v23 =	vand.u32 $0x7FFFFFFF, v26;
	v27 =	vsub.f32 v20, v28;
	(pc) =	sbr.rel @p1 .LBB2_17-.Ltmp9, $4  }
0x146: {  	v22 =	vadd.f32 v23, v22;
	v21 =	vadd.f32 v26, v21;
	v23 =	vld [tilespmem:s22+$0x20]  }
0x147: {  	v26 =	vand.u32 $0x7FFFFFFF, v27;
	v24 =	vsub.f32 v20, v24  }
0x148: {  	v22 =	vadd.f32 v26, v22;
	v26 =	vadd.f32 v27, v21;
	v21 =	vld [tilespmem:s22+$0x30]  }
0x149: {  	s22 =	sadd.s32 $0x80, s22;
	v27 =	vand.u32 $0x7FFFFFFF, v24;
	v25 =	vsub.f32 v20, v25  }
0x14a: {  	(v2sf) =	vpush v7, $0x7;
	_ =	sdelay $0xe  }
0x14b: {  	s21 =	spop (v2sf)  }
0x14c: {  	s21 =	sshll.u32 s21, $0xC  }
0x14d: {  	s21 =	sshra.s32 s21, $0x2  }
0x14e: {  	s22 =	sor.u32 $0x40, s21  }
0x14f: {  	v28 =	vld [tilespmem:s22+$0xFFFFFFC0];
	_ =	sdelay $0x1  }
0x150: {  	v27 =	vadd.f32 v27, v22;
	v22 =	vbroadcast v6, $0x7;
	v29 =	vld [tilespmem:s22+$0xFFFFFFD0]  }
0x151: {  	v24 =	vadd.f32 v24, v26;
	v26 =	vand.u32 $0x7FFFFFFF, v25;
	v23 =	vsub.f32 v20, v23  }
0x152: {  	v26 =	vadd.f32 v26, v27;
	v30 =	vld [tilespmem:s22+$0xFFFFFFE0]  }
0x153: {  	v24 =	vadd.f32 v25, v24;
	v25 =	vand.u32 $0x7FFFFFFF, v23;
	v27 =	vsub.f32 v22, v28  }
0x154: {  	v21 =	vsub.f32 v20, v21;
	v25 =	vadd.f32 v25, v26;
	v20 =	vld [tilespmem:s22+$0xFFFFFFF0]  }
0x155: {  	v28 =	vimm.f32 $0.0e+00;
	v29 =	vsub.f32 v22, v29;
	v31 =	vand.u32 $0x7FFFFFFF, v27  }
0x156: {  	v27 =	vadd.f32 v27, v28;
	v26 =	vadd.f32 v31, v28;
	v31 =	vld [tilespmem:s22+$0x0]  }
0x157: {  	v23 =	vadd.f32 v23, v24;
	v30 =	vsub.f32 v22, v30;
	v28 =	vand.u32 $0x7FFFFFFF, v29  }
0x158: {  	v24 =	vand.u32 $0x7FFFFFFF, v21;
	v32 =	vld [tilespmem:s22+$0x10];
	v27 =	vadd.f32 v29, v27;
	v26 =	vadd.f32 v28, v26  }
0x159: {  	v29 =	vsub.f32 v22, v20;
	v20 =	vadd.f32 v24, v25;
	v28 =	vand.u32 $0x7FFFFFFF, v30  }
0x15a: {  	v25 =	vld [tilespmem:s22+$0x20];
	v27 =	vadd.f32 v30, v27;
	v24 =	vadd.f32 v28, v26  }
0x15b: {  	v21 =	vadd.f32 v21, v23;
	v28 =	vand.u32 $0x7FFFFFFF, v29;
	v26 =	vsub.f32 v22, v31  }
0x15c: {  	v23 =	vld [tilespmem:s22+$0x30];
	v24 =	vadd.f32 v28, v24;
	v28 =	vadd.f32 v29, v27  }
0x15d: {  	s21 =	simm.s32 $0x0;
	s22 =	sadd.s32 $0x80, s22;
	v27 =	vsub.f32 v22, v32;
	v29 =	vand.u32 $0x7FFFFFFF, v26  }
.LBB2_19:
0x15e: {  	v30 =	vld [tilespmem:s22+$0xFFFFFFC0];
	s21 =	sadd.s32 $0x8, s21;
	v24 =	vadd.f32 v29, v24;
	v26 =	vadd.f32 v26, v28  }
0x15f: {  	p1 =	slt.u32 s21, $0x38;
	v28 =	vand.u32 $0x7FFFFFFF, v27;
	v25 =	vsub.f32 v22, v25  }
0x160: {  	v29 =	vld [tilespmem:s22+$0xFFFFFFD0];
	v24 =	vadd.f32 v28, v24;
	v26 =	vadd.f32 v27, v26  }
0x161: {  	v27 =	vand.u32 $0x7FFFFFFF, v25;
	v23 =	vsub.f32 v22, v23  }
0x162: {  	v28 =	vld [tilespmem:s22+$0xFFFFFFE0];
	v24 =	vadd.f32 v27, v24;
	v25 =	vadd.f32 v25, v26  }
0x163: {  	v26 =	vsub.f32 v22, v30;
	v27 =	vand.u32 $0x7FFFFFFF, v23  }
0x164: {  	v30 =	vld [tilespmem:s22+$0xFFFFFFF0];
	v24 =	vadd.f32 v27, v24;
	v23 =	vadd.f32 v23, v25  }
0x165: {  	v25 =	vand.u32 $0x7FFFFFFF, v26;
	v27 =	vsub.f32 v22, v29  }
0x166: {  	v24 =	vadd.f32 v25, v24;
	v23 =	vadd.f32 v26, v23;
	v26 =	vld [tilespmem:s22+$0x0]  }
0x167: {  	v25 =	vand.u32 $0x7FFFFFFF, v27;
	v28 =	vsub.f32 v22, v28  }
0x168: {  	v24 =	vadd.f32 v25, v24;
	v23 =	vadd.f32 v27, v23;
	v27 =	vld [tilespmem:s22+$0x10]  }
.Ltmp10:
0x169: {  	v25 =	vand.u32 $0x7FFFFFFF, v28;
	v29 =	vsub.f32 v22, v30;
	(pc) =	sbr.rel @p1 .LBB2_19-.Ltmp10, $4  }
0x16a: {  	v24 =	vadd.f32 v25, v24;
	v23 =	vadd.f32 v28, v23;
	v25 =	vld [tilespmem:s22+$0x20]  }
0x16b: {  	v28 =	vand.u32 $0x7FFFFFFF, v29;
	v26 =	vsub.f32 v22, v26  }
0x16c: {  	v24 =	vadd.f32 v28, v24;
	v28 =	vadd.f32 v29, v23;
	v23 =	vld [tilespmem:s22+$0x30]  }
0x16d: {  	s22 =	sadd.s32 $0x80, s22;
	v29 =	vand.u32 $0x7FFFFFFF, v26;
	v27 =	vsub.f32 v22, v27  }
0x16e: {  	(v2sf) =	vpush v7, $0x8;
	_ =	sdelay $0xe  }
0x16f: {  	s21 =	spop (v2sf)  }
0x170: {  	s21 =	sshll.u32 s21, $0xC  }
0x171: {  	s21 =	sshra.s32 s21, $0x2  }
0x172: {  	s22 =	sor.u32 $0x40, s21  }
0x173: {  	v30 =	vld [tilespmem:s22+$0xFFFFFFC0];
	_ =	sdelay $0x1  }
0x174: {  	v29 =	vadd.f32 v29, v24;
	v24 =	vbroadcast v6, $0x8;
	v31 =	vld [tilespmem:s22+$0xFFFFFFD0]  }
0x175: {  	v26 =	vadd.f32 v26, v28;
	v28 =	vand.u32 $0x7FFFFFFF, v27;
	v25 =	vsub.f32 v22, v25  }
0x176: {  	v28 =	vadd.f32 v28, v29;
	v32 =	vld [tilespmem:s22+$0xFFFFFFE0]  }
0x177: {  	v26 =	vadd.f32 v27, v26;
	v27 =	vand.u32 $0x7FFFFFFF, v25;
	v29 =	vsub.f32 v24, v30  }
0x178: {  	v23 =	vsub.f32 v22, v23;
	v27 =	vadd.f32 v27, v28;
	v22 =	vld [tilespmem:s22+$0xFFFFFFF0]  }
0x179: {  	v30 =	vimm.f32 $0.0e+00;
	v31 =	vsub.f32 v24, v31;
	v33 =	vand.u32 $0x7FFFFFFF, v29  }
0x17a: {  	v63 =	vld [tilespmem:s22+$0x0];
	v29 =	vadd.f32 v29, v30;
	v28 =	vadd.f32 v33, v30  }
0x17b: {  	v25 =	vadd.f32 v25, v26;
	v32 =	vsub.f32 v24, v32;
	v30 =	vand.u32 $0x7FFFFFFF, v31  }
0x17c: {  	v26 =	vand.u32 $0x7FFFFFFF, v23;
	v34 =	vld [tilespmem:s22+$0x10];
	v29 =	vadd.f32 v31, v29;
	v28 =	vadd.f32 v30, v28  }
0x17d: {  	v31 =	vsub.f32 v24, v22;
	v22 =	vadd.f32 v26, v27;
	v30 =	vand.u32 $0x7FFFFFFF, v32  }
0x17e: {  	v27 =	vld [tilespmem:s22+$0x20];
	v29 =	vadd.f32 v32, v29;
	v26 =	vadd.f32 v30, v28  }
0x17f: {  	v23 =	vadd.f32 v23, v25;
	v30 =	vand.u32 $0x7FFFFFFF, v31;
	v28 =	vsub.f32 v24, v63  }
0x180: {  	v25 =	vld [tilespmem:s22+$0x30];
	v26 =	vadd.f32 v30, v26;
	v30 =	vadd.f32 v31, v29  }
0x181: {  	s21 =	simm.s32 $0x0;
	s22 =	sadd.s32 $0x80, s22;
	v31 =	vand.u32 $0x7FFFFFFF, v28;
	v29 =	vsub.f32 v24, v34  }
.LBB2_21:
0x182: {  	v32 =	vld [tilespmem:s22+$0xFFFFFFC0];
	s21 =	sadd.s32 $0x8, s21;
	v26 =	vadd.f32 v31, v26;
	v28 =	vadd.f32 v28, v30  }
0x183: {  	p1 =	slt.u32 s21, $0x38;
	v30 =	vand.u32 $0x7FFFFFFF, v29;
	v27 =	vsub.f32 v24, v27  }
0x184: {  	v31 =	vld [tilespmem:s22+$0xFFFFFFD0];
	v26 =	vadd.f32 v30, v26;
	v28 =	vadd.f32 v29, v28  }
0x185: {  	v29 =	vand.u32 $0x7FFFFFFF, v27;
	v25 =	vsub.f32 v24, v25  }
0x186: {  	v30 =	vld [tilespmem:s22+$0xFFFFFFE0];
	v26 =	vadd.f32 v29, v26;
	v27 =	vadd.f32 v27, v28  }
0x187: {  	v28 =	vsub.f32 v24, v32;
	v29 =	vand.u32 $0x7FFFFFFF, v25  }
0x188: {  	v32 =	vld [tilespmem:s22+$0xFFFFFFF0];
	v26 =	vadd.f32 v29, v26;
	v25 =	vadd.f32 v25, v27  }
0x189: {  	v27 =	vand.u32 $0x7FFFFFFF, v28;
	v29 =	vsub.f32 v24, v31  }
0x18a: {  	v26 =	vadd.f32 v27, v26;
	v25 =	vadd.f32 v28, v25;
	v28 =	vld [tilespmem:s22+$0x0]  }
0x18b: {  	v27 =	vand.u32 $0x7FFFFFFF, v29;
	v30 =	vsub.f32 v24, v30  }
0x18c: {  	v26 =	vadd.f32 v27, v26;
	v25 =	vadd.f32 v29, v25;
	v29 =	vld [tilespmem:s22+$0x10]  }
.Ltmp11:
0x18d: {  	v27 =	vand.u32 $0x7FFFFFFF, v30;
	v31 =	vsub.f32 v24, v32;
	(pc) =	sbr.rel @p1 .LBB2_21-.Ltmp11, $4  }
0x18e: {  	v26 =	vadd.f32 v27, v26;
	v25 =	vadd.f32 v30, v25;
	v27 =	vld [tilespmem:s22+$0x20]  }
0x18f: {  	v30 =	vand.u32 $0x7FFFFFFF, v31;
	v28 =	vsub.f32 v24, v28  }
0x190: {  	v26 =	vadd.f32 v30, v26;
	v30 =	vadd.f32 v31, v25;
	v25 =	vld [tilespmem:s22+$0x30]  }
0x191: {  	s22 =	sadd.s32 $0x80, s22;
	v31 =	vand.u32 $0x7FFFFFFF, v28;
	v29 =	vsub.f32 v24, v29  }
0x192: {  	(v2sf) =	vpush v7, $0x9;
	_ =	sdelay $0xe  }
0x193: {  	s21 =	spop (v2sf)  }
0x194: {  	s21 =	sshll.u32 s21, $0xC  }
0x195: {  	s21 =	sshra.s32 s21, $0x2  }
0x196: {  	s22 =	sor.u32 $0x40, s21  }
0x197: {  	v32 =	vld [tilespmem:s22+$0xFFFFFFC0];
	_ =	sdelay $0x1  }
0x198: {  	v33 =	vld [tilespmem:s22+$0xFFFFFFD0]  }
0x199: {  	v31 =	vadd.f32 v31, v26;
	v26 =	vbroadcast v6, $0x9  }
0x19a: {  	v28 =	vadd.f32 v28, v30;
	v30 =	vand.u32 $0x7FFFFFFF, v29;
	v27 =	vsub.f32 v24, v27;
	v34 =	vld [tilespmem:s22+$0xFFFFFFE0]  }
0x19b: {  	v58 =	vimm.f32 $0.0e+00;
	v30 =	vadd.f32 v30, v31;
	v31 =	vsub.f32 v26, v32  }
0x19c: {  	v28 =	vadd.f32 v29, v28;
	v29 =	vand.u32 $0x7FFFFFFF, v27;
	v25 =	vsub.f32 v24, v25;
	v24 =	vld [tilespmem:s22+$0xFFFFFFF0]  }
0x19d: {  	v29 =	vadd.f32 v29, v30;
	v33 =	vsub.f32 v26, v33;
	v35 =	vand.u32 $0x7FFFFFFF, v31  }
0x19e: {  	v59 =	vld [tilespmem:s22+$0x0];
	v31 =	vadd.f32 v31, v58;
	v30 =	vadd.f32 v35, v58  }
0x19f: {  	v27 =	vadd.f32 v27, v28;
	v34 =	vsub.f32 v26, v34;
	v60 =	vand.u32 $0x7FFFFFFF, v33  }
0x1a0: {  	v28 =	vand.u32 $0x7FFFFFFF, v25;
	v36 =	vld [tilespmem:s22+$0x10];
	v31 =	vadd.f32 v33, v31;
	v30 =	vadd.f32 v60, v30  }
0x1a1: {  	v62 =	vsub.f32 v26, v24;
	v24 =	vadd.f32 v28, v29;
	v61 =	vand.u32 $0x7FFFFFFF, v34  }
0x1a2: {  	v29 =	vld [tilespmem:s22+$0x20];
	v31 =	vadd.f32 v34, v31;
	v28 =	vadd.f32 v61, v30  }
0x1a3: {  	v25 =	vadd.f32 v25, v27;
	v63 =	vand.u32 $0x7FFFFFFF, v62;
	v30 =	vsub.f32 v26, v59  }
0x1a4: {  	v27 =	vld [tilespmem:s22+$0x30];
	v32 =	vadd.f32 v62, v31;
	v28 =	vadd.f32 v63, v28  }
0x1a5: {  	s21 =	simm.s32 $0x0;
	s22 =	sadd.s32 $0x80, s22;
	v31 =	vsub.f32 v26, v36;
	v33 =	vand.u32 $0x7FFFFFFF, v30  }
.LBB2_23:
0x1a6: {  	v34 =	vld [tilespmem:s22+$0xFFFFFFC0];
	s21 =	sadd.s32 $0x8, s21;
	v28 =	vadd.f32 v33, v28;
	v30 =	vadd.f32 v30, v32  }
0x1a7: {  	p1 =	slt.u32 s21, $0x38;
	v32 =	vand.u32 $0x7FFFFFFF, v31;
	v29 =	vsub.f32 v26, v29  }
0x1a8: {  	v33 =	vld [tilespmem:s22+$0xFFFFFFD0];
	v28 =	vadd.f32 v32, v28;
	v30 =	vadd.f32 v31, v30  }
0x1a9: {  	v31 =	vand.u32 $0x7FFFFFFF, v29;
	v27 =	vsub.f32 v26, v27  }
0x1aa: {  	v32 =	vld [tilespmem:s22+$0xFFFFFFE0];
	v28 =	vadd.f32 v31, v28;
	v29 =	vadd.f32 v29, v30  }
0x1ab: {  	v30 =	vsub.f32 v26, v34;
	v31 =	vand.u32 $0x7FFFFFFF, v27  }
0x1ac: {  	v34 =	vld [tilespmem:s22+$0xFFFFFFF0];
	v28 =	vadd.f32 v31, v28;
	v27 =	vadd.f32 v27, v29  }
0x1ad: {  	v29 =	vand.u32 $0x7FFFFFFF, v30;
	v31 =	vsub.f32 v26, v33  }
0x1ae: {  	v28 =	vadd.f32 v29, v28;
	v27 =	vadd.f32 v30, v27;
	v30 =	vld [tilespmem:s22+$0x0]  }
0x1af: {  	v29 =	vand.u32 $0x7FFFFFFF, v31;
	v32 =	vsub.f32 v26, v32  }
0x1b0: {  	v28 =	vadd.f32 v29, v28;
	v27 =	vadd.f32 v31, v27;
	v31 =	vld [tilespmem:s22+$0x10]  }
.Ltmp12:
0x1b1: {  	v29 =	vand.u32 $0x7FFFFFFF, v32;
	v33 =	vsub.f32 v26, v34;
	(pc) =	sbr.rel @p1 .LBB2_23-.Ltmp12, $4  }
0x1b2: {  	v28 =	vadd.f32 v29, v28;
	v27 =	vadd.f32 v32, v27;
	v29 =	vld [tilespmem:s22+$0x20]  }
0x1b3: {  	v32 =	vand.u32 $0x7FFFFFFF, v33;
	v30 =	vsub.f32 v26, v30  }
0x1b4: {  	v28 =	vadd.f32 v32, v28;
	v32 =	vadd.f32 v33, v27;
	v27 =	vld [tilespmem:s22+$0x30]  }
0x1b5: {  	s22 =	sadd.s32 $0x80, s22;
	v33 =	vand.u32 $0x7FFFFFFF, v30;
	v31 =	vsub.f32 v26, v31  }
0x1b6: {  	(v2sf) =	vpush v7, $0xA;
	_ =	sdelay $0xe  }
0x1b7: {  	s21 =	spop (v2sf)  }
0x1b8: {  	s21 =	sshll.u32 s21, $0xC  }
0x1b9: {  	s21 =	sshra.s32 s21, $0x2  }
0x1ba: {  	s22 =	sor.u32 $0x40, s21  }
0x1bb: {  	v34 =	vld [tilespmem:s22+$0xFFFFFFC0];
	_ =	sdelay $0x1  }
0x1bc: {  	v35 =	vld [tilespmem:s22+$0xFFFFFFD0]  }
0x1bd: {  	v33 =	vadd.f32 v33, v28;
	v28 =	vbroadcast v6, $0xA  }
0x1be: {  	v30 =	vadd.f32 v30, v32;
	v55 =	vand.u32 $0x7FFFFFFF, v31;
	v29 =	vsub.f32 v26, v29;
	v36 =	vld [tilespmem:s22+$0xFFFFFFE0]  }
0x1bf: {  	v57 =	vimm.f32 $0.0e+00;
	v32 =	vadd.f32 v55, v33;
	v56 =	vsub.f32 v28, v34  }
0x1c0: {  	v30 =	vadd.f32 v31, v30;
	v31 =	vand.u32 $0x7FFFFFFF, v29;
	v27 =	vsub.f32 v26, v27;
	v26 =	vld [tilespmem:s22+$0xFFFFFFF0]  }
0x1c1: {  	v31 =	vadd.f32 v31, v32;
	v35 =	vsub.f32 v28, v35;
	v37 =	vand.u32 $0x7FFFFFFF, v56  }
0x1c2: {  	v59 =	vld [tilespmem:s22+$0x0];
	v33 =	vadd.f32 v56, v57;
	v58 =	vadd.f32 v37, v57  }
0x1c3: {  	v29 =	vadd.f32 v29, v30;
	v36 =	vsub.f32 v28, v36;
	v60 =	vand.u32 $0x7FFFFFFF, v35  }
0x1c4: {  	v30 =	vand.u32 $0x7FFFFFFF, v27;
	v38 =	vld [tilespmem:s22+$0x10];
	v33 =	vadd.f32 v35, v33;
	v32 =	vadd.f32 v60, v58  }
0x1c5: {  	v62 =	vsub.f32 v28, v26;
	v26 =	vadd.f32 v30, v31;
	v61 =	vand.u32 $0x7FFFFFFF, v36  }
0x1c6: {  	v31 =	vld [tilespmem:s22+$0x20];
	v33 =	vadd.f32 v36, v33;
	v30 =	vadd.f32 v61, v32  }
0x1c7: {  	v27 =	vadd.f32 v27, v29;
	v63 =	vand.u32 $0x7FFFFFFF, v62;
	v32 =	vsub.f32 v28, v59  }
0x1c8: {  	v29 =	vld [tilespmem:s22+$0x30];
	v34 =	vadd.f32 v62, v33;
	v30 =	vadd.f32 v63, v30  }
0x1c9: {  	s21 =	simm.s32 $0x0;
	s22 =	sadd.s32 $0x80, s22;
	v33 =	vsub.f32 v28, v38;
	v35 =	vand.u32 $0x7FFFFFFF, v32  }
.LBB2_25:
0x1ca: {  	v36 =	vld [tilespmem:s22+$0xFFFFFFC0];
	s21 =	sadd.s32 $0x8, s21;
	v30 =	vadd.f32 v35, v30;
	v32 =	vadd.f32 v32, v34  }
0x1cb: {  	p1 =	slt.u32 s21, $0x38;
	v34 =	vand.u32 $0x7FFFFFFF, v33;
	v31 =	vsub.f32 v28, v31  }
0x1cc: {  	v35 =	vld [tilespmem:s22+$0xFFFFFFD0];
	v30 =	vadd.f32 v34, v30;
	v32 =	vadd.f32 v33, v32  }
0x1cd: {  	v33 =	vand.u32 $0x7FFFFFFF, v31;
	v29 =	vsub.f32 v28, v29  }
0x1ce: {  	v34 =	vld [tilespmem:s22+$0xFFFFFFE0];
	v30 =	vadd.f32 v33, v30;
	v31 =	vadd.f32 v31, v32  }
0x1cf: {  	v32 =	vsub.f32 v28, v36;
	v33 =	vand.u32 $0x7FFFFFFF, v29  }
0x1d0: {  	v36 =	vld [tilespmem:s22+$0xFFFFFFF0];
	v30 =	vadd.f32 v33, v30;
	v29 =	vadd.f32 v29, v31  }
0x1d1: {  	v31 =	vand.u32 $0x7FFFFFFF, v32;
	v33 =	vsub.f32 v28, v35  }
0x1d2: {  	v30 =	vadd.f32 v31, v30;
	v29 =	vadd.f32 v32, v29;
	v32 =	vld [tilespmem:s22+$0x0]  }
0x1d3: {  	v31 =	vand.u32 $0x7FFFFFFF, v33;
	v34 =	vsub.f32 v28, v34  }
0x1d4: {  	v30 =	vadd.f32 v31, v30;
	v29 =	vadd.f32 v33, v29;
	v33 =	vld [tilespmem:s22+$0x10]  }
.Ltmp13:
0x1d5: {  	v31 =	vand.u32 $0x7FFFFFFF, v34;
	v35 =	vsub.f32 v28, v36;
	(pc) =	sbr.rel @p1 .LBB2_25-.Ltmp13, $4  }
0x1d6: {  	v30 =	vadd.f32 v31, v30;
	v29 =	vadd.f32 v34, v29;
	v31 =	vld [tilespmem:s22+$0x20]  }
0x1d7: {  	v34 =	vand.u32 $0x7FFFFFFF, v35;
	v32 =	vsub.f32 v28, v32  }
0x1d8: {  	v30 =	vadd.f32 v34, v30;
	v34 =	vadd.f32 v35, v29;
	v29 =	vld [tilespmem:s22+$0x30]  }
0x1d9: {  	s22 =	sadd.s32 $0x80, s22;
	v35 =	vand.u32 $0x7FFFFFFF, v32;
	v33 =	vsub.f32 v28, v33  }
0x1da: {  	(v2sf) =	vpush v7, $0xB;
	_ =	sdelay $0xe  }
0x1db: {  	s21 =	spop (v2sf)  }
0x1dc: {  	s21 =	sshll.u32 s21, $0xC  }
0x1dd: {  	s21 =	sshra.s32 s21, $0x2  }
0x1de: {  	s22 =	sor.u32 $0x40, s21  }
0x1df: {  	v36 =	vld [tilespmem:s22+$0xFFFFFFC0];
	_ =	sdelay $0x1  }
0x1e0: {  	v37 =	vld [tilespmem:s22+$0xFFFFFFD0]  }
0x1e1: {  	v35 =	vadd.f32 v35, v30;
	v30 =	vbroadcast v6, $0xB  }
0x1e2: {  	v32 =	vadd.f32 v32, v34;
	v52 =	vand.u32 $0x7FFFFFFF, v33;
	v31 =	vsub.f32 v28, v31;
	v38 =	vld [tilespmem:s22+$0xFFFFFFE0]  }
0x1e3: {  	v55 =	vimm.f32 $0.0e+00;
	v34 =	vadd.f32 v52, v35;
	v53 =	vsub.f32 v30, v36  }
0x1e4: {  	v32 =	vadd.f32 v33, v32;
	v54 =	vand.u32 $0x7FFFFFFF, v31;
	v29 =	vsub.f32 v28, v29;
	v28 =	vld [tilespmem:s22+$0xFFFFFFF0]  }
0x1e5: {  	v33 =	vadd.f32 v54, v34;
	v37 =	vsub.f32 v30, v37;
	v39 =	vand.u32 $0x7FFFFFFF, v53  }
0x1e6: {  	v57 =	vld [tilespmem:s22+$0x0];
	v35 =	vadd.f32 v53, v55;
	v56 =	vadd.f32 v39, v55  }
0x1e7: {  	v31 =	vadd.f32 v31, v32;
	v38 =	vsub.f32 v30, v38;
	v58 =	vand.u32 $0x7FFFFFFF, v37  }
0x1e8: {  	v59 =	vand.u32 $0x7FFFFFFF, v29;
	v40 =	vld [tilespmem:s22+$0x10];
	v35 =	vadd.f32 v37, v35;
	v34 =	vadd.f32 v58, v56  }
0x1e9: {  	v61 =	vsub.f32 v30, v28;
	v28 =	vadd.f32 v59, v33;
	v60 =	vand.u32 $0x7FFFFFFF, v38  }
0x1ea: {  	v33 =	vld [tilespmem:s22+$0x20];
	v35 =	vadd.f32 v38, v35;
	v62 =	vadd.f32 v60, v34  }
0x1eb: {  	v29 =	vadd.f32 v29, v31;
	v63 =	vand.u32 $0x7FFFFFFF, v61;
	v34 =	vsub.f32 v30, v57  }
0x1ec: {  	v31 =	vld [tilespmem:s22+$0x30];
	v36 =	vadd.f32 v61, v35;
	v32 =	vadd.f32 v63, v62  }
0x1ed: {  	s21 =	simm.s32 $0x0;
	s22 =	sadd.s32 $0x80, s22;
	v35 =	vsub.f32 v30, v40;
	v37 =	vand.u32 $0x7FFFFFFF, v34  }
.LBB2_27:
0x1ee: {  	v38 =	vld [tilespmem:s22+$0xFFFFFFC0];
	s21 =	sadd.s32 $0x8, s21;
	v32 =	vadd.f32 v37, v32;
	v34 =	vadd.f32 v34, v36  }
0x1ef: {  	p1 =	slt.u32 s21, $0x38;
	v36 =	vand.u32 $0x7FFFFFFF, v35;
	v33 =	vsub.f32 v30, v33  }
0x1f0: {  	v37 =	vld [tilespmem:s22+$0xFFFFFFD0];
	v32 =	vadd.f32 v36, v32;
	v34 =	vadd.f32 v35, v34  }
0x1f1: {  	v35 =	vand.u32 $0x7FFFFFFF, v33;
	v31 =	vsub.f32 v30, v31  }
0x1f2: {  	v36 =	vld [tilespmem:s22+$0xFFFFFFE0];
	v32 =	vadd.f32 v35, v32;
	v33 =	vadd.f32 v33, v34  }
0x1f3: {  	v34 =	vsub.f32 v30, v38;
	v35 =	vand.u32 $0x7FFFFFFF, v31  }
0x1f4: {  	v38 =	vld [tilespmem:s22+$0xFFFFFFF0];
	v32 =	vadd.f32 v35, v32;
	v31 =	vadd.f32 v31, v33  }
0x1f5: {  	v33 =	vand.u32 $0x7FFFFFFF, v34;
	v35 =	vsub.f32 v30, v37  }
0x1f6: {  	v32 =	vadd.f32 v33, v32;
	v31 =	vadd.f32 v34, v31;
	v34 =	vld [tilespmem:s22+$0x0]  }
0x1f7: {  	v33 =	vand.u32 $0x7FFFFFFF, v35;
	v36 =	vsub.f32 v30, v36  }
0x1f8: {  	v32 =	vadd.f32 v33, v32;
	v31 =	vadd.f32 v35, v31;
	v35 =	vld [tilespmem:s22+$0x10]  }
.Ltmp14:
0x1f9: {  	v33 =	vand.u32 $0x7FFFFFFF, v36;
	v37 =	vsub.f32 v30, v38;
	(pc) =	sbr.rel @p1 .LBB2_27-.Ltmp14, $4  }
0x1fa: {  	v32 =	vadd.f32 v33, v32;
	v31 =	vadd.f32 v36, v31;
	v33 =	vld [tilespmem:s22+$0x20]  }
0x1fb: {  	v36 =	vand.u32 $0x7FFFFFFF, v37;
	v34 =	vsub.f32 v30, v34  }
0x1fc: {  	v32 =	vadd.f32 v36, v32;
	v36 =	vadd.f32 v37, v31;
	v31 =	vld [tilespmem:s22+$0x30]  }
0x1fd: {  	s22 =	sadd.s32 $0x80, s22;
	v37 =	vand.u32 $0x7FFFFFFF, v34;
	v35 =	vsub.f32 v30, v35  }
0x1fe: {  	(v2sf) =	vpush v7, $0xC;
	_ =	sdelay $0xe  }
0x1ff: {  	s21 =	spop (v2sf)  }
0x200: {  	s21 =	sshll.u32 s21, $0xC  }
0x201: {  	s21 =	sshra.s32 s21, $0x2  }
0x202: {  	s22 =	sor.u32 $0x40, s21  }
0x203: {  	v38 =	vld [tilespmem:s22+$0xFFFFFFC0];
	_ =	sdelay $0x1  }
0x204: {  	v39 =	vld [tilespmem:s22+$0xFFFFFFD0]  }
0x205: {  	v37 =	vadd.f32 v37, v32;
	v32 =	vbroadcast v6, $0xC  }
0x206: {  	v34 =	vadd.f32 v34, v36;
	v52 =	vand.u32 $0x7FFFFFFF, v35;
	v33 =	vsub.f32 v30, v33;
	v40 =	vld [tilespmem:s22+$0xFFFFFFE0]  }
0x207: {  	v55 =	vimm.f32 $0.0e+00;
	v36 =	vadd.f32 v52, v37;
	v53 =	vsub.f32 v32, v38  }
0x208: {  	v34 =	vadd.f32 v35, v34;
	v54 =	vand.u32 $0x7FFFFFFF, v33;
	v31 =	vsub.f32 v30, v31;
	v30 =	vld [tilespmem:s22+$0xFFFFFFF0]  }
0x209: {  	v35 =	vadd.f32 v54, v36;
	v39 =	vsub.f32 v32, v39;
	v41 =	vand.u32 $0x7FFFFFFF, v53  }
0x20a: {  	v57 =	vld [tilespmem:s22+$0x0];
	v37 =	vadd.f32 v53, v55;
	v56 =	vadd.f32 v41, v55  }
0x20b: {  	v33 =	vadd.f32 v33, v34;
	v40 =	vsub.f32 v32, v40;
	v58 =	vand.u32 $0x7FFFFFFF, v39  }
0x20c: {  	v59 =	vand.u32 $0x7FFFFFFF, v31;
	v42 =	vld [tilespmem:s22+$0x10];
	v37 =	vadd.f32 v39, v37;
	v36 =	vadd.f32 v58, v56  }
0x20d: {  	v61 =	vsub.f32 v32, v30;
	v30 =	vadd.f32 v59, v35;
	v60 =	vand.u32 $0x7FFFFFFF, v40  }
0x20e: {  	v35 =	vld [tilespmem:s22+$0x20];
	v37 =	vadd.f32 v40, v37;
	v62 =	vadd.f32 v60, v36  }
0x20f: {  	v31 =	vadd.f32 v31, v33;
	v63 =	vand.u32 $0x7FFFFFFF, v61;
	v36 =	vsub.f32 v32, v57  }
0x210: {  	v33 =	vld [tilespmem:s22+$0x30];
	v38 =	vadd.f32 v61, v37;
	v34 =	vadd.f32 v63, v62  }
0x211: {  	s21 =	simm.s32 $0x0;
	s22 =	sadd.s32 $0x80, s22;
	v37 =	vsub.f32 v32, v42;
	v39 =	vand.u32 $0x7FFFFFFF, v36  }
.LBB2_29:
0x212: {  	v40 =	vld [tilespmem:s22+$0xFFFFFFC0];
	s21 =	sadd.s32 $0x8, s21;
	v34 =	vadd.f32 v39, v34;
	v36 =	vadd.f32 v36, v38  }
0x213: {  	p1 =	slt.u32 s21, $0x38;
	v38 =	vand.u32 $0x7FFFFFFF, v37;
	v35 =	vsub.f32 v32, v35  }
0x214: {  	v39 =	vld [tilespmem:s22+$0xFFFFFFD0];
	v34 =	vadd.f32 v38, v34;
	v36 =	vadd.f32 v37, v36  }
0x215: {  	v37 =	vand.u32 $0x7FFFFFFF, v35;
	v33 =	vsub.f32 v32, v33  }
0x216: {  	v38 =	vld [tilespmem:s22+$0xFFFFFFE0];
	v34 =	vadd.f32 v37, v34;
	v35 =	vadd.f32 v35, v36  }
0x217: {  	v36 =	vsub.f32 v32, v40;
	v37 =	vand.u32 $0x7FFFFFFF, v33  }
0x218: {  	v40 =	vld [tilespmem:s22+$0xFFFFFFF0];
	v34 =	vadd.f32 v37, v34;
	v33 =	vadd.f32 v33, v35  }
0x219: {  	v35 =	vand.u32 $0x7FFFFFFF, v36;
	v37 =	vsub.f32 v32, v39  }
0x21a: {  	v34 =	vadd.f32 v35, v34;
	v33 =	vadd.f32 v36, v33;
	v36 =	vld [tilespmem:s22+$0x0]  }
0x21b: {  	v35 =	vand.u32 $0x7FFFFFFF, v37;
	v38 =	vsub.f32 v32, v38  }
0x21c: {  	v34 =	vadd.f32 v35, v34;
	v33 =	vadd.f32 v37, v33;
	v37 =	vld [tilespmem:s22+$0x10]  }
.Ltmp15:
0x21d: {  	v35 =	vand.u32 $0x7FFFFFFF, v38;
	v39 =	vsub.f32 v32, v40;
	(pc) =	sbr.rel @p1 .LBB2_29-.Ltmp15, $4  }
0x21e: {  	v34 =	vadd.f32 v35, v34;
	v33 =	vadd.f32 v38, v33;
	v35 =	vld [tilespmem:s22+$0x20]  }
0x21f: {  	v38 =	vand.u32 $0x7FFFFFFF, v39;
	v36 =	vsub.f32 v32, v36  }
0x220: {  	v34 =	vadd.f32 v38, v34;
	v38 =	vadd.f32 v39, v33;
	v33 =	vld [tilespmem:s22+$0x30]  }
0x221: {  	s22 =	sadd.s32 $0x80, s22;
	v39 =	vand.u32 $0x7FFFFFFF, v36;
	v37 =	vsub.f32 v32, v37  }
0x222: {  	(v2sf) =	vpush v7, $0xD;
	_ =	sdelay $0xe  }
0x223: {  	s21 =	spop (v2sf)  }
0x224: {  	s21 =	sshll.u32 s21, $0xC  }
0x225: {  	s21 =	sshra.s32 s21, $0x2  }
0x226: {  	s22 =	sor.u32 $0x40, s21  }
0x227: {  	v40 =	vld [tilespmem:s22+$0xFFFFFFC0];
	_ =	sdelay $0x1  }
0x228: {  	v41 =	vld [tilespmem:s22+$0xFFFFFFD0]  }
0x229: {  	v39 =	vadd.f32 v39, v34;
	v34 =	vbroadcast v6, $0xD  }
0x22a: {  	v36 =	vadd.f32 v36, v38;
	v51 =	vand.u32 $0x7FFFFFFF, v37;
	v35 =	vsub.f32 v32, v35;
	v42 =	vld [tilespmem:s22+$0xFFFFFFE0]  }
0x22b: {  	v55 =	vimm.f32 $0.0e+00;
	v38 =	vadd.f32 v51, v39;
	v52 =	vsub.f32 v34, v40  }
0x22c: {  	v36 =	vadd.f32 v37, v36;
	v53 =	vand.u32 $0x7FFFFFFF, v35;
	v33 =	vsub.f32 v32, v33;
	v54 =	vld [tilespmem:s22+$0xFFFFFFF0]  }
0x22d: {  	v37 =	vadd.f32 v53, v38;
	v41 =	vsub.f32 v34, v41;
	v43 =	vand.u32 $0x7FFFFFFF, v52  }
0x22e: {  	v57 =	vld [tilespmem:s22+$0x0];
	v39 =	vadd.f32 v52, v55;
	v56 =	vadd.f32 v43, v55  }
0x22f: {  	v35 =	vadd.f32 v35, v36;
	v42 =	vsub.f32 v34, v42;
	v58 =	vand.u32 $0x7FFFFFFF, v41  }
0x230: {  	v59 =	vand.u32 $0x7FFFFFFF, v33;
	v44 =	vld [tilespmem:s22+$0x10];
	v39 =	vadd.f32 v41, v39;
	v38 =	vadd.f32 v58, v56  }
0x231: {  	v32 =	vadd.f32 v59, v37;
	v61 =	vsub.f32 v34, v54;
	v60 =	vand.u32 $0x7FFFFFFF, v42  }
0x232: {  	v37 =	vld [tilespmem:s22+$0x20];
	v39 =	vadd.f32 v42, v39;
	v62 =	vadd.f32 v60, v38  }
0x233: {  	v33 =	vadd.f32 v33, v35;
	v63 =	vand.u32 $0x7FFFFFFF, v61;
	v38 =	vsub.f32 v34, v57  }
0x234: {  	v35 =	vld [tilespmem:s22+$0x30];
	v40 =	vadd.f32 v61, v39;
	v36 =	vadd.f32 v63, v62  }
0x235: {  	s21 =	simm.s32 $0x0;
	s22 =	sadd.s32 $0x80, s22;
	v39 =	vsub.f32 v34, v44;
	v41 =	vand.u32 $0x7FFFFFFF, v38  }
.LBB2_31:
0x236: {  	v42 =	vld [tilespmem:s22+$0xFFFFFFC0];
	s21 =	sadd.s32 $0x8, s21;
	v36 =	vadd.f32 v41, v36;
	v38 =	vadd.f32 v38, v40  }
0x237: {  	p1 =	slt.u32 s21, $0x38;
	v40 =	vand.u32 $0x7FFFFFFF, v39;
	v37 =	vsub.f32 v34, v37  }
0x238: {  	v41 =	vld [tilespmem:s22+$0xFFFFFFD0];
	v36 =	vadd.f32 v40, v36;
	v38 =	vadd.f32 v39, v38  }
0x239: {  	v39 =	vand.u32 $0x7FFFFFFF, v37;
	v35 =	vsub.f32 v34, v35  }
0x23a: {  	v40 =	vld [tilespmem:s22+$0xFFFFFFE0];
	v36 =	vadd.f32 v39, v36;
	v37 =	vadd.f32 v37, v38  }
0x23b: {  	v38 =	vsub.f32 v34, v42;
	v39 =	vand.u32 $0x7FFFFFFF, v35  }
0x23c: {  	v42 =	vld [tilespmem:s22+$0xFFFFFFF0];
	v36 =	vadd.f32 v39, v36;
	v35 =	vadd.f32 v35, v37  }
0x23d: {  	v37 =	vand.u32 $0x7FFFFFFF, v38;
	v39 =	vsub.f32 v34, v41  }
0x23e: {  	v36 =	vadd.f32 v37, v36;
	v35 =	vadd.f32 v38, v35;
	v38 =	vld [tilespmem:s22+$0x0]  }
0x23f: {  	v37 =	vand.u32 $0x7FFFFFFF, v39;
	v40 =	vsub.f32 v34, v40  }
0x240: {  	v36 =	vadd.f32 v37, v36;
	v35 =	vadd.f32 v39, v35;
	v39 =	vld [tilespmem:s22+$0x10]  }
.Ltmp16:
0x241: {  	v37 =	vand.u32 $0x7FFFFFFF, v40;
	v41 =	vsub.f32 v34, v42;
	(pc) =	sbr.rel @p1 .LBB2_31-.Ltmp16, $4  }
0x242: {  	v36 =	vadd.f32 v37, v36;
	v35 =	vadd.f32 v40, v35;
	v37 =	vld [tilespmem:s22+$0x20]  }
0x243: {  	v40 =	vand.u32 $0x7FFFFFFF, v41;
	v38 =	vsub.f32 v34, v38  }
0x244: {  	v36 =	vadd.f32 v40, v36;
	v40 =	vadd.f32 v41, v35;
	v35 =	vld [tilespmem:s22+$0x30]  }
0x245: {  	s22 =	sadd.s32 $0x80, s22;
	v41 =	vand.u32 $0x7FFFFFFF, v38;
	v39 =	vsub.f32 v34, v39  }
0x246: {  	(v2sf) =	vpush v7, $0xE;
	_ =	sdelay $0xe  }
0x247: {  	s21 =	spop (v2sf)  }
0x248: {  	s21 =	sshll.u32 s21, $0xC  }
0x249: {  	s21 =	sshra.s32 s21, $0x2  }
0x24a: {  	s22 =	sor.u32 $0x40, s21  }
0x24b: {  	v42 =	vld [tilespmem:s22+$0xFFFFFFC0];
	_ =	sdelay $0x1  }
0x24c: {  	v43 =	vld [tilespmem:s22+$0xFFFFFFD0]  }
0x24d: {  	v41 =	vadd.f32 v41, v36;
	v36 =	vbroadcast v6, $0xE  }
0x24e: {  	v38 =	vadd.f32 v38, v40;
	v51 =	vand.u32 $0x7FFFFFFF, v39;
	v37 =	vsub.f32 v34, v37;
	v44 =	vld [tilespmem:s22+$0xFFFFFFE0]  }
0x24f: {  	v55 =	vimm.f32 $0.0e+00;
	v40 =	vadd.f32 v51, v41;
	v52 =	vsub.f32 v36, v42  }
0x250: {  	v38 =	vadd.f32 v39, v38;
	v53 =	vand.u32 $0x7FFFFFFF, v37;
	v35 =	vsub.f32 v34, v35;
	v54 =	vld [tilespmem:s22+$0xFFFFFFF0]  }
0x251: {  	v39 =	vadd.f32 v53, v40;
	v43 =	vsub.f32 v36, v43;
	v45 =	vand.u32 $0x7FFFFFFF, v52  }
0x252: {  	v57 =	vld [tilespmem:s22+$0x0];
	v41 =	vadd.f32 v52, v55;
	v56 =	vadd.f32 v45, v55  }
0x253: {  	v37 =	vadd.f32 v37, v38;
	v44 =	vsub.f32 v36, v44;
	v58 =	vand.u32 $0x7FFFFFFF, v43  }
0x254: {  	v59 =	vand.u32 $0x7FFFFFFF, v35;
	v46 =	vld [tilespmem:s22+$0x10];
	v41 =	vadd.f32 v43, v41;
	v40 =	vadd.f32 v58, v56  }
0x255: {  	v34 =	vadd.f32 v59, v39;
	v61 =	vsub.f32 v36, v54;
	v60 =	vand.u32 $0x7FFFFFFF, v44  }
0x256: {  	v39 =	vld [tilespmem:s22+$0x20];
	v41 =	vadd.f32 v44, v41;
	v62 =	vadd.f32 v60, v40  }
0x257: {  	v35 =	vadd.f32 v35, v37;
	v63 =	vand.u32 $0x7FFFFFFF, v61;
	v40 =	vsub.f32 v36, v57  }
0x258: {  	v38 =	vld [tilespmem:s22+$0x30];
	v42 =	vadd.f32 v61, v41;
	v37 =	vadd.f32 v63, v62  }
0x259: {  	s21 =	simm.s32 $0x0;
	s22 =	sadd.s32 $0x80, s22;
	v41 =	vsub.f32 v36, v46;
	v43 =	vand.u32 $0x7FFFFFFF, v40  }
.LBB2_33:
0x25a: {  	v44 =	vld [tilespmem:s22+$0xFFFFFFC0];
	s21 =	sadd.s32 $0x8, s21;
	v37 =	vadd.f32 v43, v37;
	v40 =	vadd.f32 v40, v42  }
0x25b: {  	p1 =	slt.u32 s21, $0x38;
	v42 =	vand.u32 $0x7FFFFFFF, v41;
	v39 =	vsub.f32 v36, v39  }
0x25c: {  	v43 =	vld [tilespmem:s22+$0xFFFFFFD0];
	v37 =	vadd.f32 v42, v37;
	v40 =	vadd.f32 v41, v40  }
0x25d: {  	v41 =	vand.u32 $0x7FFFFFFF, v39;
	v38 =	vsub.f32 v36, v38  }
0x25e: {  	v42 =	vld [tilespmem:s22+$0xFFFFFFE0];
	v37 =	vadd.f32 v41, v37;
	v39 =	vadd.f32 v39, v40  }
0x25f: {  	v40 =	vsub.f32 v36, v44;
	v41 =	vand.u32 $0x7FFFFFFF, v38  }
0x260: {  	v44 =	vld [tilespmem:s22+$0xFFFFFFF0];
	v37 =	vadd.f32 v41, v37;
	v38 =	vadd.f32 v38, v39  }
0x261: {  	v39 =	vand.u32 $0x7FFFFFFF, v40;
	v41 =	vsub.f32 v36, v43  }
0x262: {  	v37 =	vadd.f32 v39, v37;
	v38 =	vadd.f32 v40, v38;
	v40 =	vld [tilespmem:s22+$0x0]  }
0x263: {  	v39 =	vand.u32 $0x7FFFFFFF, v41;
	v42 =	vsub.f32 v36, v42  }
0x264: {  	v37 =	vadd.f32 v39, v37;
	v38 =	vadd.f32 v41, v38;
	v41 =	vld [tilespmem:s22+$0x10]  }
.Ltmp17:
0x265: {  	v39 =	vand.u32 $0x7FFFFFFF, v42;
	v43 =	vsub.f32 v36, v44;
	(pc) =	sbr.rel @p1 .LBB2_33-.Ltmp17, $4  }
0x266: {  	v37 =	vadd.f32 v39, v37;
	v38 =	vadd.f32 v42, v38;
	v39 =	vld [tilespmem:s22+$0x20]  }
0x267: {  	v42 =	vand.u32 $0x7FFFFFFF, v43;
	v40 =	vsub.f32 v36, v40  }
0x268: {  	v37 =	vadd.f32 v42, v37;
	v42 =	vadd.f32 v43, v38;
	v38 =	vld [tilespmem:s22+$0x30]  }
0x269: {  	s22 =	sadd.s32 $0x80, s22;
	v43 =	vand.u32 $0x7FFFFFFF, v40;
	v41 =	vsub.f32 v36, v41  }
0x26a: {  	(v2sf) =	vpush v7, $0xF;
	_ =	sdelay $0xe  }
0x26b: {  	s21 =	spop (v2sf)  }
0x26c: {  	s21 =	sshll.u32 s21, $0xC  }
0x26d: {  	s21 =	sshra.s32 s21, $0x2  }
0x26e: {  	s22 =	sor.u32 $0x40, s21  }
0x26f: {  	v7 =	vld [tilespmem:s22+$0xFFFFFFC0];
	_ =	sdelay $0x1  }
0x270: {  	v44 =	vld [tilespmem:s22+$0xFFFFFFD0]  }
0x271: {  	v43 =	vadd.f32 v43, v37;
	v37 =	vbroadcast v6, $0xF  }
0x272: {  	v6 =	vadd.f32 v40, v42;
	v52 =	vld [tilespmem:s22+$0xFFFFFFE0]  }
0x273: {  	v51 =	vand.u32 $0x7FFFFFFF, v41;
	v39 =	vsub.f32 v36, v39;
	v7 =	vsub.f32 v37, v7  }
0x274: {  	v56 =	vimm.f32 $0.0e+00;
	v40 =	vadd.f32 v51, v43;
	v6 =	vadd.f32 v41, v6;
	v55 =	vld [tilespmem:s22+$0xFFFFFFF0]  }
0x275: {  	v54 =	vsub.f32 v36, v38;
	v44 =	vsub.f32 v37, v44;
	v45 =	vand.u32 $0x7FFFFFFF, v7  }
0x276: {  	v53 =	vand.u32 $0x7FFFFFFF, v39;
	v58 =	vld [tilespmem:s22+$0x0];
	v7 =	vadd.f32 v7, v56;
	v57 =	vadd.f32 v45, v56  }
0x277: {  	v40 =	vadd.f32 v53, v40;
	v42 =	vsub.f32 v37, v52;
	v59 =	vand.u32 $0x7FFFFFFF, v44  }
0x278: {  	v47 =	vld [tilespmem:s22+$0x10];
	v7 =	vadd.f32 v44, v7;
	v60 =	vadd.f32 v59, v57  }
0x279: {  	v46 =	vadd.f32 v39, v6;
	v38 =	vsub.f32 v37, v55;
	v61 =	vand.u32 $0x7FFFFFFF, v42  }
0x27a: {  	v6 =	vand.u32 $0x7FFFFFFF, v54;
	v36 =	vld [tilespmem:s22+$0x20];
	v42 =	vadd.f32 v42, v7;
	v62 =	vadd.f32 v61, v60  }
0x27b: {  	v6 =	vadd.f32 v6, v40;
	v39 =	vsub.f32 v37, v58;
	v63 =	vand.u32 $0x7FFFFFFF, v38  }
0x27c: {  	v42 =	vadd.f32 v38, v42;
	v38 =	vld [tilespmem:s22+$0x30];
	v41 =	vadd.f32 v63, v62  }
0x27d: {  	s21 =	simm.s32 $0x0;
	v40 =	vsub.f32 v37, v47;
	v43 =	vand.u32 $0x7FFFFFFF, v39;
	v7 =	vadd.f32 v54, v46;
	s22 =	sadd.s32 $0x80, s22  }
.LBB2_35:
0x27e: {  	v44 =	vld [tilespmem:s22+$0xFFFFFFC0];
	s21 =	sadd.s32 $0x8, s21;
	v41 =	vadd.f32 v43, v41;
	v39 =	vadd.f32 v39, v42  }
0x27f: {  	p1 =	slt.u32 s21, $0x38;
	v42 =	vand.u32 $0x7FFFFFFF, v40;
	v36 =	vsub.f32 v37, v36  }
0x280: {  	v43 =	vld [tilespmem:s22+$0xFFFFFFD0];
	v41 =	vadd.f32 v42, v41;
	v39 =	vadd.f32 v40, v39  }
0x281: {  	v40 =	vand.u32 $0x7FFFFFFF, v36;
	v38 =	vsub.f32 v37, v38  }
0x282: {  	v42 =	vld [tilespmem:s22+$0xFFFFFFE0];
	v40 =	vadd.f32 v40, v41;
	v36 =	vadd.f32 v36, v39  }
0x283: {  	v39 =	vsub.f32 v37, v44;
	v41 =	vand.u32 $0x7FFFFFFF, v38  }
0x284: {  	v44 =	vld [tilespmem:s22+$0xFFFFFFF0];
	v40 =	vadd.f32 v41, v40;
	v36 =	vadd.f32 v38, v36  }
0x285: {  	v38 =	vand.u32 $0x7FFFFFFF, v39;
	v41 =	vsub.f32 v37, v43  }
0x286: {  	v38 =	vadd.f32 v38, v40;
	v36 =	vadd.f32 v39, v36;
	v39 =	vld [tilespmem:s22+$0x0]  }
0x287: {  	v40 =	vand.u32 $0x7FFFFFFF, v41;
	v42 =	vsub.f32 v37, v42  }
0x288: {  	v38 =	vadd.f32 v40, v38;
	v36 =	vadd.f32 v41, v36;
	v40 =	vld [tilespmem:s22+$0x10]  }
.Ltmp18:
0x289: {  	v41 =	vand.u32 $0x7FFFFFFF, v42;
	v43 =	vsub.f32 v37, v44;
	(pc) =	sbr.rel @p1 .LBB2_35-.Ltmp18, $4  }
0x28a: {  	v38 =	vadd.f32 v41, v38;
	v42 =	vadd.f32 v42, v36;
	v36 =	vld [tilespmem:s22+$0x20]  }
0x28b: {  	v41 =	vand.u32 $0x7FFFFFFF, v43;
	v39 =	vsub.f32 v37, v39  }
0x28c: {  	v41 =	vadd.f32 v41, v38;
	v42 =	vadd.f32 v43, v42;
	v38 =	vld [tilespmem:s22+$0x30]  }
0x28d: {  	s22 =	sadd.s32 $0x80, s22;
	v43 =	vand.u32 $0x7FFFFFFF, v39;
	v40 =	vsub.f32 v37, v40  }
0x28e: {  	v41 =	vadd.f32 v43, v41;
	v53 =	vbroadcast v5, $0x0;
	v55 =	vbroadcast v5, $0x1  }
0x28f: {  	v39 =	vadd.f32 v39, v42;
	v57 =	vbroadcast v5, $0x2;
	v60 =	vbroadcast v5, $0x3  }
0x290: {  	v63 =	vbroadcast v5, $0x4;
	v44 =	vbroadcast v5, $0x8;
	v50 =	vand.u32 $0x7FFFFFFF, v40  }
0x291: {  	v36 =	vsub.f32 v37, v36;
	v41 =	vadd.f32 v50, v41;
	v8 =	vmul.f32 v8, v53  }
0x292: {  	v39 =	vadd.f32 v40, v39;
	v9 =	vmul.f32 v9, v53;
	v56 =	vmul.f32 v10, v55  }
0x293: {  	v2 =	vadd.f32 v53, v2;
	v58 =	vmul.f32 v11, v55;
	v59 =	vmul.f32 v12, v57  }
0x294: {  	v61 =	vmul.f32 v13, v57;
	v62 =	vmul.f32 v14, v60;
	v4 =	vadd.f32 v8, v4  }
0x295: {  	v14 =	vmul.f32 v15, v60;
	v52 =	vsub.f32 v37, v38;
	v3 =	vadd.f32 v9, v3  }
0x296: {  	v51 =	vand.u32 $0x7FFFFFFF, v36;
	v2 =	vadd.f32 v2, v55;
	v4 =	vadd.f32 v56, v4  }
0x297: {  	v15 =	vmul.f32 v16, v63;
	v40 =	vadd.f32 v51, v41;
	v3 =	vadd.f32 v58, v3  }
0x298: {  	v16 =	vbroadcast v5, $0x5;
	v2 =	vadd.f32 v2, v57;
	v4 =	vadd.f32 v59, v4  }
0x299: {  	v17 =	vmul.f32 v17, v63;
	v36 =	vadd.f32 v36, v39;
	v3 =	vadd.f32 v61, v3  }
0x29a: {  	v37 =	vbroadcast v5, $0x6;
	v2 =	vadd.f32 v2, v60;
	v4 =	vadd.f32 v62, v4  }
0x29b: {  	v18 =	vmul.f32 v18, v16;
	v38 =	vmul.f32 v19, v16;
	v3 =	vadd.f32 v14, v3  }
0x29c: {  	v54 =	vand.u32 $0x7FFFFFFF, v52;
	v2 =	vadd.f32 v2, v63;
	v4 =	vadd.f32 v15, v4  }
0x29d: {  	v41 =	vbroadcast v5, $0x7;
	v39 =	vadd.f32 v54, v40;
	v3 =	vadd.f32 v17, v3  }
0x29e: {  	v40 =	vmul.f32 v20, v37;
	v2 =	vadd.f32 v2, v16;
	v4 =	vadd.f32 v18, v4  }
0x29f: {  	v47 =	vbroadcast v5, $0x9;
	v42 =	vmul.f32 v21, v37;
	v3 =	vadd.f32 v38, v3  }
0x2a0: {  	v43 =	vmul.f32 v22, v41;
	v2 =	vadd.f32 v2, v37;
	v4 =	vadd.f32 v40, v4  }
0x2a1: {  	v46 =	vmul.f32 v24, v44;
	v45 =	vmul.f32 v23, v41;
	v3 =	vadd.f32 v42, v3  }
0x2a2: {  	v48 =	vmul.f32 v25, v44;
	v2 =	vadd.f32 v2, v41;
	v4 =	vadd.f32 v43, v4  }
0x2a3: {  	v49 =	vmul.f32 v26, v47;
	v50 =	vbroadcast v5, $0xA;
	v3 =	vadd.f32 v45, v3  }
0x2a4: {  	v53 =	vbroadcast v5, $0xB;
	v2 =	vadd.f32 v2, v44;
	v4 =	vadd.f32 v46, v4  }
0x2a5: {  	v51 =	vmul.f32 v27, v47;
	v36 =	vadd.f32 v52, v36;
	v3 =	vadd.f32 v48, v3  }
0x2a6: {  	v52 =	vmul.f32 v28, v50;
	v2 =	vadd.f32 v2, v47;
	v4 =	vadd.f32 v49, v4  }
0x2a7: {  	v55 =	vmul.f32 v30, v53;
	v54 =	vmul.f32 v29, v50;
	v3 =	vadd.f32 v51, v3  }
0x2a8: {  	v56 =	vbroadcast v5, $0xC;
	v2 =	vadd.f32 v2, v50;
	v4 =	vadd.f32 v52, v4  }
0x2a9: {  	v57 =	vmul.f32 v31, v53;
	v59 =	vbroadcast v5, $0xD;
	v3 =	vadd.f32 v54, v3  }
0x2aa: {  	v58 =	vmul.f32 v32, v56;
	v2 =	vadd.f32 v2, v53;
	v4 =	vadd.f32 v55, v4  }
0x2ab: {  	v60 =	vmul.f32 v33, v56;
	v61 =	vmul.f32 v34, v59;
	v3 =	vadd.f32 v57, v3  }
0x2ac: {  	v62 =	vbroadcast v5, $0xE;
	v2 =	vadd.f32 v2, v56;
	v4 =	vadd.f32 v58, v4  }
0x2ad: {  	s20 =	sadd.s32 $0x1, s20;
	v63 =	vmul.f32 v35, v59;
	v3 =	vadd.f32 v60, v3  }
0x2ae: {  	p1 =	sne.s32 s20, $0x28;
	v6 =	vmul.f32 v6, v62;
	v2 =	vadd.f32 v2, v59;
	v4 =	vadd.f32 v61, v4  }
.Ltmp19:
0x2af: {  	v5 =	vbroadcast v5, $0xF;
	v7 =	vmul.f32 v7, v62;
	v3 =	vadd.f32 v63, v3;
	(pc) =	sbr.rel @p1 .LBB2_4-.Ltmp19, $4  }
0x2b0: {  	v2 =	vadd.f32 v2, v62;
	v4 =	vadd.f32 v6, v4  }
0x2b1: {  	v6 =	vmul.f32 v39, v5;
	v3 =	vadd.f32 v7, v3;
	v7 =	vmul.f32 v36, v5  }
0x2b2: {  	v2 =	vadd.f32 v2, v5  }
0x2b3: {  	v4 =	vadd.f32 v6, v4;
	v3 =	vadd.f32 v7, v3  }
.Ltmp20:
0x2b4: {  	(pc) =	sbr.rel @p0 .LBB2_41-.Ltmp20, $2  }
0x2b5: {  	_ =	sdelay $0x2  }
0x2b6: {  	v1 =	vimm.f32 $0.0e+00  }
0x2b7: {  	s20 =	simm.s32 $0x0  }
0x2b8: {  	[tilespmem:s20], [sflag:$0x1] =	stream.linear.gather [hbm4b:s1+s20], $0x400, $0x38;
	[tilespmem:$0x8D00] =	vst v63  }
0x2b9: {  	_ =	swait.ge [sflag:s12], $0x400  }
0x2ba: {  	[sflag:s12] =	ssyncset.done $0x0  }
0x2bb: {  	[sflag:s12] =	ssyncadd.s32 $0xFFFFFC00  }
0x2bc: {  	[tilespmem:s16], [sflag:$0x1] =	stream.linear.gather [hbm4b:s2+s20], $0x400, $0x38;
	[tilespmem:$0x8D00] =	vst v63  }
0x2bd: {  	_ =	swait.ge [sflag:s12], $0x400  }
0x2be: {  	[sflag:s12] =	ssyncset.done $0x0  }
0x2bf: {  	[sflag:s12] =	ssyncadd.s32 $0xFFFFFC00  }
0x2c0: {  	[tilespmem:s17], [sflag:$0x1] =	stream.linear.gather [hbm4b:s4+s20], $0x400, $0x38;
	[tilespmem:$0x8D00] =	vst v63  }
0x2c1: {  	_ =	swait.ge [sflag:s12], $0x400  }
0x2c2: {  	[sflag:s12] =	ssyncset.done $0x0  }
0x2c3: {  	[sflag:s12] =	ssyncadd.s32 $0xFFFFFC00  }
0x2c4: {  	v1 =	vld [tilespmem:s20+$0x0];
	s20 =	sand.u32 $0x3F0, s20  }
0x2c5: {  	v5 =	vld [tilespmem:s20+$0x400];
	_ =	sdelay $0x4  }
0x2c6: {  	v1 =	vsub.f32 v1, v5  }
0x2c7: {  	s31 =	simm.s32 $0x10;
	v10 =	vld [tilespmem:s20+$0x800]  }
0x2c8: {  	s21 =	sand.u32 $0x3F0, s31;
	v5 =	vld [tilespmem:s31+$0x0];
	v6 =	vmax.f32 v1, $0.0e+00  }
0x2c9: {  	v8 =	vmul.f32 v6, v6;
	v6 =	vld [tilespmem:s21+$0x400]  }
0x2ca: {  	v1 =	vsub.f32 $0.0e+00, v1;
	_ =	sdelay $0x1  }
0x2cb: {  	v7 =	vimm.f32 $0.0e+00;
	v9 =	vmax.f32 v1, $0.0e+00  }
0x2cc: {  	s20 =	simm.s32 $0x20;
	v1 =	vld [tilespmem:s21+$0x800];
	s21 =	simm.s32 $0x20;
	v8 =	vmul.f32 v8, v10;
	v9 =	vmul.f32 v9, v9;
	v10 =	vsub.f32 $1.000000000e+00, v10  }
.LBB2_39:
0x2cd: {  	s22 =	sand.u32 $0x3F0, s20;
	p1 =	sne.s32 s20, $0x3F0;
	s20 =	sadd.s32 $0x10, s20;
	v11 =	vsub.f32 v5, v6;
	v5 =	vld [tilespmem:s21+$0x0]  }
.Ltmp21:
0x2ce: {  	v6 =	vld [tilespmem:s22+$0x400];
	v7 =	vadd.f32 v8, v7;
	v8 =	vmul.f32 v9, v10;
	(pc) =	sbr.rel @p1 .LBB2_39-.Ltmp21, $4  }
0x2cf: {  	v9 =	vmax.f32 v11, $0.0e+00;
	v10 =	vsub.f32 $0.0e+00, v11  }
0x2d0: {  	v9 =	vmul.f32 v9, v9;
	v7 =	vadd.f32 v8, v7  }
0x2d1: {  	v10 =	vmax.f32 v10, $0.0e+00  }
0x2d2: {  	s21 =	sadd.s32 $0x10, s21;
	v8 =	vmul.f32 v9, v1;
	v9 =	vmul.f32 v10, v10;
	v10 =	vsub.f32 $1.000000000e+00, v1;
	v1 =	vld [tilespmem:s22+$0x800]  }
0x2d3: {  	v5 =	vsub.f32 v5, v6  }
0x2d4: {  	v6 =	vadd.f32 v8, v7  }
0x2d5: {  	v7 =	vmul.f32 v9, v10;
	v63 =	vmax.f32 v5, $0.0e+00;
	v5 =	vsub.f32 $0.0e+00, v5  }
0x2d6: {  	v8 =	vmul.f32 v63, v63  }
0x2d7: {  	v6 =	vadd.f32 v7, v6;
	v5 =	vmax.f32 v5, $0.0e+00  }
0x2d8: {  	v7 =	vmul.f32 v8, v1;
	v5 =	vmul.f32 v5, v5;
	v1 =	vsub.f32 $1.000000000e+00, v1;
	_ =	sdelay $0x1  }
0x2d9: {  	v6 =	vadd.f32 v7, v6;
	v1 =	vmul.f32 v5, v1  }
.Ltmp22:
0x2da: {  	_ = 	snop;
	(pc) =	sbr.rel .LBB2_41-.Ltmp22, $2  }
0x2db: {  	v1 =	vadd.f32 v1, v6;
	_ =	sdelay $0x1  }
0x2dc: {  	v1 =	vmul.f32 $9.765625000e-04, v1;
	_ =	sdelay $0x1  }
.LBB2_42:
0x2dd: {  	_ =	sfence.sel $0x180000  }
0x2de: {  	[bflag:$0x0] =	sbarrier.arrive $0xFFFF  }
0x2df: {  	p0 =	sne.s32 s0, $0x0;
	_ =	strace $0x90000047  }
0x2e0: {  	s0 =	sadd.s32 @!p0 $0x100000, s3;
	[bflag:$0x2] =	sbarrier.arrive $0xFFFF  }
0x2e1: {  	[sflag:s0] =	ssyncadd.tile.s32 @!p0 $0x1;
	_ =	shalt  }
.Lfunc_end2:
_tile_overlayer_lowered:
.L_overlay_start_2:
0x2e2: {  	(tag) =	ssettag $0x2  }
0x2e3: {  	s0 =	rddreg [dreg:$0x0];
	s2 =	stileid.u32  }
0x2e4: {  	s1 =	rddreg [dreg:$0x1];
	p0 =	sne.s32 s2, $0x0  }
0x2e5: {  	s3 =	rddreg [dreg:$0x2];
	[bflag:$0x3] =	sbarrier.arrive $0xFFFF;
	s2 =	simm.s32 @!p0 $0x1C01  }
0x2e6: {  	[timem:s3], [sflag:s2] =	dma.local @!p0 [hbm:s0], s1  }
0x2e7: {  	s0 =	simm.s32 @!p0 $0x1  }
0x2e8: {  	_ =	swait.ge @!p0 [sflag:s0], s1  }
0x2e9: {  	s1 =	ssub.s32 @!p0 $0x0, s1;
	[sflag:s0] =	ssyncset.done @!p0 $0x0  }
0x2ea: {  	[sflag:s0] =	ssyncadd.s32 @!p0 s1  }
0x2eb: {  	[bflag:$0x3] =	sbarrier.arrive $0xFFFF  }
0x2ec: {  	_ =	shalt  }

</sc_bundles>
